<compile_context>
chip_gen: v7x
topology: tpu7x:2x2x1
jax: 0.10.2.dev20260603
libtpu: 0.0.44.dev20260713+nightly
codegen_flags: <defaults>
</compile_context>

<pallas_src>
import functools

import jax
import jax.numpy as jnp
from jax import lax
from jax.experimental import pallas as pl
from jax.experimental.pallas import tpu as pltpu
from jax.experimental.pallas import tpu_sc as plsc

N = 10000
E = 320000
D = 128

NC = 2
NS = 16
NW = NC * NS
EPW = E // NW
C = 80
NCHUNK = EPW // C
NPAD = 10240
RPT = NPAD // NS
ZR = 80
DPT = NPAD // NS

_mesh = plsc.VectorSubcoreMesh(core_axis_name="c", subcore_axis_name="s")


def _seg_body(ht, src, dst, zrows, out, acc, src_v, dst_v, rows_v, stage, sem):
    c = lax.axis_index("c")
    s = lax.axis_index("s")
    wid = s * NC + c
    pltpu.sync_copy(zrows, stage)
    row0 = s * RPT
    for k in range(RPT // ZR):
        pltpu.sync_copy(stage, acc.at[pl.ds(row0 + k * ZR, ZR)])
    plsc.subcore_barrier()
    base = wid * EPW

    @pl.loop(0, NCHUNK)
    def _(i):
        off = base + i * C
        pltpu.sync_copy(src.at[pl.ds(off, C)], src_v)
        pltpu.sync_copy(dst.at[pl.ds(off, C)], dst_v)
        pltpu.async_copy(ht.at[src_v], rows_v, sem).wait()
        pltpu.sync_copy(rows_v, acc.at[dst_v], add=True)

    plsc.subcore_barrier()

    @pl.when(s < NS - 1)
    def _():
        for k in range(RPT // ZR):
            pltpu.sync_copy(acc.at[pl.ds(row0 + k * ZR, ZR)], stage)
            pltpu.sync_copy(stage, out.at[c, pl.ds(row0 + k * ZR, ZR)])

    @pl.when(s == NS - 1)
    def _():
        for k in range((N - (NS - 1) * RPT) // ZR):
            pltpu.sync_copy(acc.at[pl.ds(row0 + k * ZR, ZR)], stage)
            pltpu.sync_copy(stage, out.at[c, pl.ds(row0 + k * ZR, ZR)])


_sc_segsum = functools.partial(
    pl.kernel,
    out_type=jax.ShapeDtypeStruct((NC, N, D), jnp.float32),
    mesh=_mesh,
    scratch_types=[
        pltpu.VMEM_SHARED((NPAD, D), jnp.float32),
        pltpu.VMEM((C,), jnp.int32),
        pltpu.VMEM((C,), jnp.int32),
        pltpu.VMEM((C, D), jnp.float32),
        pltpu.VMEM((ZR, D), jnp.float32),
        pltpu.SemaphoreType.DMA,
    ],
)(_seg_body)


def _deg_body(dst, out, acc, dst_v, ones_v, stage):
    c = lax.axis_index("c")
    s = lax.axis_index("s")
    wid = s * NC + c
    @pl.loop(0, DPT // 16)
    def _(i):
        stage[pl.ds(i * 16, 16)] = jnp.zeros((16,), jnp.float32)

    for j in range(C // 16):
        ones_v[pl.ds(j * 16, 16)] = jnp.ones((16,), jnp.float32)
    pltpu.sync_copy(stage, acc.at[pl.ds(s * DPT, DPT)])
    plsc.subcore_barrier()
    base = wid * EPW

    @pl.loop(0, NCHUNK)
    def _(i):
        pltpu.sync_copy(dst.at[pl.ds(base + i * C, C)], dst_v)
        pltpu.sync_copy(ones_v, acc.at[dst_v], add=True)

    plsc.subcore_barrier()
    n0 = s * DPT
    ntail = N - (NS - 1) * DPT

    @pl.when(s < NS - 1)
    def _():
        pltpu.sync_copy(acc.at[pl.ds(n0, DPT)], stage)
        pltpu.sync_copy(stage, out.at[pl.ds(c * N + n0, DPT)])

    @pl.when(s == NS - 1)
    def _():
        pltpu.sync_copy(acc.at[pl.ds(n0, ntail)], stage.at[pl.ds(0, ntail)])
        pltpu.sync_copy(stage.at[pl.ds(0, ntail)], out.at[pl.ds(c * N + n0, ntail)])


_sc_degree = functools.partial(
    pl.kernel,
    out_type=jax.ShapeDtypeStruct((NC * N,), jnp.float32),
    mesh=_mesh,
    scratch_types=[
        pltpu.VMEM_SHARED((NPAD,), jnp.float32),
        pltpu.VMEM((C,), jnp.int32),
        pltpu.VMEM((C,), jnp.float32),
        pltpu.VMEM((DPT,), jnp.float32),
    ],
)(_deg_body)


BN = 1000
GRID = N // BN

_row = pl.BlockSpec((BN, D), lambda i: (i, 0))
_col = pl.BlockSpec((BN, 1), lambda i: (i, 0))
_vec = pl.BlockSpec((1, D), lambda i: (0, 0))
_mat = pl.BlockSpec((D, D), lambda i: (0, 0))


def _tc1_body(x, W0, L0W, L0b, degA, degB, dinv_o, ht0_o, r0_o):
    deg = degA[...] + degB[...] + 1.0
    dinv = lax.rsqrt(deg)
    dinv_o[...] = dinv
    xv = x[...]
    h = jnp.dot(xv, W0[...], preferred_element_type=jnp.float32)
    ht0_o[...] = h * dinv
    r0_o[...] = jnp.dot(xv, L0W[...], preferred_element_type=jnp.float32) + L0b[...]


_tc1 = pl.pallas_call(
    _tc1_body,
    grid=(GRID,),
    in_specs=[_row, _mat, _mat, _vec, _col, _col],
    out_specs=[_col, _row, _row],
    out_shape=[
        jax.ShapeDtypeStruct((N, 1), jnp.float32),
        jax.ShapeDtypeStruct((N, D), jnp.float32),
        jax.ShapeDtypeStruct((N, D), jnp.float32),
    ],
)


def _ln_relu(y, g, be):
    mu = jnp.mean(y, axis=-1, keepdims=True)
    yc = y - mu
    var = jnp.mean(yc * yc, axis=-1, keepdims=True)
    return jax.nn.relu(yc * lax.rsqrt(var + 1e-5) * g + be)


def _tc2_body(accA, accB, ht0, dinv, r0, b0, g0, be0, W1, L1W, L1b, ht1_o, r1_o):
    dv = dinv[...]
    y = dv * (accA[...] + accB[...] + ht0[...]) + b0[...] + r0[...]
    h = _ln_relu(y, g0[...], be0[...])
    ht1_o[...] = jnp.dot(h, W1[...], preferred_element_type=jnp.float32) * dv
    r1_o[...] = jnp.dot(h, L1W[...], preferred_element_type=jnp.float32) + L1b[...]


_tc2 = pl.pallas_call(
    _tc2_body,
    grid=(GRID,),
    in_specs=[_row, _row, _row, _col, _row, _vec, _vec, _vec, _mat, _mat, _vec],
    out_specs=[_row, _row],
    out_shape=[
        jax.ShapeDtypeStruct((N, D), jnp.float32),
        jax.ShapeDtypeStruct((N, D), jnp.float32),
    ],
)


def _tc3_body(accA, accB, ht1, dinv, r1, b1, g1, be1, out_o):
    y = dinv[...] * (accA[...] + accB[...] + ht1[...]) + b1[...] + r1[...]
    out_o[...] = _ln_relu(y, g1[...], be1[...])


_tc3 = pl.pallas_call(
    _tc3_body,
    grid=(GRID,),
    in_specs=[_row, _row, _row, _col, _row, _vec, _vec, _vec],
    out_specs=_row,
    out_shape=jax.ShapeDtypeStruct((N, D), jnp.float32),
)


def kernel(x, edge_index, W0, b0, L0W, L0b, g0, be0, W1, b1, L1W, L1b, g1, be1):
    src = edge_index[0]
    dst = edge_index[1]
    zrows = jnp.zeros((ZR, D), jnp.float32)

    degp = _sc_degree(dst)
    degA = degp[:N].reshape(N, 1)
    degB = degp[N:].reshape(N, 1)
    dinv, ht0, r0 = _tc1(x, W0, L0W, L0b.reshape(1, D), degA, degB)

    acc0 = _sc_segsum(ht0, src, dst, zrows)
    ht1, r1 = _tc2(
        acc0[0], acc0[1], ht0, dinv, r0,
        b0.reshape(1, D), g0.reshape(1, D), be0.reshape(1, D),
        W1, L1W, L1b.reshape(1, D),
    )

    acc1 = _sc_segsum(ht1, src, dst, zrows)
    out = _tc3(
        acc1[0], acc1[1], ht1, dinv, r1,
        b1.reshape(1, D), g1.reshape(1, D), be1.reshape(1, D),
    )
    return out

# --- scband reference (transcript-rebuilt; emitter-appended) ---
"""Pipeline reference for scband-mpnns-24266565222959 (READ-ONLY COPY).

The authoritative reference and input builder live on the scoring server;
editing this copy changes nothing except your own understanding.
"""

import jax, jax.numpy as jnp
import numpy as np

N = 10000
E = 320000
D = 128


def setup_inputs(seed: int = 0) -> dict:
    key = jax.random.key(seed)
    ks = jax.random.split(key, 16)
    x = jax.random.normal(ks[0], (N, D), dtype=jnp.float32)
    edge_index = jax.random.randint(ks[1], (2, E), 0, N).astype(jnp.int32)
    s = 1.0 / np.sqrt(D)
    inp = {"x": x, "edge_index": edge_index}
    # layer 0: GCNConv weight/bias, residual Linear, LayerNorm
    inp["W0"] = jax.random.uniform(ks[2], (D, D), jnp.float32, -s, s)
    inp["b0"] = jnp.zeros((D,), jnp.float32)
    inp["L0W"] = jax.random.uniform(ks[3], (D, D), jnp.float32, -s, s)
    inp["L0b"] = jax.random.uniform(ks[4], (D,), jnp.float32, -s, s)
    inp["g0"] = jnp.ones((D,), jnp.float32)
    inp["be0"] = jnp.zeros((D,), jnp.float32)
    # layer 1
    inp["W1"] = jax.random.uniform(ks[5], (D, D), jnp.float32, -s, s)
    inp["b1"] = jnp.zeros((D,), jnp.float32)
    inp["L1W"] = jax.random.uniform(ks[6], (D, D), jnp.float32, -s, s)
    inp["L1b"] = jax.random.uniform(ks[7], (D,), jnp.float32, -s, s)
    inp["g1"] = jnp.ones((D,), jnp.float32)
    inp["be1"] = jnp.zeros((D,), jnp.float32)
    return inp


def _gcn_conv(x, edge_index, W, b):
    # PyG GCNConv: linear transform, add self-loops, symmetric normalization, scatter-add
    n = x.shape[0]
    loop = jnp.arange(n, dtype=edge_index.dtype)
    src = jnp.concatenate([edge_index[0], loop])
    dst = jnp.concatenate([edge_index[1], loop])
    deg = jax.ops.segment_sum(jnp.ones_like(src, dtype=x.dtype), dst, num_segments=n)
    dinv = jnp.where(deg > 0, 1.0 / jnp.sqrt(deg), 0.0)
    norm = dinv[src] * dinv[dst]
    h = x @ W
    msg = h[src] * norm[:, None]
    out = jax.ops.segment_sum(msg, dst, num_segments=n)
    return out + b


def _layer_norm(x, g, b, eps=1e-5):
    mu = jnp.mean(x, axis=-1, keepdims=True)
    var = jnp.mean((x - mu) ** 2, axis=-1, keepdims=True)
    return (x - mu) / jnp.sqrt(var + eps) * g + b


def reference(x, edge_index, W0, b0, L0W, L0b, g0, be0, W1, b1, L1W, L1b, g1, be1):
    # MPNNs.forward with pre_linear=False, res=True, ln=True, jk=False, dropout inactive (eval)
    h = _gcn_conv(x, edge_index, W0, b0) + (x @ L0W + L0b)
    h = jax.nn.relu(_layer_norm(h, g0, be0))
    h = _gcn_conv(h, edge_index, W1, b1) + (h @ L1W + L1b)
    h = jax.nn.relu(_layer_norm(h, g1, be1))
    return h

if __name__ == "__main__":
    import jax
    _d = setup_inputs()
    print(jax.jit(kernel)(*tuple(_d.values())))

</pallas_src>

<mosaic_0001>
#map = affine_map<(d0, d1) -> (0, 0)>
#map1 = affine_map<(d0, d1) -> (0)>
#map2 = affine_map<(d0, d1) -> (0, 0, 0)>
module attributes {stable_mosaic.version = 14 : i64} {
  func.func @_seg_body(%arg0: i32, %arg1: i32, %arg2: memref<10000x128xf32, #tpu.memory_space<hbm>>, %arg3: memref<320000xi32, #tpu.memory_space<hbm>>, %arg4: memref<320000xi32, #tpu.memory_space<hbm>>, %arg5: memref<80x128xf32, #tpu.memory_space<hbm>>, %arg6: memref<2x10000x128xf32, #tpu.memory_space<hbm>>, %arg7: memref<10240x128xf32, #tpu.memory_space<vmem_shared>>, %arg8: memref<80xi32, #tpu.memory_space<vmem>>, %arg9: memref<80xi32, #tpu.memory_space<vmem>>, %arg10: memref<80x128xf32, #tpu.memory_space<vmem>>, %arg11: memref<80x128xf32, #tpu.memory_space<vmem>>, %arg12: memref<!tpu.dma_semaphore, #tpu.memory_space<semaphore_mem>>) attributes {dimension_semantics = [#tpu.dimension_semantics<core_parallel>, #tpu.dimension_semantics<subcore_parallel>], iteration_bounds = array<i64: 2, 16>, scalar_prefetch = 0 : i64, scratch_operands = 6 : i64, tpu.core_type = #tpu.core_type<sc_vector_subcore>, window_params = [{transform_indices = #map}, {transform_indices = #map1}, {transform_indices = #map1}, {transform_indices = #map}, {transform_indices = #map2}]} {
    %mul3A = arith.constant 2 : i32
    %mul3A_0 = arith.muli %arg1, %mul3A : i32
    %add3A = arith.addi %mul3A_0, %arg0 : i32
    "tpu.region"() ({
      %run_scoped3A = tpu.sem_alloc : memref<!tpu.dma_semaphore, #tpu.memory_space<semaphore_mem>>
      tpu.enqueue_dma source(%arg5 : memref<80x128xf32, #tpu.memory_space<hbm>>) target(%arg11 : memref<80x128xf32, #tpu.memory_space<vmem>>) target_semaphore(%run_scoped3A : memref<!tpu.dma_semaphore, #tpu.memory_space<semaphore_mem>>)
      tpu.wait_dma2 semaphore(%run_scoped3A : memref<!tpu.dma_semaphore, #tpu.memory_space<semaphore_mem>>) src(%arg5 : memref<80x128xf32, #tpu.memory_space<hbm>>) dst(%arg11 : memref<80x128xf32, #tpu.memory_space<vmem>>)
      tpu.yield
    }) : () -> ()
    %mul3A_1 = arith.constant 640 : i32
    %mul3A_2 = arith.muli %arg1, %mul3A_1 : i32
    %add3A_3 = arith.constant 0 : i32
    %add3A_4 = arith.addi %mul3A_2, %add3A_3 : i32
    "tpu.region"() ({
      %run_scoped3A = tpu.sem_alloc : memref<!tpu.dma_semaphore, #tpu.memory_space<semaphore_mem>>
      %dma_start3A = arith.constant 0 : i32
      %dma_start3A_32 = tpu.memref_slice %arg7[%add3A_4, %dma_start3A] : memref<10240x128xf32, #tpu.memory_space<vmem_shared>> -> memref<80x128xf32, #tpu.memory_space<vmem_shared>>
      %dma_start3A_33 = arith.constant 0 : i32
      %dma_start3A_34 = tpu.memref_slice %arg7[%add3A_4, %dma_start3A_33] : memref<10240x128xf32, #tpu.memory_space<vmem_shared>> -> memref<80x128xf32, #tpu.memory_space<vmem_shared>>
      tpu.enqueue_dma source(%arg11 : memref<80x128xf32, #tpu.memory_space<vmem>>) target(%dma_start3A_34 : memref<80x128xf32, #tpu.memory_space<vmem_shared>>) target_semaphore(%run_scoped3A : memref<!tpu.dma_semaphore, #tpu.memory_space<semaphore_mem>>)
      %dma_wait3A = arith.constant 0 : i32
      %dma_wait3A_35 = tpu.memref_slice %arg7[%add3A_4, %dma_wait3A] : memref<10240x128xf32, #tpu.memory_space<vmem_shared>> -> memref<80x128xf32, #tpu.memory_space<vmem_shared>>
      %dma_wait3A_36 = arith.constant 0 : i32
      %dma_wait3A_37 = tpu.memref_slice %arg7[%add3A_4, %dma_wait3A_36] : memref<10240x128xf32, #tpu.memory_space<vmem_shared>> -> memref<80x128xf32, #tpu.memory_space<vmem_shared>>
      tpu.wait_dma2 semaphore(%run_scoped3A : memref<!tpu.dma_semaphore, #tpu.memory_space<semaphore_mem>>) src(%arg11 : memref<80x128xf32, #tpu.memory_space<vmem>>) dst(%dma_wait3A_37 : memref<80x128xf32, #tpu.memory_space<vmem_shared>>)
      tpu.yield
    }) : () -> ()
    %add3A_5 = arith.constant 80 : i32
    %add3A_6 = arith.addi %mul3A_2, %add3A_5 : i32
    "tpu.region"() ({
      %run_scoped3A = tpu.sem_alloc : memref<!tpu.dma_semaphore, #tpu.memory_space<semaphore_mem>>
      %dma_start3A = arith.constant 0 : i32
      %dma_start3A_32 = tpu.memref_slice %arg7[%add3A_6, %dma_start3A] : memref<10240x128xf32, #tpu.memory_space<vmem_shared>> -> memref<80x128xf32, #tpu.memory_space<vmem_shared>>
      %dma_start3A_33 = arith.constant 0 : i32
      %dma_start3A_34 = tpu.memref_slice %arg7[%add3A_6, %dma_start3A_33] : memref<10240x128xf32, #tpu.memory_space<vmem_shared>> -> memref<80x128xf32, #tpu.memory_space<vmem_shared>>
      tpu.enqueue_dma source(%arg11 : memref<80x128xf32, #tpu.memory_space<vmem>>) target(%dma_start3A_34 : memref<80x128xf32, #tpu.memory_space<vmem_shared>>) target_semaphore(%run_scoped3A : memref<!tpu.dma_semaphore, #tpu.memory_space<semaphore_mem>>)
      %dma_wait3A = arith.constant 0 : i32
      %dma_wait3A_35 = tpu.memref_slice %arg7[%add3A_6, %dma_wait3A] : memref<10240x128xf32, #tpu.memory_space<vmem_shared>> -> memref<80x128xf32, #tpu.memory_space<vmem_shared>>
      %dma_wait3A_36 = arith.constant 0 : i32
      %dma_wait3A_37 = tpu.memref_slice %arg7[%add3A_6, %dma_wait3A_36] : memref<10240x128xf32, #tpu.memory_space<vmem_shared>> -> memref<80x128xf32, #tpu.memory_space<vmem_shared>>
      tpu.wait_dma2 semaphore(%run_scoped3A : memref<!tpu.dma_semaphore, #tpu.memory_space<semaphore_mem>>) src(%arg11 : memref<80x128xf32, #tpu.memory_space<vmem>>) dst(%dma_wait3A_37 : memref<80x128xf32, #tpu.memory_space<vmem_shared>>)
      tpu.yield
    }) : () -> ()
    %add3A_7 = arith.constant 160 : i32
    %add3A_8 = arith.addi %mul3A_2, %add3A_7 : i32
    "tpu.region"() ({
      %run_scoped3A = tpu.sem_alloc : memref<!tpu.dma_semaphore, #tpu.memory_space<semaphore_mem>>
      %dma_start3A = arith.constant 0 : i32
      %dma_start3A_32 = tpu.memref_slice %arg7[%add3A_8, %dma_start3A] : memref<10240x128xf32, #tpu.memory_space<vmem_shared>> -> memref<80x128xf32, #tpu.memory_space<vmem_shared>>
      %dma_start3A_33 = arith.constant 0 : i32
      %dma_start3A_34 = tpu.memref_slice %arg7[%add3A_8, %dma_start3A_33] : memref<10240x128xf32, #tpu.memory_space<vmem_shared>> -> memref<80x128xf32, #tpu.memory_space<vmem_shared>>
      tpu.enqueue_dma source(%arg11 : memref<80x128xf32, #tpu.memory_space<vmem>>) target(%dma_start3A_34 : memref<80x128xf32, #tpu.memory_space<vmem_shared>>) target_semaphore(%run_scoped3A : memref<!tpu.dma_semaphore, #tpu.memory_space<semaphore_mem>>)
      %dma_wait3A = arith.constant 0 : i32
      %dma_wait3A_35 = tpu.memref_slice %arg7[%add3A_8, %dma_wait3A] : memref<10240x128xf32, #tpu.memory_space<vmem_shared>> -> memref<80x128xf32, #tpu.memory_space<vmem_shared>>
      %dma_wait3A_36 = arith.constant 0 : i32
      %dma_wait3A_37 = tpu.memref_slice %arg7[%add3A_8, %dma_wait3A_36] : memref<10240x128xf32, #tpu.memory_space<vmem_shared>> -> memref<80x128xf32, #tpu.memory_space<vmem_shared>>
      tpu.wait_dma2 semaphore(%run_scoped3A : memref<!tpu.dma_semaphore, #tpu.memory_space<semaphore_mem>>) src(%arg11 : memref<80x128xf32, #tpu.memory_space<vmem>>) dst(%dma_wait3A_37 : memref<80x128xf32, #tpu.memory_space<vmem_shared>>)
      tpu.yield
    }) : () -> ()
    %add3A_9 = arith.constant 240 : i32
    %add3A_10 = arith.addi %mul3A_2, %add3A_9 : i32
    "tpu.region"() ({
      %run_scoped3A = tpu.sem_alloc : memref<!tpu.dma_semaphore, #tpu.memory_space<semaphore_mem>>
      %dma_start3A = arith.constant 0 : i32
      %dma_start3A_32 = tpu.memref_slice %arg7[%add3A_10, %dma_start3A] : memref<10240x128xf32, #tpu.memory_space<vmem_shared>> -> memref<80x128xf32, #tpu.memory_space<vmem_shared>>
      %dma_start3A_33 = arith.constant 0 : i32
      %dma_start3A_34 = tpu.memref_slice %arg7[%add3A_10, %dma_start3A_33] : memref<10240x128xf32, #tpu.memory_space<vmem_shared>> -> memref<80x128xf32, #tpu.memory_space<vmem_shared>>
      tpu.enqueue_dma source(%arg11 : memref<80x128xf32, #tpu.memory_space<vmem>>) target(%dma_start3A_34 : memref<80x128xf32, #tpu.memory_space<vmem_shared>>) target_semaphore(%run_scoped3A : memref<!tpu.dma_semaphore, #tpu.memory_space<semaphore_mem>>)
      %dma_wait3A = arith.constant 0 : i32
      %dma_wait3A_35 = tpu.memref_slice %arg7[%add3A_10, %dma_wait3A] : memref<10240x128xf32, #tpu.memory_space<vmem_shared>> -> memref<80x128xf32, #tpu.memory_space<vmem_shared>>
      %dma_wait3A_36 = arith.constant 0 : i32
      %dma_wait3A_37 = tpu.memref_slice %arg7[%add3A_10, %dma_wait3A_36] : memref<10240x128xf32, #tpu.memory_space<vmem_shared>> -> memref<80x128xf32, #tpu.memory_space<vmem_shared>>
      tpu.wait_dma2 semaphore(%run_scoped3A : memref<!tpu.dma_semaphore, #tpu.memory_space<semaphore_mem>>) src(%arg11 : memref<80x128xf32, #tpu.memory_space<vmem>>) dst(%dma_wait3A_37 : memref<80x128xf32, #tpu.memory_space<vmem_shared>>)
      tpu.yield
    }) : () -> ()
    %add3A_11 = arith.constant 320 : i32
    %add3A_12 = arith.addi %mul3A_2, %add3A_11 : i32
    "tpu.region"() ({
      %run_scoped3A = tpu.sem_alloc : memref<!tpu.dma_semaphore, #tpu.memory_space<semaphore_mem>>
      %dma_start3A = arith.constant 0 : i32
      %dma_start3A_32 = tpu.memref_slice %arg7[%add3A_12, %dma_start3A] : memref<10240x128xf32, #tpu.memory_space<vmem_shared>> -> memref<80x128xf32, #tpu.memory_space<vmem_shared>>
      %dma_start3A_33 = arith.constant 0 : i32
      %dma_start3A_34 = tpu.memref_slice %arg7[%add3A_12, %dma_start3A_33] : memref<10240x128xf32, #tpu.memory_space<vmem_shared>> -> memref<80x128xf32, #tpu.memory_space<vmem_shared>>
      tpu.enqueue_dma source(%arg11 : memref<80x128xf32, #tpu.memory_space<vmem>>) target(%dma_start3A_34 : memref<80x128xf32, #tpu.memory_space<vmem_shared>>) target_semaphore(%run_scoped3A : memref<!tpu.dma_semaphore, #tpu.memory_space<semaphore_mem>>)
      %dma_wait3A = arith.constant 0 : i32
      %dma_wait3A_35 = tpu.memref_slice %arg7[%add3A_12, %dma_wait3A] : memref<10240x128xf32, #tpu.memory_space<vmem_shared>> -> memref<80x128xf32, #tpu.memory_space<vmem_shared>>
      %dma_wait3A_36 = arith.constant 0 : i32
      %dma_wait3A_37 = tpu.memref_slice %arg7[%add3A_12, %dma_wait3A_36] : memref<10240x128xf32, #tpu.memory_space<vmem_shared>> -> memref<80x128xf32, #tpu.memory_space<vmem_shared>>
      tpu.wait_dma2 semaphore(%run_scoped3A : memref<!tpu.dma_semaphore, #tpu.memory_space<semaphore_mem>>) src(%arg11 : memref<80x128xf32, #tpu.memory_space<vmem>>) dst(%dma_wait3A_37 : memref<80x128xf32, #tpu.memory_space<vmem_shared>>)
      tpu.yield
    }) : () -> ()
    %add3A_13 = arith.constant 400 : i32
    %add3A_14 = arith.addi %mul3A_2, %add3A_13 : i32
    "tpu.region"() ({
      %run_scoped3A = tpu.sem_alloc : memref<!tpu.dma_semaphore, #tpu.memory_space<semaphore_mem>>
      %dma_start3A = arith.constant 0 : i32
      %dma_start3A_32 = tpu.memref_slice %arg7[%add3A_14, %dma_start3A] : memref<10240x128xf32, #tpu.memory_space<vmem_shared>> -> memref<80x128xf32, #tpu.memory_space<vmem_shared>>
      %dma_start3A_33 = arith.constant 0 : i32
      %dma_start3A_34 = tpu.memref_slice %arg7[%add3A_14, %dma_start3A_33] : memref<10240x128xf32, #tpu.memory_space<vmem_shared>> -> memref<80x128xf32, #tpu.memory_space<vmem_shared>>
      tpu.enqueue_dma source(%arg11 : memref<80x128xf32, #tpu.memory_space<vmem>>) target(%dma_start3A_34 : memref<80x128xf32, #tpu.memory_space<vmem_shared>>) target_semaphore(%run_scoped3A : memref<!tpu.dma_semaphore, #tpu.memory_space<semaphore_mem>>)
      %dma_wait3A = arith.constant 0 : i32
      %dma_wait3A_35 = tpu.memref_slice %arg7[%add3A_14, %dma_wait3A] : memref<10240x128xf32, #tpu.memory_space<vmem_shared>> -> memref<80x128xf32, #tpu.memory_space<vmem_shared>>
      %dma_wait3A_36 = arith.constant 0 : i32
      %dma_wait3A_37 = tpu.memref_slice %arg7[%add3A_14, %dma_wait3A_36] : memref<10240x128xf32, #tpu.memory_space<vmem_shared>> -> memref<80x128xf32, #tpu.memory_space<vmem_shared>>
      tpu.wait_dma2 semaphore(%run_scoped3A : memref<!tpu.dma_semaphore, #tpu.memory_space<semaphore_mem>>) src(%arg11 : memref<80x128xf32, #tpu.memory_space<vmem>>) dst(%dma_wait3A_37 : memref<80x128xf32, #tpu.memory_space<vmem_shared>>)
      tpu.yield
    }) : () -> ()
    %add3A_15 = arith.constant 480 : i32
    %add3A_16 = arith.addi %mul3A_2, %add3A_15 : i32
    "tpu.region"() ({
      %run_scoped3A = tpu.sem_alloc : memref<!tpu.dma_semaphore, #tpu.memory_space<semaphore_mem>>
      %dma_start3A = arith.constant 0 : i32
      %dma_start3A_32 = tpu.memref_slice %arg7[%add3A_16, %dma_start3A] : memref<10240x128xf32, #tpu.memory_space<vmem_shared>> -> memref<80x128xf32, #tpu.memory_space<vmem_shared>>
      %dma_start3A_33 = arith.constant 0 : i32
      %dma_start3A_34 = tpu.memref_slice %arg7[%add3A_16, %dma_start3A_33] : memref<10240x128xf32, #tpu.memory_space<vmem_shared>> -> memref<80x128xf32, #tpu.memory_space<vmem_shared>>
      tpu.enqueue_dma source(%arg11 : memref<80x128xf32, #tpu.memory_space<vmem>>) target(%dma_start3A_34 : memref<80x128xf32, #tpu.memory_space<vmem_shared>>) target_semaphore(%run_scoped3A : memref<!tpu.dma_semaphore, #tpu.memory_space<semaphore_mem>>)
      %dma_wait3A = arith.constant 0 : i32
      %dma_wait3A_35 = tpu.memref_slice %arg7[%add3A_16, %dma_wait3A] : memref<10240x128xf32, #tpu.memory_space<vmem_shared>> -> memref<80x128xf32, #tpu.memory_space<vmem_shared>>
      %dma_wait3A_36 = arith.constant 0 : i32
      %dma_wait3A_37 = tpu.memref_slice %arg7[%add3A_16, %dma_wait3A_36] : memref<10240x128xf32, #tpu.memory_space<vmem_shared>> -> memref<80x128xf32, #tpu.memory_space<vmem_shared>>
      tpu.wait_dma2 semaphore(%run_scoped3A : memref<!tpu.dma_semaphore, #tpu.memory_space<semaphore_mem>>) src(%arg11 : memref<80x128xf32, #tpu.memory_space<vmem>>) dst(%dma_wait3A_37 : memref<80x128xf32, #tpu.memory_space<vmem_shared>>)
      tpu.yield
    }) : () -> ()
    %add3A_17 = arith.constant 560 : i32
    %add3A_18 = arith.addi %mul3A_2, %add3A_17 : i32
    "tpu.region"() ({
      %run_scoped3A = tpu.sem_alloc : memref<!tpu.dma_semaphore, #tpu.memory_space<semaphore_mem>>
      %dma_start3A = arith.constant 0 : i32
      %dma_start3A_32 = tpu.memref_slice %arg7[%add3A_18, %dma_start3A] : memref<10240x128xf32, #tpu.memory_space<vmem_shared>> -> memref<80x128xf32, #tpu.memory_space<vmem_shared>>
      %dma_start3A_33 = arith.constant 0 : i32
      %dma_start3A_34 = tpu.memref_slice %arg7[%add3A_18, %dma_start3A_33] : memref<10240x128xf32, #tpu.memory_space<vmem_shared>> -> memref<80x128xf32, #tpu.memory_space<vmem_shared>>
      tpu.enqueue_dma source(%arg11 : memref<80x128xf32, #tpu.memory_space<vmem>>) target(%dma_start3A_34 : memref<80x128xf32, #tpu.memory_space<vmem_shared>>) target_semaphore(%run_scoped3A : memref<!tpu.dma_semaphore, #tpu.memory_space<semaphore_mem>>)
      %dma_wait3A = arith.constant 0 : i32
      %dma_wait3A_35 = tpu.memref_slice %arg7[%add3A_18, %dma_wait3A] : memref<10240x128xf32, #tpu.memory_space<vmem_shared>> -> memref<80x128xf32, #tpu.memory_space<vmem_shared>>
      %dma_wait3A_36 = arith.constant 0 : i32
      %dma_wait3A_37 = tpu.memref_slice %arg7[%add3A_18, %dma_wait3A_36] : memref<10240x128xf32, #tpu.memory_space<vmem_shared>> -> memref<80x128xf32, #tpu.memory_space<vmem_shared>>
      tpu.wait_dma2 semaphore(%run_scoped3A : memref<!tpu.dma_semaphore, #tpu.memory_space<semaphore_mem>>) src(%arg11 : memref<80x128xf32, #tpu.memory_space<vmem>>) dst(%dma_wait3A_37 : memref<80x128xf32, #tpu.memory_space<vmem_shared>>)
      tpu.yield
    }) : () -> ()
    %barrier3A = arith.constant 0 : index
    tpu.barrier barrier_id(%barrier3A)
    %mul3A_19 = arith.constant 10000 : i32
    %mul3A_20 = arith.muli %add3A, %mul3A_19 : i32
    %scan3A = arith.constant 0 : i32
    %scan3A_21 = arith.constant 125 : i32
    %scan3A_22 = arith.addi %scan3A, %scan3A_21 : i32
    %scan3A_23 = arith.constant 1 : i32
    scf.for %scan3A_32 = %scan3A to %scan3A_22 step %scan3A_23  : i32 {
      %mul3A_33 = arith.constant 1 : i32
      %mul3A_34 = arith.muli %scan3A_32, %mul3A_33 : i32
      %add3A_35 = arith.constant 0 : i32
      %add3A_36 = arith.addi %add3A_35, %mul3A_34 : i32
      %mul3A_37 = arith.constant 80 : i32
      %mul3A_38 = arith.muli %add3A_36, %mul3A_37 : i32
      %add3A_39 = arith.addi %mul3A_20, %mul3A_38 : i32
      "tpu.region"() ({
        %run_scoped3A = tpu.sem_alloc : memref<!tpu.dma_semaphore, #tpu.memory_space<semaphore_mem>>
        %dma_start3A_44 = tpu.memref_slice %arg3[%add3A_39] : memref<320000xi32, #tpu.memory_space<hbm>> -> memref<80xi32, #tpu.memory_space<hbm>>
        %dma_start3A_45 = tpu.memref_slice %arg3[%add3A_39] : memref<320000xi32, #tpu.memory_space<hbm>> -> memref<80xi32, #tpu.memory_space<hbm>>
        tpu.enqueue_dma source(%dma_start3A_45 : memref<80xi32, #tpu.memory_space<hbm>>) target(%arg8 : memref<80xi32, #tpu.memory_space<vmem>>) target_semaphore(%run_scoped3A : memref<!tpu.dma_semaphore, #tpu.memory_space<semaphore_mem>>)
        %dma_wait3A_46 = tpu.memref_slice %arg3[%add3A_39] : memref<320000xi32, #tpu.memory_space<hbm>> -> memref<80xi32, #tpu.memory_space<hbm>>
        %dma_wait3A_47 = tpu.memref_slice %arg3[%add3A_39] : memref<320000xi32, #tpu.memory_space<hbm>> -> memref<80xi32, #tpu.memory_space<hbm>>
        tpu.wait_dma2 semaphore(%run_scoped3A : memref<!tpu.dma_semaphore, #tpu.memory_space<semaphore_mem>>) src(%dma_wait3A_47 : memref<80xi32, #tpu.memory_space<hbm>>) dst(%arg8 : memref<80xi32, #tpu.memory_space<vmem>>)
        tpu.yield
      }) : () -> ()
      "tpu.region"() ({
        %run_scoped3A = tpu.sem_alloc : memref<!tpu.dma_semaphore, #tpu.memory_space<semaphore_mem>>
        %dma_start3A_44 = tpu.memref_slice %arg4[%add3A_39] : memref<320000xi32, #tpu.memory_space<hbm>> -> memref<80xi32, #tpu.memory_space<hbm>>
        %dma_start3A_45 = tpu.memref_slice %arg4[%add3A_39] : memref<320000xi32, #tpu.memory_space<hbm>> -> memref<80xi32, #tpu.memory_space<hbm>>
        tpu.enqueue_dma source(%dma_start3A_45 : memref<80xi32, #tpu.memory_space<hbm>>) target(%arg9 : memref<80xi32, #tpu.memory_space<vmem>>) target_semaphore(%run_scoped3A : memref<!tpu.dma_semaphore, #tpu.memory_space<semaphore_mem>>)
        %dma_wait3A_46 = tpu.memref_slice %arg4[%add3A_39] : memref<320000xi32, #tpu.memory_space<hbm>> -> memref<80xi32, #tpu.memory_space<hbm>>
        %dma_wait3A_47 = tpu.memref_slice %arg4[%add3A_39] : memref<320000xi32, #tpu.memory_space<hbm>> -> memref<80xi32, #tpu.memory_space<hbm>>
        tpu.wait_dma2 semaphore(%run_scoped3A : memref<!tpu.dma_semaphore, #tpu.memory_space<semaphore_mem>>) src(%dma_wait3A_47 : memref<80xi32, #tpu.memory_space<hbm>>) dst(%arg9 : memref<80xi32, #tpu.memory_space<vmem>>)
        tpu.yield
      }) : () -> ()
      %dma_start3A = arith.constant 0 : i32
      %dma_start3A_40 = arith.constant 0 : i32
      %dma_start3A_41 = tpu.memref_slice %arg2[%dma_start3A, %dma_start3A_40] : memref<10000x128xf32, #tpu.memory_space<hbm>> -> memref<10000x128xf32, #tpu.memory_space<hbm>>
      tpu.enqueue_indirect_dma source(%dma_start3A_41 : memref<10000x128xf32, #tpu.memory_space<hbm>>) target(%arg10 : memref<80x128xf32, #tpu.memory_space<vmem>>) offsets(%arg8 : memref<80xi32, #tpu.memory_space<vmem>>) semaphore(%arg12 : memref<!tpu.dma_semaphore, #tpu.memory_space<semaphore_mem>>)
      %dma_wait3A = arith.constant 0 : i32
      %dma_wait3A_42 = arith.constant 0 : i32
      %dma_wait3A_43 = tpu.memref_slice %arg2[%dma_wait3A, %dma_wait3A_42] : memref<10000x128xf32, #tpu.memory_space<hbm>> -> memref<10000x128xf32, #tpu.memory_space<hbm>>
      tpu.wait_indirect_dma semaphore(%arg12 : memref<!tpu.dma_semaphore, #tpu.memory_space<semaphore_mem>>) src(%dma_wait3A_43 : memref<10000x128xf32, #tpu.memory_space<hbm>>) dst(%arg10 : memref<80x128xf32, #tpu.memory_space<vmem>>)
      "tpu.region"() ({
        %run_scoped3A = tpu.sem_alloc : memref<!tpu.dma_semaphore, #tpu.memory_space<semaphore_mem>>
        %dma_start3A_44 = arith.constant 0 : i32
        %dma_start3A_45 = arith.constant 0 : i32
        %dma_start3A_46 = tpu.memref_slice %arg7[%dma_start3A_44, %dma_start3A_45] : memref<10240x128xf32, #tpu.memory_space<vmem_shared>> -> memref<10240x128xf32, #tpu.memory_space<vmem_shared>>
        tpu.enqueue_indirect_dma source(%arg10 : memref<80x128xf32, #tpu.memory_space<vmem>>) target(%dma_start3A_46 : memref<10240x128xf32, #tpu.memory_space<vmem_shared>>) offsets(%arg9 : memref<80xi32, #tpu.memory_space<vmem>>) semaphore(%run_scoped3A : memref<!tpu.dma_semaphore, #tpu.memory_space<semaphore_mem>>) {add = true}
        %dma_wait3A_47 = arith.constant 0 : i32
        %dma_wait3A_48 = arith.constant 0 : i32
        %dma_wait3A_49 = tpu.memref_slice %arg7[%dma_wait3A_47, %dma_wait3A_48] : memref<10240x128xf32, #tpu.memory_space<vmem_shared>> -> memref<10240x128xf32, #tpu.memory_space<vmem_shared>>
        tpu.wait_indirect_dma semaphore(%run_scoped3A : memref<!tpu.dma_semaphore, #tpu.memory_space<semaphore_mem>>) src(%arg10 : memref<80x128xf32, #tpu.memory_space<vmem>>) dst(%dma_wait3A_49 : memref<10240x128xf32, #tpu.memory_space<vmem_shared>>)
        tpu.yield
      }) : () -> ()
    }
    %scan3A_24 = arith.constant 125 : i32
    %barrier3A_25 = arith.constant 0 : index
    tpu.barrier barrier_id(%barrier3A_25)
    %lt3A = arith.constant 15 : i32
    %lt3A_26 = arith.cmpi slt, %arg1, %lt3A : i32
    %convert_element_type3A = arith.extui %lt3A_26 : i1 to i32
    %cond3A = arith.constant 0 : i32
    %cond3A_27 = arith.cmpi ne, %convert_element_type3A, %cond3A : i32
    scf.if %cond3A_27 {
      %add3A_32 = arith.constant 0 : i32
      %add3A_33 = arith.addi %mul3A_2, %add3A_32 : i32
      "tpu.region"() ({
        %run_scoped3A = tpu.sem_alloc : memref<!tpu.dma_semaphore, #tpu.memory_space<semaphore_mem>>
        %dma_start3A = arith.constant 0 : i32
        %dma_start3A_64 = tpu.memref_slice %arg7[%add3A_33, %dma_start3A] : memref<10240x128xf32, #tpu.memory_space<vmem_shared>> -> memref<80x128xf32, #tpu.memory_space<vmem_shared>>
        %dma_start3A_65 = arith.constant 0 : i32
        %dma_start3A_66 = tpu.memref_slice %arg7[%add3A_33, %dma_start3A_65] : memref<10240x128xf32, #tpu.memory_space<vmem_shared>> -> memref<80x128xf32, #tpu.memory_space<vmem_shared>>
        tpu.enqueue_dma source(%dma_start3A_66 : memref<80x128xf32, #tpu.memory_space<vmem_shared>>) target(%arg11 : memref<80x128xf32, #tpu.memory_space<vmem>>) target_semaphore(%run_scoped3A : memref<!tpu.dma_semaphore, #tpu.memory_space<semaphore_mem>>)
        %dma_wait3A = arith.constant 0 : i32
        %dma_wait3A_67 = tpu.memref_slice %arg7[%add3A_33, %dma_wait3A] : memref<10240x128xf32, #tpu.memory_space<vmem_shared>> -> memref<80x128xf32, #tpu.memory_space<vmem_shared>>
        %dma_wait3A_68 = arith.constant 0 : i32
        %dma_wait3A_69 = tpu.memref_slice %arg7[%add3A_33, %dma_wait3A_68] : memref<10240x128xf32, #tpu.memory_space<vmem_shared>> -> memref<80x128xf32, #tpu.memory_space<vmem_shared>>
        tpu.wait_dma2 semaphore(%run_scoped3A : memref<!tpu.dma_semaphore, #tpu.memory_space<semaphore_mem>>) src(%dma_wait3A_69 : memref<80x128xf32, #tpu.memory_space<vmem_shared>>) dst(%arg11 : memref<80x128xf32, #tpu.memory_space<vmem>>)
        tpu.yield
      }) : () -> ()
      %add3A_34 = arith.constant 0 : i32
      %add3A_35 = arith.addi %mul3A_2, %add3A_34 : i32
      "tpu.region"() ({
        %run_scoped3A = tpu.sem_alloc : memref<!tpu.dma_semaphore, #tpu.memory_space<semaphore_mem>>
        %dma_start3A = arith.constant 0 : i32
        %dma_start3A_64 = tpu.memref_slice %arg6[%arg0, %add3A_35, %dma_start3A] : memref<2x10000x128xf32, #tpu.memory_space<hbm>> -> memref<1x80x128xf32, #tpu.memory_space<hbm>>
        %dma_start3A_65 = tpu.memref_squeeze %dma_start3A_64 : memref<1x80x128xf32, #tpu.memory_space<hbm>> -> memref<80x128xf32, #tpu.memory_space<hbm>>
        %dma_start3A_66 = arith.constant 0 : i32
        %dma_start3A_67 = tpu.memref_slice %arg6[%arg0, %add3A_35, %dma_start3A_66] : memref<2x10000x128xf32, #tpu.memory_space<hbm>> -> memref<1x80x128xf32, #tpu.memory_space<hbm>>
        %dma_start3A_68 = tpu.memref_squeeze %dma_start3A_67 : memref<1x80x128xf32, #tpu.memory_space<hbm>> -> memref<80x128xf32, #tpu.memory_space<hbm>>
        tpu.enqueue_dma source(%arg11 : memref<80x128xf32, #tpu.memory_space<vmem>>) target(%dma_start3A_68 : memref<80x128xf32, #tpu.memory_space<hbm>>) target_semaphore(%run_scoped3A : memref<!tpu.dma_semaphore, #tpu.memory_space<semaphore_mem>>)
        %dma_wait3A = arith.constant 0 : i32
        %dma_wait3A_69 = tpu.memref_slice %arg6[%arg0, %add3A_35, %dma_wait3A] : memref<2x10000x128xf32, #tpu.memory_space<hbm>> -> memref<1x80x128xf32, #tpu.memory_space<hbm>>
        %dma_wait3A_70 = tpu.memref_squeeze %dma_wait3A_69 : memref<1x80x128xf32, #tpu.memory_space<hbm>> -> memref<80x128xf32, #tpu.memory_space<hbm>>
        %dma_wait3A_71 = arith.constant 0 : i32
        %dma_wait3A_72 = tpu.memref_slice %arg6[%arg0, %add3A_35, %dma_wait3A_71] : memref<2x10000x128xf32, #tpu.memory_space<hbm>> -> memref<1x80x128xf32, #tpu.memory_space<hbm>>
        %dma_wait3A_73 = tpu.memref_squeeze %dma_wait3A_72 : memref<1x80x128xf32, #tpu.memory_space<hbm>> -> memref<80x128xf32, #tpu.memory_space<hbm>>
        tpu.wait_dma2 semaphore(%run_scoped3A : memref<!tpu.dma_semaphore, #tpu.memory_space<semaphore_mem>>) src(%arg11 : memref<80x128xf32, #tpu.memory_space<vmem>>) dst(%dma_wait3A_73 : memref<80x128xf32, #tpu.memory_space<hbm>>)
        tpu.yield
      }) : () -> ()
      %add3A_36 = arith.constant 80 : i32
      %add3A_37 = arith.addi %mul3A_2, %add3A_36 : i32
      "tpu.region"() ({
        %run_scoped3A = tpu.sem_alloc : memref<!tpu.dma_semaphore, #tpu.memory_space<semaphore_mem>>
        %dma_start3A = arith.constant 0 : i32
        %dma_start3A_64 = tpu.memref_slice %arg7[%add3A_37, %dma_start3A] : memref<10240x128xf32, #tpu.memory_space<vmem_shared>> -> memref<80x128xf32, #tpu.memory_space<vmem_shared>>
        %dma_start3A_65 = arith.constant 0 : i32
        %dma_start3A_66 = tpu.memref_slice %arg7[%add3A_37, %dma_start3A_65] : memref<10240x128xf32, #tpu.memory_space<vmem_shared>> -> memref<80x128xf32, #tpu.memory_space<vmem_shared>>
        tpu.enqueue_dma source(%dma_start3A_66 : memref<80x128xf32, #tpu.memory_space<vmem_shared>>) target(%arg11 : memref<80x128xf32, #tpu.memory_space<vmem>>) target_semaphore(%run_scoped3A : memref<!tpu.dma_semaphore, #tpu.memory_space<semaphore_mem>>)
        %dma_wait3A = arith.constant 0 : i32
        %dma_wait3A_67 = tpu.memref_slice %arg7[%add3A_37, %dma_wait3A] : memref<10240x128xf32, #tpu.memory_space<vmem_shared>> -> memref<80x128xf32, #tpu.memory_space<vmem_shared>>
        %dma_wait3A_68 = arith.constant 0 : i32
        %dma_wait3A_69 = tpu.memref_slice %arg7[%add3A_37, %dma_wait3A_68] : memref<10240x128xf32, #tpu.memory_space<vmem_shared>> -> memref<80x128xf32, #tpu.memory_space<vmem_shared>>
        tpu.wait_dma2 semaphore(%run_scoped3A : memref<!tpu.dma_semaphore, #tpu.memory_space<semaphore_mem>>) src(%dma_wait3A_69 : memref<80x128xf32, #tpu.memory_space<vmem_shared>>) dst(%arg11 : memref<80x128xf32, #tpu.memory_space<vmem>>)
        tpu.yield
      }) : () -> ()
      %add3A_38 = arith.constant 80 : i32
      %add3A_39 = arith.addi %mul3A_2, %add3A_38 : i32
      "tpu.region"() ({
        %run_scoped3A = tpu.sem_alloc : memref<!tpu.dma_semaphore, #tpu.memory_space<semaphore_mem>>
        %dma_start3A = arith.constant 0 : i32
        %dma_start3A_64 = tpu.memref_slice %arg6[%arg0, %add3A_39, %dma_start3A] : memref<2x10000x128xf32, #tpu.memory_space<hbm>> -> memref<1x80x128xf32, #tpu.memory_space<hbm>>
        %dma_start3A_65 = tpu.memref_squeeze %dma_start3A_64 : memref<1x80x128xf32, #tpu.memory_space<hbm>> -> memref<80x128xf32, #tpu.memory_space<hbm>>
        %dma_start3A_66 = arith.constant 0 : i32
        %dma_start3A_67 = tpu.memref_slice %arg6[%arg0, %add3A_39, %dma_start3A_66] : memref<2x10000x128xf32, #tpu.memory_space<hbm>> -> memref<1x80x128xf32, #tpu.memory_space<hbm>>
        %dma_start3A_68 = tpu.memref_squeeze %dma_start3A_67 : memref<1x80x128xf32, #tpu.memory_space<hbm>> -> memref<80x128xf32, #tpu.memory_space<hbm>>
        tpu.enqueue_dma source(%arg11 : memref<80x128xf32, #tpu.memory_space<vmem>>) target(%dma_start3A_68 : memref<80x128xf32, #tpu.memory_space<hbm>>) target_semaphore(%run_scoped3A : memref<!tpu.dma_semaphore, #tpu.memory_space<semaphore_mem>>)
        %dma_wait3A = arith.constant 0 : i32
        %dma_wait3A_69 = tpu.memref_slice %arg6[%arg0, %add3A_39, %dma_wait3A] : memref<2x10000x128xf32, #tpu.memory_space<hbm>> -> memref<1x80x128xf32, #tpu.memory_space<hbm>>
        %dma_wait3A_70 = tpu.memref_squeeze %dma_wait3A_69 : memref<1x80x128xf32, #tpu.memory_space<hbm>> -> memref<80x128xf32, #tpu.memory_space<hbm>>
        %dma_wait3A_71 = arith.constant 0 : i32
        %dma_wait3A_72 = tpu.memref_slice %arg6[%arg0, %add3A_39, %dma_wait3A_71] : memref<2x10000x128xf32, #tpu.memory_space<hbm>> -> memref<1x80x128xf32, #tpu.memory_space<hbm>>
        %dma_wait3A_73 = tpu.memref_squeeze %dma_wait3A_72 : memref<1x80x128xf32, #tpu.memory_space<hbm>> -> memref<80x128xf32, #tpu.memory_space<hbm>>
        tpu.wait_dma2 semaphore(%run_scoped3A : memref<!tpu.dma_semaphore, #tpu.memory_space<semaphore_mem>>) src(%arg11 : memref<80x128xf32, #tpu.memory_space<vmem>>) dst(%dma_wait3A_73 : memref<80x128xf32, #tpu.memory_space<hbm>>)
        tpu.yield
      }) : () -> ()
      %add3A_40 = arith.constant 160 : i32
      %add3A_41 = arith.addi %mul3A_2, %add3A_40 : i32
      "tpu.region"() ({
        %run_scoped3A = tpu.sem_alloc : memref<!tpu.dma_semaphore, #tpu.memory_space<semaphore_mem>>
        %dma_start3A = arith.constant 0 : i32
        %dma_start3A_64 = tpu.memref_slice %arg7[%add3A_41, %dma_start3A] : memref<10240x128xf32, #tpu.memory_space<vmem_shared>> -> memref<80x128xf32, #tpu.memory_space<vmem_shared>>
        %dma_start3A_65 = arith.constant 0 : i32
        %dma_start3A_66 = tpu.memref_slice %arg7[%add3A_41, %dma_start3A_65] : memref<10240x128xf32, #tpu.memory_space<vmem_shared>> -> memref<80x128xf32, #tpu.memory_space<vmem_shared>>
        tpu.enqueue_dma source(%dma_start3A_66 : memref<80x128xf32, #tpu.memory_space<vmem_shared>>) target(%arg11 : memref<80x128xf32, #tpu.memory_space<vmem>>) target_semaphore(%run_scoped3A : memref<!tpu.dma_semaphore, #tpu.memory_space<semaphore_mem>>)
        %dma_wait3A = arith.constant 0 : i32
        %dma_wait3A_67 = tpu.memref_slice %arg7[%add3A_41, %dma_wait3A] : memref<10240x128xf32, #tpu.memory_space<vmem_shared>> -> memref<80x128xf32, #tpu.memory_space<vmem_shared>>
        %dma_wait3A_68 = arith.constant 0 : i32
        %dma_wait3A_69 = tpu.memref_slice %arg7[%add3A_41, %dma_wait3A_68] : memref<10240x128xf32, #tpu.memory_space<vmem_shared>> -> memref<80x128xf32, #tpu.memory_space<vmem_shared>>
        tpu.wait_dma2 semaphore(%run_scoped3A : memref<!tpu.dma_semaphore, #tpu.memory_space<semaphore_mem>>) src(%dma_wait3A_69 : memref<80x128xf32, #tpu.memory_space<vmem_shared>>) dst(%arg11 : memref<80x128xf32, #tpu.memory_space<vmem>>)
        tpu.yield
      }) : () -> ()
      %add3A_42 = arith.constant 160 : i32
      %add3A_43 = arith.addi %mul3A_2, %add3A_42 : i32
      "tpu.region"() ({
        %run_scoped3A = tpu.sem_alloc : memref<!tpu.dma_semaphore, #tpu.memory_space<semaphore_mem>>
        %dma_start3A = arith.constant 0 : i32
        %dma_start3A_64 = tpu.memref_slice %arg6[%arg0, %add3A_43, %dma_start3A] : memref<2x10000x128xf32, #tpu.memory_space<hbm>> -> memref<1x80x128xf32, #tpu.memory_space<hbm>>
        %dma_start3A_65 = tpu.memref_squeeze %dma_start3A_64 : memref<1x80x128xf32, #tpu.memory_space<hbm>> -> memref<80x128xf32, #tpu.memory_space<hbm>>
        %dma_start3A_66 = arith.constant 0 : i32
        %dma_start3A_67 = tpu.memref_slice %arg6[%arg0, %add3A_43, %dma_start3A_66] : memref<2x10000x128xf32, #tpu.memory_space<hbm>> -> memref<1x80x128xf32, #tpu.memory_space<hbm>>
        %dma_start3A_68 = tpu.memref_squeeze %dma_start3A_67 : memref<1x80x128xf32, #tpu.memory_space<hbm>> -> memref<80x128xf32, #tpu.memory_space<hbm>>
        tpu.enqueue_dma source(%arg11 : memref<80x128xf32, #tpu.memory_space<vmem>>) target(%dma_start3A_68 : memref<80x128xf32, #tpu.memory_space<hbm>>) target_semaphore(%run_scoped3A : memref<!tpu.dma_semaphore, #tpu.memory_space<semaphore_mem>>)
        %dma_wait3A = arith.constant 0 : i32
        %dma_wait3A_69 = tpu.memref_slice %arg6[%arg0, %add3A_43, %dma_wait3A] : memref<2x10000x128xf32, #tpu.memory_space<hbm>> -> memref<1x80x128xf32, #tpu.memory_space<hbm>>
        %dma_wait3A_70 = tpu.memref_squeeze %dma_wait3A_69 : memref<1x80x128xf32, #tpu.memory_space<hbm>> -> memref<80x128xf32, #tpu.memory_space<hbm>>
        %dma_wait3A_71 = arith.constant 0 : i32
        %dma_wait3A_72 = tpu.memref_slice %arg6[%arg0, %add3A_43, %dma_wait3A_71] : memref<2x10000x128xf32, #tpu.memory_space<hbm>> -> memref<1x80x128xf32, #tpu.memory_space<hbm>>
        %dma_wait3A_73 = tpu.memref_squeeze %dma_wait3A_72 : memref<1x80x128xf32, #tpu.memory_space<hbm>> -> memref<80x128xf32, #tpu.memory_space<hbm>>
        tpu.wait_dma2 semaphore(%run_scoped3A : memref<!tpu.dma_semaphore, #tpu.memory_space<semaphore_mem>>) src(%arg11 : memref<80x128xf32, #tpu.memory_space<vmem>>) dst(%dma_wait3A_73 : memref<80x128xf32, #tpu.memory_space<hbm>>)
        tpu.yield
      }) : () -> ()
      %add3A_44 = arith.constant 240 : i32
      %add3A_45 = arith.addi %mul3A_2, %add3A_44 : i32
      "tpu.region"() ({
        %run_scoped3A = tpu.sem_alloc : memref<!tpu.dma_semaphore, #tpu.memory_space<semaphore_mem>>
        %dma_start3A = arith.constant 0 : i32
        %dma_start3A_64 = tpu.memref_slice %arg7[%add3A_45, %dma_start3A] : memref<10240x128xf32, #tpu.memory_space<vmem_shared>> -> memref<80x128xf32, #tpu.memory_space<vmem_shared>>
        %dma_start3A_65 = arith.constant 0 : i32
        %dma_start3A_66 = tpu.memref_slice %arg7[%add3A_45, %dma_start3A_65] : memref<10240x128xf32, #tpu.memory_space<vmem_shared>> -> memref<80x128xf32, #tpu.memory_space<vmem_shared>>
        tpu.enqueue_dma source(%dma_start3A_66 : memref<80x128xf32, #tpu.memory_space<vmem_shared>>) target(%arg11 : memref<80x128xf32, #tpu.memory_space<vmem>>) target_semaphore(%run_scoped3A : memref<!tpu.dma_semaphore, #tpu.memory_space<semaphore_mem>>)
        %dma_wait3A = arith.constant 0 : i32
        %dma_wait3A_67 = tpu.memref_slice %arg7[%add3A_45, %dma_wait3A] : memref<10240x128xf32, #tpu.memory_space<vmem_shared>> -> memref<80x128xf32, #tpu.memory_space<vmem_shared>>
        %dma_wait3A_68 = arith.constant 0 : i32
        %dma_wait3A_69 = tpu.memref_slice %arg7[%add3A_45, %dma_wait3A_68] : memref<10240x128xf32, #tpu.memory_space<vmem_shared>> -> memref<80x128xf32, #tpu.memory_space<vmem_shared>>
        tpu.wait_dma2 semaphore(%run_scoped3A : memref<!tpu.dma_semaphore, #tpu.memory_space<semaphore_mem>>) src(%dma_wait3A_69 : memref<80x128xf32, #tpu.memory_space<vmem_shared>>) dst(%arg11 : memref<80x128xf32, #tpu.memory_space<vmem>>)
        tpu.yield
      }) : () -> ()
      %add3A_46 = arith.constant 240 : i32
      %add3A_47 = arith.addi %mul3A_2, %add3A_46 : i32
      "tpu.region"() ({
        %run_scoped3A = tpu.sem_alloc : memref<!tpu.dma_semaphore, #tpu.memory_space<semaphore_mem>>
        %dma_start3A = arith.constant 0 : i32
        %dma_start3A_64 = tpu.memref_slice %arg6[%arg0, %add3A_47, %dma_start3A] : memref<2x10000x128xf32, #tpu.memory_space<hbm>> -> memref<1x80x128xf32, #tpu.memory_space<hbm>>
        %dma_start3A_65 = tpu.memref_squeeze %dma_start3A_64 : memref<1x80x128xf32, #tpu.memory_space<hbm>> -> memref<80x128xf32, #tpu.memory_space<hbm>>
        %dma_start3A_66 = arith.constant 0 : i32
        %dma_start3A_67 = tpu.memref_slice %arg6[%arg0, %add3A_47, %dma_start3A_66] : memref<2x10000x128xf32, #tpu.memory_space<hbm>> -> memref<1x80x128xf32, #tpu.memory_space<hbm>>
        %dma_start3A_68 = tpu.memref_squeeze %dma_start3A_67 : memref<1x80x128xf32, #tpu.memory_space<hbm>> -> memref<80x128xf32, #tpu.memory_space<hbm>>
        tpu.enqueue_dma source(%arg11 : memref<80x128xf32, #tpu.memory_space<vmem>>) target(%dma_start3A_68 : memref<80x128xf32, #tpu.memory_space<hbm>>) target_semaphore(%run_scoped3A : memref<!tpu.dma_semaphore, #tpu.memory_space<semaphore_mem>>)
        %dma_wait3A = arith.constant 0 : i32
        %dma_wait3A_69 = tpu.memref_slice %arg6[%arg0, %add3A_47, %dma_wait3A] : memref<2x10000x128xf32, #tpu.memory_space<hbm>> -> memref<1x80x128xf32, #tpu.memory_space<hbm>>
        %dma_wait3A_70 = tpu.memref_squeeze %dma_wait3A_69 : memref<1x80x128xf32, #tpu.memory_space<hbm>> -> memref<80x128xf32, #tpu.memory_space<hbm>>
        %dma_wait3A_71 = arith.constant 0 : i32
        %dma_wait3A_72 = tpu.memref_slice %arg6[%arg0, %add3A_47, %dma_wait3A_71] : memref<2x10000x128xf32, #tpu.memory_space<hbm>> -> memref<1x80x128xf32, #tpu.memory_space<hbm>>
        %dma_wait3A_73 = tpu.memref_squeeze %dma_wait3A_72 : memref<1x80x128xf32, #tpu.memory_space<hbm>> -> memref<80x128xf32, #tpu.memory_space<hbm>>
        tpu.wait_dma2 semaphore(%run_scoped3A : memref<!tpu.dma_semaphore, #tpu.memory_space<semaphore_mem>>) src(%arg11 : memref<80x128xf32, #tpu.memory_space<vmem>>) dst(%dma_wait3A_73 : memref<80x128xf32, #tpu.memory_space<hbm>>)
        tpu.yield
      }) : () -> ()
      %add3A_48 = arith.constant 320 : i32
      %add3A_49 = arith.addi %mul3A_2, %add3A_48 : i32
      "tpu.region"() ({
        %run_scoped3A = tpu.sem_alloc : memref<!tpu.dma_semaphore, #tpu.memory_space<semaphore_mem>>
        %dma_start3A = arith.constant 0 : i32
        %dma_start3A_64 = tpu.memref_slice %arg7[%add3A_49, %dma_start3A] : memref<10240x128xf32, #tpu.memory_space<vmem_shared>> -> memref<80x128xf32, #tpu.memory_space<vmem_shared>>
        %dma_start3A_65 = arith.constant 0 : i32
        %dma_start3A_66 = tpu.memref_slice %arg7[%add3A_49, %dma_start3A_65] : memref<10240x128xf32, #tpu.memory_space<vmem_shared>> -> memref<80x128xf32, #tpu.memory_space<vmem_shared>>
        tpu.enqueue_dma source(%dma_start3A_66 : memref<80x128xf32, #tpu.memory_space<vmem_shared>>) target(%arg11 : memref<80x128xf32, #tpu.memory_space<vmem>>) target_semaphore(%run_scoped3A : memref<!tpu.dma_semaphore, #tpu.memory_space<semaphore_mem>>)
        %dma_wait3A = arith.constant 0 : i32
        %dma_wait3A_67 = tpu.memref_slice %arg7[%add3A_49, %dma_wait3A] : memref<10240x128xf32, #tpu.memory_space<vmem_shared>> -> memref<80x128xf32, #tpu.memory_space<vmem_shared>>
        %dma_wait3A_68 = arith.constant 0 : i32
        %dma_wait3A_69 = tpu.memref_slice %arg7[%add3A_49, %dma_wait3A_68] : memref<10240x128xf32, #tpu.memory_space<vmem_shared>> -> memref<80x128xf32, #tpu.memory_space<vmem_shared>>
        tpu.wait_dma2 semaphore(%run_scoped3A : memref<!tpu.dma_semaphore, #tpu.memory_space<semaphore_mem>>) src(%dma_wait3A_69 : memref<80x128xf32, #tpu.memory_space<vmem_shared>>) dst(%arg11 : memref<80x128xf32, #tpu.memory_space<vmem>>)
        tpu.yield
      }) : () -> ()
      %add3A_50 = arith.constant 320 : i32
      %add3A_51 = arith.addi %mul3A_2, %add3A_50 : i32
      "tpu.region"() ({
        %run_scoped3A = tpu.sem_alloc : memref<!tpu.dma_semaphore, #tpu.memory_space<semaphore_mem>>
        %dma_start3A = arith.constant 0 : i32
        %dma_start3A_64 = tpu.memref_slice %arg6[%arg0, %add3A_51, %dma_start3A] : memref<2x10000x128xf32, #tpu.memory_space<hbm>> -> memref<1x80x128xf32, #tpu.memory_space<hbm>>
        %dma_start3A_65 = tpu.memref_squeeze %dma_start3A_64 : memref<1x80x128xf32, #tpu.memory_space<hbm>> -> memref<80x128xf32, #tpu.memory_space<hbm>>
        %dma_start3A_66 = arith.constant 0 : i32
        %dma_start3A_67 = tpu.memref_slice %arg6[%arg0, %add3A_51, %dma_start3A_66] : memref<2x10000x128xf32, #tpu.memory_space<hbm>> -> memref<1x80x128xf32, #tpu.memory_space<hbm>>
        %dma_start3A_68 = tpu.memref_squeeze %dma_start3A_67 : memref<1x80x128xf32, #tpu.memory_space<hbm>> -> memref<80x128xf32, #tpu.memory_space<hbm>>
        tpu.enqueue_dma source(%arg11 : memref<80x128xf32, #tpu.memory_space<vmem>>) target(%dma_start3A_68 : memref<80x128xf32, #tpu.memory_space<hbm>>) target_semaphore(%run_scoped3A : memref<!tpu.dma_semaphore, #tpu.memory_space<semaphore_mem>>)
        %dma_wait3A = arith.constant 0 : i32
        %dma_wait3A_69 = tpu.memref_slice %arg6[%arg0, %add3A_51, %dma_wait3A] : memref<2x10000x128xf32, #tpu.memory_space<hbm>> -> memref<1x80x128xf32, #tpu.memory_space<hbm>>
        %dma_wait3A_70 = tpu.memref_squeeze %dma_wait3A_69 : memref<1x80x128xf32, #tpu.memory_space<hbm>> -> memref<80x128xf32, #tpu.memory_space<hbm>>
        %dma_wait3A_71 = arith.constant 0 : i32
        %dma_wait3A_72 = tpu.memref_slice %arg6[%arg0, %add3A_51, %dma_wait3A_71] : memref<2x10000x128xf32, #tpu.memory_space<hbm>> -> memref<1x80x128xf32, #tpu.memory_space<hbm>>
        %dma_wait3A_73 = tpu.memref_squeeze %dma_wait3A_72 : memref<1x80x128xf32, #tpu.memory_space<hbm>> -> memref<80x128xf32, #tpu.memory_space<hbm>>
        tpu.wait_dma2 semaphore(%run_scoped3A : memref<!tpu.dma_semaphore, #tpu.memory_space<semaphore_mem>>) src(%arg11 : memref<80x128xf32, #tpu.memory_space<vmem>>) dst(%dma_wait3A_73 : memref<80x128xf32, #tpu.memory_space<hbm>>)
        tpu.yield
      }) : () -> ()
      %add3A_52 = arith.constant 400 : i32
      %add3A_53 = arith.addi %mul3A_2, %add3A_52 : i32
      "tpu.region"() ({
        %run_scoped3A = tpu.sem_alloc : memref<!tpu.dma_semaphore, #tpu.memory_space<semaphore_mem>>
        %dma_start3A = arith.constant 0 : i32
        %dma_start3A_64 = tpu.memref_slice %arg7[%add3A_53, %dma_start3A] : memref<10240x128xf32, #tpu.memory_space<vmem_shared>> -> memref<80x128xf32, #tpu.memory_space<vmem_shared>>
        %dma_start3A_65 = arith.constant 0 : i32
        %dma_start3A_66 = tpu.memref_slice %arg7[%add3A_53, %dma_start3A_65] : memref<10240x128xf32, #tpu.memory_space<vmem_shared>> -> memref<80x128xf32, #tpu.memory_space<vmem_shared>>
        tpu.enqueue_dma source(%dma_start3A_66 : memref<80x128xf32, #tpu.memory_space<vmem_shared>>) target(%arg11 : memref<80x128xf32, #tpu.memory_space<vmem>>) target_semaphore(%run_scoped3A : memref<!tpu.dma_semaphore, #tpu.memory_space<semaphore_mem>>)
        %dma_wait3A = arith.constant 0 : i32
        %dma_wait3A_67 = tpu.memref_slice %arg7[%add3A_53, %dma_wait3A] : memref<10240x128xf32, #tpu.memory_space<vmem_shared>> -> memref<80x128xf32, #tpu.memory_space<vmem_shared>>
        %dma_wait3A_68 = arith.constant 0 : i32
        %dma_wait3A_69 = tpu.memref_slice %arg7[%add3A_53, %dma_wait3A_68] : memref<10240x128xf32, #tpu.memory_space<vmem_shared>> -> memref<80x128xf32, #tpu.memory_space<vmem_shared>>
        tpu.wait_dma2 semaphore(%run_scoped3A : memref<!tpu.dma_semaphore, #tpu.memory_space<semaphore_mem>>) src(%dma_wait3A_69 : memref<80x128xf32, #tpu.memory_space<vmem_shared>>) dst(%arg11 : memref<80x128xf32, #tpu.memory_space<vmem>>)
        tpu.yield
      }) : () -> ()
      %add3A_54 = arith.constant 400 : i32
      %add3A_55 = arith.addi %mul3A_2, %add3A_54 : i32
      "tpu.region"() ({
        %run_scoped3A = tpu.sem_alloc : memref<!tpu.dma_semaphore, #tpu.memory_space<semaphore_mem>>
        %dma_start3A = arith.constant 0 : i32
        %dma_start3A_64 = tpu.memref_slice %arg6[%arg0, %add3A_55, %dma_start3A] : memref<2x10000x128xf32, #tpu.memory_space<hbm>> -> memref<1x80x128xf32, #tpu.memory_space<hbm>>
        %dma_start3A_65 = tpu.memref_squeeze %dma_start3A_64 : memref<1x80x128xf32, #tpu.memory_space<hbm>> -> memref<80x128xf32, #tpu.memory_space<hbm>>
        %dma_start3A_66 = arith.constant 0 : i32
        %dma_start3A_67 = tpu.memref_slice %arg6[%arg0, %add3A_55, %dma_start3A_66] : memref<2x10000x128xf32, #tpu.memory_space<hbm>> -> memref<1x80x128xf32, #tpu.memory_space<hbm>>
        %dma_start3A_68 = tpu.memref_squeeze %dma_start3A_67 : memref<1x80x128xf32, #tpu.memory_space<hbm>> -> memref<80x128xf32, #tpu.memory_space<hbm>>
        tpu.enqueue_dma source(%arg11 : memref<80x128xf32, #tpu.memory_space<vmem>>) target(%dma_start3A_68 : memref<80x128xf32, #tpu.memory_space<hbm>>) target_semaphore(%run_scoped3A : memref<!tpu.dma_semaphore, #tpu.memory_space<semaphore_mem>>)
        %dma_wait3A = arith.constant 0 : i32
        %dma_wait3A_69 = tpu.memref_slice %arg6[%arg0, %add3A_55, %dma_wait3A] : memref<2x10000x128xf32, #tpu.memory_space<hbm>> -> memref<1x80x128xf32, #tpu.memory_space<hbm>>
        %dma_wait3A_70 = tpu.memref_squeeze %dma_wait3A_69 : memref<1x80x128xf32, #tpu.memory_space<hbm>> -> memref<80x128xf32, #tpu.memory_space<hbm>>
        %dma_wait3A_71 = arith.constant 0 : i32
        %dma_wait3A_72 = tpu.memref_slice %arg6[%arg0, %add3A_55, %dma_wait3A_71] : memref<2x10000x128xf32, #tpu.memory_space<hbm>> -> memref<1x80x128xf32, #tpu.memory_space<hbm>>
        %dma_wait3A_73 = tpu.memref_squeeze %dma_wait3A_72 : memref<1x80x128xf32, #tpu.memory_space<hbm>> -> memref<80x128xf32, #tpu.memory_space<hbm>>
        tpu.wait_dma2 semaphore(%run_scoped3A : memref<!tpu.dma_semaphore, #tpu.memory_space<semaphore_mem>>) src(%arg11 : memref<80x128xf32, #tpu.memory_space<vmem>>) dst(%dma_wait3A_73 : memref<80x128xf32, #tpu.memory_space<hbm>>)
        tpu.yield
      }) : () -> ()
      %add3A_56 = arith.constant 480 : i32
      %add3A_57 = arith.addi %mul3A_2, %add3A_56 : i32
      "tpu.region"() ({
        %run_scoped3A = tpu.sem_alloc : memref<!tpu.dma_semaphore, #tpu.memory_space<semaphore_mem>>
        %dma_start3A = arith.constant 0 : i32
        %dma_start3A_64 = tpu.memref_slice %arg7[%add3A_57, %dma_start3A] : memref<10240x128xf32, #tpu.memory_space<vmem_shared>> -> memref<80x128xf32, #tpu.memory_space<vmem_shared>>
        %dma_start3A_65 = arith.constant 0 : i32
        %dma_start3A_66 = tpu.memref_slice %arg7[%add3A_57, %dma_start3A_65] : memref<10240x128xf32, #tpu.memory_space<vmem_shared>> -> memref<80x128xf32, #tpu.memory_space<vmem_shared>>
        tpu.enqueue_dma source(%dma_start3A_66 : memref<80x128xf32, #tpu.memory_space<vmem_shared>>) target(%arg11 : memref<80x128xf32, #tpu.memory_space<vmem>>) target_semaphore(%run_scoped3A : memref<!tpu.dma_semaphore, #tpu.memory_space<semaphore_mem>>)
        %dma_wait3A = arith.constant 0 : i32
        %dma_wait3A_67 = tpu.memref_slice %arg7[%add3A_57, %dma_wait3A] : memref<10240x128xf32, #tpu.memory_space<vmem_shared>> -> memref<80x128xf32, #tpu.memory_space<vmem_shared>>
        %dma_wait3A_68 = arith.constant 0 : i32
        %dma_wait3A_69 = tpu.memref_slice %arg7[%add3A_57, %dma_wait3A_68] : memref<10240x128xf32, #tpu.memory_space<vmem_shared>> -> memref<80x128xf32, #tpu.memory_space<vmem_shared>>
        tpu.wait_dma2 semaphore(%run_scoped3A : memref<!tpu.dma_semaphore, #tpu.memory_space<semaphore_mem>>) src(%dma_wait3A_69 : memref<80x128xf32, #tpu.memory_space<vmem_shared>>) dst(%arg11 : memref<80x128xf32, #tpu.memory_space<vmem>>)
        tpu.yield
      }) : () -> ()
      %add3A_58 = arith.constant 480 : i32
      %add3A_59 = arith.addi %mul3A_2, %add3A_58 : i32
      "tpu.region"() ({
        %run_scoped3A = tpu.sem_alloc : memref<!tpu.dma_semaphore, #tpu.memory_space<semaphore_mem>>
        %dma_start3A = arith.constant 0 : i32
        %dma_start3A_64 = tpu.memref_slice %arg6[%arg0, %add3A_59, %dma_start3A] : memref<2x10000x128xf32, #tpu.memory_space<hbm>> -> memref<1x80x128xf32, #tpu.memory_space<hbm>>
        %dma_start3A_65 = tpu.memref_squeeze %dma_start3A_64 : memref<1x80x128xf32, #tpu.memory_space<hbm>> -> memref<80x128xf32, #tpu.memory_space<hbm>>
        %dma_start3A_66 = arith.constant 0 : i32
        %dma_start3A_67 = tpu.memref_slice %arg6[%arg0, %add3A_59, %dma_start3A_66] : memref<2x10000x128xf32, #tpu.memory_space<hbm>> -> memref<1x80x128xf32, #tpu.memory_space<hbm>>
        %dma_start3A_68 = tpu.memref_squeeze %dma_start3A_67 : memref<1x80x128xf32, #tpu.memory_space<hbm>> -> memref<80x128xf32, #tpu.memory_space<hbm>>
        tpu.enqueue_dma source(%arg11 : memref<80x128xf32, #tpu.memory_space<vmem>>) target(%dma_start3A_68 : memref<80x128xf32, #tpu.memory_space<hbm>>) target_semaphore(%run_scoped3A : memref<!tpu.dma_semaphore, #tpu.memory_space<semaphore_mem>>)
        %dma_wait3A = arith.constant 0 : i32
        %dma_wait3A_69 = tpu.memref_slice %arg6[%arg0, %add3A_59, %dma_wait3A] : memref<2x10000x128xf32, #tpu.memory_space<hbm>> -> memref<1x80x128xf32, #tpu.memory_space<hbm>>
        %dma_wait3A_70 = tpu.memref_squeeze %dma_wait3A_69 : memref<1x80x128xf32, #tpu.memory_space<hbm>> -> memref<80x128xf32, #tpu.memory_space<hbm>>
        %dma_wait3A_71 = arith.constant 0 : i32
        %dma_wait3A_72 = tpu.memref_slice %arg6[%arg0, %add3A_59, %dma_wait3A_71] : memref<2x10000x128xf32, #tpu.memory_space<hbm>> -> memref<1x80x128xf32, #tpu.memory_space<hbm>>
        %dma_wait3A_73 = tpu.memref_squeeze %dma_wait3A_72 : memref<1x80x128xf32, #tpu.memory_space<hbm>> -> memref<80x128xf32, #tpu.memory_space<hbm>>
        tpu.wait_dma2 semaphore(%run_scoped3A : memref<!tpu.dma_semaphore, #tpu.memory_space<semaphore_mem>>) src(%arg11 : memref<80x128xf32, #tpu.memory_space<vmem>>) dst(%dma_wait3A_73 : memref<80x128xf32, #tpu.memory_space<hbm>>)
        tpu.yield
      }) : () -> ()
      %add3A_60 = arith.constant 560 : i32
      %add3A_61 = arith.addi %mul3A_2, %add3A_60 : i32
      "tpu.region"() ({
        %run_scoped3A = tpu.sem_alloc : memref<!tpu.dma_semaphore, #tpu.memory_space<semaphore_mem>>
        %dma_start3A = arith.constant 0 : i32
        %dma_start3A_64 = tpu.memref_slice %arg7[%add3A_61, %dma_start3A] : memref<10240x128xf32, #tpu.memory_space<vmem_shared>> -> memref<80x128xf32, #tpu.memory_space<vmem_shared>>
        %dma_start3A_65 = arith.constant 0 : i32
        %dma_start3A_66 = tpu.memref_slice %arg7[%add3A_61, %dma_start3A_65] : memref<10240x128xf32, #tpu.memory_space<vmem_shared>> -> memref<80x128xf32, #tpu.memory_space<vmem_shared>>
        tpu.enqueue_dma source(%dma_start3A_66 : memref<80x128xf32, #tpu.memory_space<vmem_shared>>) target(%arg11 : memref<80x128xf32, #tpu.memory_space<vmem>>) target_semaphore(%run_scoped3A : memref<!tpu.dma_semaphore, #tpu.memory_space<semaphore_mem>>)
        %dma_wait3A = arith.constant 0 : i32
        %dma_wait3A_67 = tpu.memref_slice %arg7[%add3A_61, %dma_wait3A] : memref<10240x128xf32, #tpu.memory_space<vmem_shared>> -> memref<80x128xf32, #tpu.memory_space<vmem_shared>>
        %dma_wait3A_68 = arith.constant 0 : i32
        %dma_wait3A_69 = tpu.memref_slice %arg7[%add3A_61, %dma_wait3A_68] : memref<10240x128xf32, #tpu.memory_space<vmem_shared>> -> memref<80x128xf32, #tpu.memory_space<vmem_shared>>
        tpu.wait_dma2 semaphore(%run_scoped3A : memref<!tpu.dma_semaphore, #tpu.memory_space<semaphore_mem>>) src(%dma_wait3A_69 : memref<80x128xf32, #tpu.memory_space<vmem_shared>>) dst(%arg11 : memref<80x128xf32, #tpu.memory_space<vmem>>)
        tpu.yield
      }) : () -> ()
      %add3A_62 = arith.constant 560 : i32
      %add3A_63 = arith.addi %mul3A_2, %add3A_62 : i32
      "tpu.region"() ({
        %run_scoped3A = tpu.sem_alloc : memref<!tpu.dma_semaphore, #tpu.memory_space<semaphore_mem>>
        %dma_start3A = arith.constant 0 : i32
        %dma_start3A_64 = tpu.memref_slice %arg6[%arg0, %add3A_63, %dma_start3A] : memref<2x10000x128xf32, #tpu.memory_space<hbm>> -> memref<1x80x128xf32, #tpu.memory_space<hbm>>
        %dma_start3A_65 = tpu.memref_squeeze %dma_start3A_64 : memref<1x80x128xf32, #tpu.memory_space<hbm>> -> memref<80x128xf32, #tpu.memory_space<hbm>>
        %dma_start3A_66 = arith.constant 0 : i32
        %dma_start3A_67 = tpu.memref_slice %arg6[%arg0, %add3A_63, %dma_start3A_66] : memref<2x10000x128xf32, #tpu.memory_space<hbm>> -> memref<1x80x128xf32, #tpu.memory_space<hbm>>
        %dma_start3A_68 = tpu.memref_squeeze %dma_start3A_67 : memref<1x80x128xf32, #tpu.memory_space<hbm>> -> memref<80x128xf32, #tpu.memory_space<hbm>>
        tpu.enqueue_dma source(%arg11 : memref<80x128xf32, #tpu.memory_space<vmem>>) target(%dma_start3A_68 : memref<80x128xf32, #tpu.memory_space<hbm>>) target_semaphore(%run_scoped3A : memref<!tpu.dma_semaphore, #tpu.memory_space<semaphore_mem>>)
        %dma_wait3A = arith.constant 0 : i32
        %dma_wait3A_69 = tpu.memref_slice %arg6[%arg0, %add3A_63, %dma_wait3A] : memref<2x10000x128xf32, #tpu.memory_space<hbm>> -> memref<1x80x128xf32, #tpu.memory_space<hbm>>
        %dma_wait3A_70 = tpu.memref_squeeze %dma_wait3A_69 : memref<1x80x128xf32, #tpu.memory_space<hbm>> -> memref<80x128xf32, #tpu.memory_space<hbm>>
        %dma_wait3A_71 = arith.constant 0 : i32
        %dma_wait3A_72 = tpu.memref_slice %arg6[%arg0, %add3A_63, %dma_wait3A_71] : memref<2x10000x128xf32, #tpu.memory_space<hbm>> -> memref<1x80x128xf32, #tpu.memory_space<hbm>>
        %dma_wait3A_73 = tpu.memref_squeeze %dma_wait3A_72 : memref<1x80x128xf32, #tpu.memory_space<hbm>> -> memref<80x128xf32, #tpu.memory_space<hbm>>
        tpu.wait_dma2 semaphore(%run_scoped3A : memref<!tpu.dma_semaphore, #tpu.memory_space<semaphore_mem>>) src(%arg11 : memref<80x128xf32, #tpu.memory_space<vmem>>) dst(%dma_wait3A_73 : memref<80x128xf32, #tpu.memory_space<hbm>>)
        tpu.yield
      }) : () -> ()
    } else {
    }
    %eq3A = arith.constant 15 : i32
    %eq3A_28 = arith.cmpi eq, %arg1, %eq3A : i32
    %convert_element_type3A_29 = arith.extui %eq3A_28 : i1 to i32
    %cond3A_30 = arith.constant 0 : i32
    %cond3A_31 = arith.cmpi ne, %convert_element_type3A_29, %cond3A_30 : i32
    scf.if %cond3A_31 {
      %add3A_32 = arith.constant 0 : i32
      %add3A_33 = arith.addi %mul3A_2, %add3A_32 : i32
      "tpu.region"() ({
        %run_scoped3A = tpu.sem_alloc : memref<!tpu.dma_semaphore, #tpu.memory_space<semaphore_mem>>
        %dma_start3A = arith.constant 0 : i32
        %dma_start3A_52 = tpu.memref_slice %arg7[%add3A_33, %dma_start3A] : memref<10240x128xf32, #tpu.memory_space<vmem_shared>> -> memref<80x128xf32, #tpu.memory_space<vmem_shared>>
        %dma_start3A_53 = arith.constant 0 : i32
        %dma_start3A_54 = tpu.memref_slice %arg7[%add3A_33, %dma_start3A_53] : memref<10240x128xf32, #tpu.memory_space<vmem_shared>> -> memref<80x128xf32, #tpu.memory_space<vmem_shared>>
        tpu.enqueue_dma source(%dma_start3A_54 : memref<80x128xf32, #tpu.memory_space<vmem_shared>>) target(%arg11 : memref<80x128xf32, #tpu.memory_space<vmem>>) target_semaphore(%run_scoped3A : memref<!tpu.dma_semaphore, #tpu.memory_space<semaphore_mem>>)
        %dma_wait3A = arith.constant 0 : i32
        %dma_wait3A_55 = tpu.memref_slice %arg7[%add3A_33, %dma_wait3A] : memref<10240x128xf32, #tpu.memory_space<vmem_shared>> -> memref<80x128xf32, #tpu.memory_space<vmem_shared>>
        %dma_wait3A_56 = arith.constant 0 : i32
        %dma_wait3A_57 = tpu.memref_slice %arg7[%add3A_33, %dma_wait3A_56] : memref<10240x128xf32, #tpu.memory_space<vmem_shared>> -> memref<80x128xf32, #tpu.memory_space<vmem_shared>>
        tpu.wait_dma2 semaphore(%run_scoped3A : memref<!tpu.dma_semaphore, #tpu.memory_space<semaphore_mem>>) src(%dma_wait3A_57 : memref<80x128xf32, #tpu.memory_space<vmem_shared>>) dst(%arg11 : memref<80x128xf32, #tpu.memory_space<vmem>>)
        tpu.yield
      }) : () -> ()
      %add3A_34 = arith.constant 0 : i32
      %add3A_35 = arith.addi %mul3A_2, %add3A_34 : i32
      "tpu.region"() ({
        %run_scoped3A = tpu.sem_alloc : memref<!tpu.dma_semaphore, #tpu.memory_space<semaphore_mem>>
        %dma_start3A = arith.constant 0 : i32
        %dma_start3A_52 = tpu.memref_slice %arg6[%arg0, %add3A_35, %dma_start3A] : memref<2x10000x128xf32, #tpu.memory_space<hbm>> -> memref<1x80x128xf32, #tpu.memory_space<hbm>>
        %dma_start3A_53 = tpu.memref_squeeze %dma_start3A_52 : memref<1x80x128xf32, #tpu.memory_space<hbm>> -> memref<80x128xf32, #tpu.memory_space<hbm>>
        %dma_start3A_54 = arith.constant 0 : i32
        %dma_start3A_55 = tpu.memref_slice %arg6[%arg0, %add3A_35, %dma_start3A_54] : memref<2x10000x128xf32, #tpu.memory_space<hbm>> -> memref<1x80x128xf32, #tpu.memory_space<hbm>>
        %dma_start3A_56 = tpu.memref_squeeze %dma_start3A_55 : memref<1x80x128xf32, #tpu.memory_space<hbm>> -> memref<80x128xf32, #tpu.memory_space<hbm>>
        tpu.enqueue_dma source(%arg11 : memref<80x128xf32, #tpu.memory_space<vmem>>) target(%dma_start3A_56 : memref<80x128xf32, #tpu.memory_space<hbm>>) target_semaphore(%run_scoped3A : memref<!tpu.dma_semaphore, #tpu.memory_space<semaphore_mem>>)
        %dma_wait3A = arith.constant 0 : i32
        %dma_wait3A_57 = tpu.memref_slice %arg6[%arg0, %add3A_35, %dma_wait3A] : memref<2x10000x128xf32, #tpu.memory_space<hbm>> -> memref<1x80x128xf32, #tpu.memory_space<hbm>>
        %dma_wait3A_58 = tpu.memref_squeeze %dma_wait3A_57 : memref<1x80x128xf32, #tpu.memory_space<hbm>> -> memref<80x128xf32, #tpu.memory_space<hbm>>
        %dma_wait3A_59 = arith.constant 0 : i32
        %dma_wait3A_60 = tpu.memref_slice %arg6[%arg0, %add3A_35, %dma_wait3A_59] : memref<2x10000x128xf32, #tpu.memory_space<hbm>> -> memref<1x80x128xf32, #tpu.memory_space<hbm>>
        %dma_wait3A_61 = tpu.memref_squeeze %dma_wait3A_60 : memref<1x80x128xf32, #tpu.memory_space<hbm>> -> memref<80x128xf32, #tpu.memory_space<hbm>>
        tpu.wait_dma2 semaphore(%run_scoped3A : memref<!tpu.dma_semaphore, #tpu.memory_space<semaphore_mem>>) src(%arg11 : memref<80x128xf32, #tpu.memory_space<vmem>>) dst(%dma_wait3A_61 : memref<80x128xf32, #tpu.memory_space<hbm>>)
        tpu.yield
      }) : () -> ()
      %add3A_36 = arith.constant 80 : i32
      %add3A_37 = arith.addi %mul3A_2, %add3A_36 : i32
      "tpu.region"() ({
        %run_scoped3A = tpu.sem_alloc : memref<!tpu.dma_semaphore, #tpu.memory_space<semaphore_mem>>
        %dma_start3A = arith.constant 0 : i32
        %dma_start3A_52 = tpu.memref_slice %arg7[%add3A_37, %dma_start3A] : memref<10240x128xf32, #tpu.memory_space<vmem_shared>> -> memref<80x128xf32, #tpu.memory_space<vmem_shared>>
        %dma_start3A_53 = arith.constant 0 : i32
        %dma_start3A_54 = tpu.memref_slice %arg7[%add3A_37, %dma_start3A_53] : memref<10240x128xf32, #tpu.memory_space<vmem_shared>> -> memref<80x128xf32, #tpu.memory_space<vmem_shared>>
        tpu.enqueue_dma source(%dma_start3A_54 : memref<80x128xf32, #tpu.memory_space<vmem_shared>>) target(%arg11 : memref<80x128xf32, #tpu.memory_space<vmem>>) target_semaphore(%run_scoped3A : memref<!tpu.dma_semaphore, #tpu.memory_space<semaphore_mem>>)
        %dma_wait3A = arith.constant 0 : i32
        %dma_wait3A_55 = tpu.memref_slice %arg7[%add3A_37, %dma_wait3A] : memref<10240x128xf32, #tpu.memory_space<vmem_shared>> -> memref<80x128xf32, #tpu.memory_space<vmem_shared>>
        %dma_wait3A_56 = arith.constant 0 : i32
        %dma_wait3A_57 = tpu.memref_slice %arg7[%add3A_37, %dma_wait3A_56] : memref<10240x128xf32, #tpu.memory_space<vmem_shared>> -> memref<80x128xf32, #tpu.memory_space<vmem_shared>>
        tpu.wait_dma2 semaphore(%run_scoped3A : memref<!tpu.dma_semaphore, #tpu.memory_space<semaphore_mem>>) src(%dma_wait3A_57 : memref<80x128xf32, #tpu.memory_space<vmem_shared>>) dst(%arg11 : memref<80x128xf32, #tpu.memory_space<vmem>>)
        tpu.yield
      }) : () -> ()
      %add3A_38 = arith.constant 80 : i32
      %add3A_39 = arith.addi %mul3A_2, %add3A_38 : i32
      "tpu.region"() ({
        %run_scoped3A = tpu.sem_alloc : memref<!tpu.dma_semaphore, #tpu.memory_space<semaphore_mem>>
        %dma_start3A = arith.constant 0 : i32
        %dma_start3A_52 = tpu.memref_slice %arg6[%arg0, %add3A_39, %dma_start3A] : memref<2x10000x128xf32, #tpu.memory_space<hbm>> -> memref<1x80x128xf32, #tpu.memory_space<hbm>>
        %dma_start3A_53 = tpu.memref_squeeze %dma_start3A_52 : memref<1x80x128xf32, #tpu.memory_space<hbm>> -> memref<80x128xf32, #tpu.memory_space<hbm>>
        %dma_start3A_54 = arith.constant 0 : i32
        %dma_start3A_55 = tpu.memref_slice %arg6[%arg0, %add3A_39, %dma_start3A_54] : memref<2x10000x128xf32, #tpu.memory_space<hbm>> -> memref<1x80x128xf32, #tpu.memory_space<hbm>>
        %dma_start3A_56 = tpu.memref_squeeze %dma_start3A_55 : memref<1x80x128xf32, #tpu.memory_space<hbm>> -> memref<80x128xf32, #tpu.memory_space<hbm>>
        tpu.enqueue_dma source(%arg11 : memref<80x128xf32, #tpu.memory_space<vmem>>) target(%dma_start3A_56 : memref<80x128xf32, #tpu.memory_space<hbm>>) target_semaphore(%run_scoped3A : memref<!tpu.dma_semaphore, #tpu.memory_space<semaphore_mem>>)
        %dma_wait3A = arith.constant 0 : i32
        %dma_wait3A_57 = tpu.memref_slice %arg6[%arg0, %add3A_39, %dma_wait3A] : memref<2x10000x128xf32, #tpu.memory_space<hbm>> -> memref<1x80x128xf32, #tpu.memory_space<hbm>>
        %dma_wait3A_58 = tpu.memref_squeeze %dma_wait3A_57 : memref<1x80x128xf32, #tpu.memory_space<hbm>> -> memref<80x128xf32, #tpu.memory_space<hbm>>
        %dma_wait3A_59 = arith.constant 0 : i32
        %dma_wait3A_60 = tpu.memref_slice %arg6[%arg0, %add3A_39, %dma_wait3A_59] : memref<2x10000x128xf32, #tpu.memory_space<hbm>> -> memref<1x80x128xf32, #tpu.memory_space<hbm>>
        %dma_wait3A_61 = tpu.memref_squeeze %dma_wait3A_60 : memref<1x80x128xf32, #tpu.memory_space<hbm>> -> memref<80x128xf32, #tpu.memory_space<hbm>>
        tpu.wait_dma2 semaphore(%run_scoped3A : memref<!tpu.dma_semaphore, #tpu.memory_space<semaphore_mem>>) src(%arg11 : memref<80x128xf32, #tpu.memory_space<vmem>>) dst(%dma_wait3A_61 : memref<80x128xf32, #tpu.memory_space<hbm>>)
        tpu.yield
      }) : () -> ()
      %add3A_40 = arith.constant 160 : i32
      %add3A_41 = arith.addi %mul3A_2, %add3A_40 : i32
      "tpu.region"() ({
        %run_scoped3A = tpu.sem_alloc : memref<!tpu.dma_semaphore, #tpu.memory_space<semaphore_mem>>
        %dma_start3A = arith.constant 0 : i32
        %dma_start3A_52 = tpu.memref_slice %arg7[%add3A_41, %dma_start3A] : memref<10240x128xf32, #tpu.memory_space<vmem_shared>> -> memref<80x128xf32, #tpu.memory_space<vmem_shared>>
        %dma_start3A_53 = arith.constant 0 : i32
        %dma_start3A_54 = tpu.memref_slice %arg7[%add3A_41, %dma_start3A_53] : memref<10240x128xf32, #tpu.memory_space<vmem_shared>> -> memref<80x128xf32, #tpu.memory_space<vmem_shared>>
        tpu.enqueue_dma source(%dma_start3A_54 : memref<80x128xf32, #tpu.memory_space<vmem_shared>>) target(%arg11 : memref<80x128xf32, #tpu.memory_space<vmem>>) target_semaphore(%run_scoped3A : memref<!tpu.dma_semaphore, #tpu.memory_space<semaphore_mem>>)
        %dma_wait3A = arith.constant 0 : i32
        %dma_wait3A_55 = tpu.memref_slice %arg7[%add3A_41, %dma_wait3A] : memref<10240x128xf32, #tpu.memory_space<vmem_shared>> -> memref<80x128xf32, #tpu.memory_space<vmem_shared>>
        %dma_wait3A_56 = arith.constant 0 : i32
        %dma_wait3A_57 = tpu.memref_slice %arg7[%add3A_41, %dma_wait3A_56] : memref<10240x128xf32, #tpu.memory_space<vmem_shared>> -> memref<80x128xf32, #tpu.memory_space<vmem_shared>>
        tpu.wait_dma2 semaphore(%run_scoped3A : memref<!tpu.dma_semaphore, #tpu.memory_space<semaphore_mem>>) src(%dma_wait3A_57 : memref<80x128xf32, #tpu.memory_space<vmem_shared>>) dst(%arg11 : memref<80x128xf32, #tpu.memory_space<vmem>>)
        tpu.yield
      }) : () -> ()
      %add3A_42 = arith.constant 160 : i32
      %add3A_43 = arith.addi %mul3A_2, %add3A_42 : i32
      "tpu.region"() ({
        %run_scoped3A = tpu.sem_alloc : memref<!tpu.dma_semaphore, #tpu.memory_space<semaphore_mem>>
        %dma_start3A = arith.constant 0 : i32
        %dma_start3A_52 = tpu.memref_slice %arg6[%arg0, %add3A_43, %dma_start3A] : memref<2x10000x128xf32, #tpu.memory_space<hbm>> -> memref<1x80x128xf32, #tpu.memory_space<hbm>>
        %dma_start3A_53 = tpu.memref_squeeze %dma_start3A_52 : memref<1x80x128xf32, #tpu.memory_space<hbm>> -> memref<80x128xf32, #tpu.memory_space<hbm>>
        %dma_start3A_54 = arith.constant 0 : i32
        %dma_start3A_55 = tpu.memref_slice %arg6[%arg0, %add3A_43, %dma_start3A_54] : memref<2x10000x128xf32, #tpu.memory_space<hbm>> -> memref<1x80x128xf32, #tpu.memory_space<hbm>>
        %dma_start3A_56 = tpu.memref_squeeze %dma_start3A_55 : memref<1x80x128xf32, #tpu.memory_space<hbm>> -> memref<80x128xf32, #tpu.memory_space<hbm>>
        tpu.enqueue_dma source(%arg11 : memref<80x128xf32, #tpu.memory_space<vmem>>) target(%dma_start3A_56 : memref<80x128xf32, #tpu.memory_space<hbm>>) target_semaphore(%run_scoped3A : memref<!tpu.dma_semaphore, #tpu.memory_space<semaphore_mem>>)
        %dma_wait3A = arith.constant 0 : i32
        %dma_wait3A_57 = tpu.memref_slice %arg6[%arg0, %add3A_43, %dma_wait3A] : memref<2x10000x128xf32, #tpu.memory_space<hbm>> -> memref<1x80x128xf32, #tpu.memory_space<hbm>>
        %dma_wait3A_58 = tpu.memref_squeeze %dma_wait3A_57 : memref<1x80x128xf32, #tpu.memory_space<hbm>> -> memref<80x128xf32, #tpu.memory_space<hbm>>
        %dma_wait3A_59 = arith.constant 0 : i32
        %dma_wait3A_60 = tpu.memref_slice %arg6[%arg0, %add3A_43, %dma_wait3A_59] : memref<2x10000x128xf32, #tpu.memory_space<hbm>> -> memref<1x80x128xf32, #tpu.memory_space<hbm>>
        %dma_wait3A_61 = tpu.memref_squeeze %dma_wait3A_60 : memref<1x80x128xf32, #tpu.memory_space<hbm>> -> memref<80x128xf32, #tpu.memory_space<hbm>>
        tpu.wait_dma2 semaphore(%run_scoped3A : memref<!tpu.dma_semaphore, #tpu.memory_space<semaphore_mem>>) src(%arg11 : memref<80x128xf32, #tpu.memory_space<vmem>>) dst(%dma_wait3A_61 : memref<80x128xf32, #tpu.memory_space<hbm>>)
        tpu.yield
      }) : () -> ()
      %add3A_44 = arith.constant 240 : i32
      %add3A_45 = arith.addi %mul3A_2, %add3A_44 : i32
      "tpu.region"() ({
        %run_scoped3A = tpu.sem_alloc : memref<!tpu.dma_semaphore, #tpu.memory_space<semaphore_mem>>
        %dma_start3A = arith.constant 0 : i32
        %dma_start3A_52 = tpu.memref_slice %arg7[%add3A_45, %dma_start3A] : memref<10240x128xf32, #tpu.memory_space<vmem_shared>> -> memref<80x128xf32, #tpu.memory_space<vmem_shared>>
        %dma_start3A_53 = arith.constant 0 : i32
        %dma_start3A_54 = tpu.memref_slice %arg7[%add3A_45, %dma_start3A_53] : memref<10240x128xf32, #tpu.memory_space<vmem_shared>> -> memref<80x128xf32, #tpu.memory_space<vmem_shared>>
        tpu.enqueue_dma source(%dma_start3A_54 : memref<80x128xf32, #tpu.memory_space<vmem_shared>>) target(%arg11 : memref<80x128xf32, #tpu.memory_space<vmem>>) target_semaphore(%run_scoped3A : memref<!tpu.dma_semaphore, #tpu.memory_space<semaphore_mem>>)
        %dma_wait3A = arith.constant 0 : i32
        %dma_wait3A_55 = tpu.memref_slice %arg7[%add3A_45, %dma_wait3A] : memref<10240x128xf32, #tpu.memory_space<vmem_shared>> -> memref<80x128xf32, #tpu.memory_space<vmem_shared>>
        %dma_wait3A_56 = arith.constant 0 : i32
        %dma_wait3A_57 = tpu.memref_slice %arg7[%add3A_45, %dma_wait3A_56] : memref<10240x128xf32, #tpu.memory_space<vmem_shared>> -> memref<80x128xf32, #tpu.memory_space<vmem_shared>>
        tpu.wait_dma2 semaphore(%run_scoped3A : memref<!tpu.dma_semaphore, #tpu.memory_space<semaphore_mem>>) src(%dma_wait3A_57 : memref<80x128xf32, #tpu.memory_space<vmem_shared>>) dst(%arg11 : memref<80x128xf32, #tpu.memory_space<vmem>>)
        tpu.yield
      }) : () -> ()
      %add3A_46 = arith.constant 240 : i32
      %add3A_47 = arith.addi %mul3A_2, %add3A_46 : i32
      "tpu.region"() ({
        %run_scoped3A = tpu.sem_alloc : memref<!tpu.dma_semaphore, #tpu.memory_space<semaphore_mem>>
        %dma_start3A = arith.constant 0 : i32
        %dma_start3A_52 = tpu.memref_slice %arg6[%arg0, %add3A_47, %dma_start3A] : memref<2x10000x128xf32, #tpu.memory_space<hbm>> -> memref<1x80x128xf32, #tpu.memory_space<hbm>>
        %dma_start3A_53 = tpu.memref_squeeze %dma_start3A_52 : memref<1x80x128xf32, #tpu.memory_space<hbm>> -> memref<80x128xf32, #tpu.memory_space<hbm>>
        %dma_start3A_54 = arith.constant 0 : i32
        %dma_start3A_55 = tpu.memref_slice %arg6[%arg0, %add3A_47, %dma_start3A_54] : memref<2x10000x128xf32, #tpu.memory_space<hbm>> -> memref<1x80x128xf32, #tpu.memory_space<hbm>>
        %dma_start3A_56 = tpu.memref_squeeze %dma_start3A_55 : memref<1x80x128xf32, #tpu.memory_space<hbm>> -> memref<80x128xf32, #tpu.memory_space<hbm>>
        tpu.enqueue_dma source(%arg11 : memref<80x128xf32, #tpu.memory_space<vmem>>) target(%dma_start3A_56 : memref<80x128xf32, #tpu.memory_space<hbm>>) target_semaphore(%run_scoped3A : memref<!tpu.dma_semaphore, #tpu.memory_space<semaphore_mem>>)
        %dma_wait3A = arith.constant 0 : i32
        %dma_wait3A_57 = tpu.memref_slice %arg6[%arg0, %add3A_47, %dma_wait3A] : memref<2x10000x128xf32, #tpu.memory_space<hbm>> -> memref<1x80x128xf32, #tpu.memory_space<hbm>>
        %dma_wait3A_58 = tpu.memref_squeeze %dma_wait3A_57 : memref<1x80x128xf32, #tpu.memory_space<hbm>> -> memref<80x128xf32, #tpu.memory_space<hbm>>
        %dma_wait3A_59 = arith.constant 0 : i32
        %dma_wait3A_60 = tpu.memref_slice %arg6[%arg0, %add3A_47, %dma_wait3A_59] : memref<2x10000x128xf32, #tpu.memory_space<hbm>> -> memref<1x80x128xf32, #tpu.memory_space<hbm>>
        %dma_wait3A_61 = tpu.memref_squeeze %dma_wait3A_60 : memref<1x80x128xf32, #tpu.memory_space<hbm>> -> memref<80x128xf32, #tpu.memory_space<hbm>>
        tpu.wait_dma2 semaphore(%run_scoped3A : memref<!tpu.dma_semaphore, #tpu.memory_space<semaphore_mem>>) src(%arg11 : memref<80x128xf32, #tpu.memory_space<vmem>>) dst(%dma_wait3A_61 : memref<80x128xf32, #tpu.memory_space<hbm>>)
        tpu.yield
      }) : () -> ()
      %add3A_48 = arith.constant 320 : i32
      %add3A_49 = arith.addi %mul3A_2, %add3A_48 : i32
      "tpu.region"() ({
        %run_scoped3A = tpu.sem_alloc : memref<!tpu.dma_semaphore, #tpu.memory_space<semaphore_mem>>
        %dma_start3A = arith.constant 0 : i32
        %dma_start3A_52 = tpu.memref_slice %arg7[%add3A_49, %dma_start3A] : memref<10240x128xf32, #tpu.memory_space<vmem_shared>> -> memref<80x128xf32, #tpu.memory_space<vmem_shared>>
        %dma_start3A_53 = arith.constant 0 : i32
        %dma_start3A_54 = tpu.memref_slice %arg7[%add3A_49, %dma_start3A_53] : memref<10240x128xf32, #tpu.memory_space<vmem_shared>> -> memref<80x128xf32, #tpu.memory_space<vmem_shared>>
        tpu.enqueue_dma source(%dma_start3A_54 : memref<80x128xf32, #tpu.memory_space<vmem_shared>>) target(%arg11 : memref<80x128xf32, #tpu.memory_space<vmem>>) target_semaphore(%run_scoped3A : memref<!tpu.dma_semaphore, #tpu.memory_space<semaphore_mem>>)
        %dma_wait3A = arith.constant 0 : i32
        %dma_wait3A_55 = tpu.memref_slice %arg7[%add3A_49, %dma_wait3A] : memref<10240x128xf32, #tpu.memory_space<vmem_shared>> -> memref<80x128xf32, #tpu.memory_space<vmem_shared>>
        %dma_wait3A_56 = arith.constant 0 : i32
        %dma_wait3A_57 = tpu.memref_slice %arg7[%add3A_49, %dma_wait3A_56] : memref<10240x128xf32, #tpu.memory_space<vmem_shared>> -> memref<80x128xf32, #tpu.memory_space<vmem_shared>>
        tpu.wait_dma2 semaphore(%run_scoped3A : memref<!tpu.dma_semaphore, #tpu.memory_space<semaphore_mem>>) src(%dma_wait3A_57 : memref<80x128xf32, #tpu.memory_space<vmem_shared>>) dst(%arg11 : memref<80x128xf32, #tpu.memory_space<vmem>>)
        tpu.yield
      }) : () -> ()
      %add3A_50 = arith.constant 320 : i32
      %add3A_51 = arith.addi %mul3A_2, %add3A_50 : i32
      "tpu.region"() ({
        %run_scoped3A = tpu.sem_alloc : memref<!tpu.dma_semaphore, #tpu.memory_space<semaphore_mem>>
        %dma_start3A = arith.constant 0 : i32
        %dma_start3A_52 = tpu.memref_slice %arg6[%arg0, %add3A_51, %dma_start3A] : memref<2x10000x128xf32, #tpu.memory_space<hbm>> -> memref<1x80x128xf32, #tpu.memory_space<hbm>>
        %dma_start3A_53 = tpu.memref_squeeze %dma_start3A_52 : memref<1x80x128xf32, #tpu.memory_space<hbm>> -> memref<80x128xf32, #tpu.memory_space<hbm>>
        %dma_start3A_54 = arith.constant 0 : i32
        %dma_start3A_55 = tpu.memref_slice %arg6[%arg0, %add3A_51, %dma_start3A_54] : memref<2x10000x128xf32, #tpu.memory_space<hbm>> -> memref<1x80x128xf32, #tpu.memory_space<hbm>>
        %dma_start3A_56 = tpu.memref_squeeze %dma_start3A_55 : memref<1x80x128xf32, #tpu.memory_space<hbm>> -> memref<80x128xf32, #tpu.memory_space<hbm>>
        tpu.enqueue_dma source(%arg11 : memref<80x128xf32, #tpu.memory_space<vmem>>) target(%dma_start3A_56 : memref<80x128xf32, #tpu.memory_space<hbm>>) target_semaphore(%run_scoped3A : memref<!tpu.dma_semaphore, #tpu.memory_space<semaphore_mem>>)
        %dma_wait3A = arith.constant 0 : i32
        %dma_wait3A_57 = tpu.memref_slice %arg6[%arg0, %add3A_51, %dma_wait3A] : memref<2x10000x128xf32, #tpu.memory_space<hbm>> -> memref<1x80x128xf32, #tpu.memory_space<hbm>>
        %dma_wait3A_58 = tpu.memref_squeeze %dma_wait3A_57 : memref<1x80x128xf32, #tpu.memory_space<hbm>> -> memref<80x128xf32, #tpu.memory_space<hbm>>
        %dma_wait3A_59 = arith.constant 0 : i32
        %dma_wait3A_60 = tpu.memref_slice %arg6[%arg0, %add3A_51, %dma_wait3A_59] : memref<2x10000x128xf32, #tpu.memory_space<hbm>> -> memref<1x80x128xf32, #tpu.memory_space<hbm>>
        %dma_wait3A_61 = tpu.memref_squeeze %dma_wait3A_60 : memref<1x80x128xf32, #tpu.memory_space<hbm>> -> memref<80x128xf32, #tpu.memory_space<hbm>>
        tpu.wait_dma2 semaphore(%run_scoped3A : memref<!tpu.dma_semaphore, #tpu.memory_space<semaphore_mem>>) src(%arg11 : memref<80x128xf32, #tpu.memory_space<vmem>>) dst(%dma_wait3A_61 : memref<80x128xf32, #tpu.memory_space<hbm>>)
        tpu.yield
      }) : () -> ()
    } else {
    }
    return
  }
}

#map = affine_map<(d0, d1) -> (0)>
module attributes {stable_mosaic.version = 14 : i64} {
  func.func @_deg_body(%arg0: i32, %arg1: i32, %arg2: memref<320000xi32, #tpu.memory_space<hbm>>, %arg3: memref<20000xf32, #tpu.memory_space<hbm>>, %arg4: memref<10240xf32, #tpu.memory_space<vmem_shared>>, %arg5: memref<80xi32, #tpu.memory_space<vmem>>, %arg6: memref<80xf32, #tpu.memory_space<vmem>>, %arg7: memref<640xf32, #tpu.memory_space<vmem>>) attributes {dimension_semantics = [#tpu.dimension_semantics<core_parallel>, #tpu.dimension_semantics<subcore_parallel>], iteration_bounds = array<i64: 2, 16>, scalar_prefetch = 0 : i64, scratch_operands = 4 : i64, tpu.core_type = #tpu.core_type<sc_vector_subcore>, window_params = [{transform_indices = #map}, {transform_indices = #map}]} {
    %mul3A = arith.constant 2 : i32
    %mul3A_0 = arith.muli %arg1, %mul3A : i32
    %add3A = arith.addi %mul3A_0, %arg0 : i32
    %scan3A = arith.constant 0 : i32
    %scan3A_1 = arith.constant 40 : i32
    %scan3A_2 = arith.addi %scan3A, %scan3A_1 : i32
    %scan3A_3 = arith.constant 1 : i32
    scf.for %scan3A_51 = %scan3A to %scan3A_2 step %scan3A_3  : i32 {
      %mul3A_52 = arith.constant 1 : i32
      %mul3A_53 = arith.muli %scan3A_51, %mul3A_52 : i32
      %add3A_54 = arith.constant 0 : i32
      %add3A_55 = arith.addi %add3A_54, %mul3A_53 : i32
      %broadcast_in_dim3A_56 = arith.constant 0.000000e+00 : f32
      %broadcast_in_dim3A_57 = vector.broadcast %broadcast_in_dim3A_56 : f32 to vector<16xf32>
      %mul3A_58 = arith.constant 16 : i32
      %mul3A_59 = arith.muli %add3A_55, %mul3A_58 : i32
      %swap3A_60 = arith.index_cast %mul3A_59 : i32 to index
      %swap3A_61 = tpu.vector_load %arg7[%swap3A_60] {strides = array<i32>} : memref<640xf32, #tpu.memory_space<vmem>>, vector<16xf32>,
      %swap3A_62 = vector.shape_cast %swap3A_61 : vector<16xf32> to vector<16xf32>
      %swap3A_63 = vector.shape_cast %broadcast_in_dim3A_57 : vector<16xf32> to vector<16xf32>
      tpu.vector_store %arg7[%swap3A_60], %swap3A_63 {strides = array<i32>} : memref<640xf32, #tpu.memory_space<vmem>>, vector<16xf32>,
    }
    %scan3A_4 = arith.constant 40 : i32
    %broadcast_in_dim3A = arith.constant 1.000000e+00 : f32
    %broadcast_in_dim3A_5 = vector.broadcast %broadcast_in_dim3A : f32 to vector<16xf32>
    %swap3A = arith.constant 0 : index
    %swap3A_6 = tpu.vector_load %arg6[%swap3A] {strides = array<i32>} : memref<80xf32, #tpu.memory_space<vmem>>, vector<16xf32>,
    %swap3A_7 = vector.shape_cast %swap3A_6 : vector<16xf32> to vector<16xf32>
    %swap3A_8 = vector.shape_cast %broadcast_in_dim3A_5 : vector<16xf32> to vector<16xf32>
    tpu.vector_store %arg6[%swap3A], %swap3A_8 {strides = array<i32>} : memref<80xf32, #tpu.memory_space<vmem>>, vector<16xf32>,
    %broadcast_in_dim3A_9 = arith.constant 1.000000e+00 : f32
    %broadcast_in_dim3A_10 = vector.broadcast %broadcast_in_dim3A_9 : f32 to vector<16xf32>
    %swap3A_11 = arith.constant 16 : index
    %swap3A_12 = tpu.vector_load %arg6[%swap3A_11] {strides = array<i32>} : memref<80xf32, #tpu.memory_space<vmem>>, vector<16xf32>,
    %swap3A_13 = vector.shape_cast %swap3A_12 : vector<16xf32> to vector<16xf32>
    %swap3A_14 = vector.shape_cast %broadcast_in_dim3A_10 : vector<16xf32> to vector<16xf32>
    tpu.vector_store %arg6[%swap3A_11], %swap3A_14 {strides = array<i32>} : memref<80xf32, #tpu.memory_space<vmem>>, vector<16xf32>,
    %broadcast_in_dim3A_15 = arith.constant 1.000000e+00 : f32
    %broadcast_in_dim3A_16 = vector.broadcast %broadcast_in_dim3A_15 : f32 to vector<16xf32>
    %swap3A_17 = arith.constant 32 : index
    %swap3A_18 = tpu.vector_load %arg6[%swap3A_17] {strides = array<i32>} : memref<80xf32, #tpu.memory_space<vmem>>, vector<16xf32>,
    %swap3A_19 = vector.shape_cast %swap3A_18 : vector<16xf32> to vector<16xf32>
    %swap3A_20 = vector.shape_cast %broadcast_in_dim3A_16 : vector<16xf32> to vector<16xf32>
    tpu.vector_store %arg6[%swap3A_17], %swap3A_20 {strides = array<i32>} : memref<80xf32, #tpu.memory_space<vmem>>, vector<16xf32>,
    %broadcast_in_dim3A_21 = arith.constant 1.000000e+00 : f32
    %broadcast_in_dim3A_22 = vector.broadcast %broadcast_in_dim3A_21 : f32 to vector<16xf32>
    %swap3A_23 = arith.constant 48 : index
    %swap3A_24 = tpu.vector_load %arg6[%swap3A_23] {strides = array<i32>} : memref<80xf32, #tpu.memory_space<vmem>>, vector<16xf32>,
    %swap3A_25 = vector.shape_cast %swap3A_24 : vector<16xf32> to vector<16xf32>
    %swap3A_26 = vector.shape_cast %broadcast_in_dim3A_22 : vector<16xf32> to vector<16xf32>
    tpu.vector_store %arg6[%swap3A_23], %swap3A_26 {strides = array<i32>} : memref<80xf32, #tpu.memory_space<vmem>>, vector<16xf32>,
    %broadcast_in_dim3A_27 = arith.constant 1.000000e+00 : f32
    %broadcast_in_dim3A_28 = vector.broadcast %broadcast_in_dim3A_27 : f32 to vector<16xf32>
    %swap3A_29 = arith.constant 64 : index
    %swap3A_30 = tpu.vector_load %arg6[%swap3A_29] {strides = array<i32>} : memref<80xf32, #tpu.memory_space<vmem>>, vector<16xf32>,
    %swap3A_31 = vector.shape_cast %swap3A_30 : vector<16xf32> to vector<16xf32>
    %swap3A_32 = vector.shape_cast %broadcast_in_dim3A_28 : vector<16xf32> to vector<16xf32>
    tpu.vector_store %arg6[%swap3A_29], %swap3A_32 {strides = array<i32>} : memref<80xf32, #tpu.memory_space<vmem>>, vector<16xf32>,
    %mul3A_33 = arith.constant 640 : i32
    %mul3A_34 = arith.muli %arg1, %mul3A_33 : i32
    "tpu.region"() ({
      %run_scoped3A = tpu.sem_alloc : memref<!tpu.dma_semaphore, #tpu.memory_space<semaphore_mem>>
      %dma_start3A = tpu.memref_slice %arg4[%mul3A_34] : memref<10240xf32, #tpu.memory_space<vmem_shared>> -> memref<640xf32, #tpu.memory_space<vmem_shared>>
      %dma_start3A_51 = tpu.memref_slice %arg4[%mul3A_34] : memref<10240xf32, #tpu.memory_space<vmem_shared>> -> memref<640xf32, #tpu.memory_space<vmem_shared>>
      tpu.enqueue_dma source(%arg7 : memref<640xf32, #tpu.memory_space<vmem>>) target(%dma_start3A_51 : memref<640xf32, #tpu.memory_space<vmem_shared>>) target_semaphore(%run_scoped3A : memref<!tpu.dma_semaphore, #tpu.memory_space<semaphore_mem>>)
      %dma_wait3A = tpu.memref_slice %arg4[%mul3A_34] : memref<10240xf32, #tpu.memory_space<vmem_shared>> -> memref<640xf32, #tpu.memory_space<vmem_shared>>
      %dma_wait3A_52 = tpu.memref_slice %arg4[%mul3A_34] : memref<10240xf32, #tpu.memory_space<vmem_shared>> -> memref<640xf32, #tpu.memory_space<vmem_shared>>
      tpu.wait_dma2 semaphore(%run_scoped3A : memref<!tpu.dma_semaphore, #tpu.memory_space<semaphore_mem>>) src(%arg7 : memref<640xf32, #tpu.memory_space<vmem>>) dst(%dma_wait3A_52 : memref<640xf32, #tpu.memory_space<vmem_shared>>)
      tpu.yield
    }) : () -> ()
    %barrier3A = arith.constant 0 : index
    tpu.barrier barrier_id(%barrier3A)
    %mul3A_35 = arith.constant 10000 : i32
    %mul3A_36 = arith.muli %add3A, %mul3A_35 : i32
    %scan3A_37 = arith.constant 0 : i32
    %scan3A_38 = arith.constant 125 : i32
    %scan3A_39 = arith.addi %scan3A_37, %scan3A_38 : i32
    %scan3A_40 = arith.constant 1 : i32
    scf.for %scan3A_51 = %scan3A_37 to %scan3A_39 step %scan3A_40  : i32 {
      %mul3A_52 = arith.constant 1 : i32
      %mul3A_53 = arith.muli %scan3A_51, %mul3A_52 : i32
      %add3A_54 = arith.constant 0 : i32
      %add3A_55 = arith.addi %add3A_54, %mul3A_53 : i32
      %mul3A_56 = arith.constant 80 : i32
      %mul3A_57 = arith.muli %add3A_55, %mul3A_56 : i32
      %add3A_58 = arith.addi %mul3A_36, %mul3A_57 : i32
      "tpu.region"() ({
        %run_scoped3A = tpu.sem_alloc : memref<!tpu.dma_semaphore, #tpu.memory_space<semaphore_mem>>
        %dma_start3A = tpu.memref_slice %arg2[%add3A_58] : memref<320000xi32, #tpu.memory_space<hbm>> -> memref<80xi32, #tpu.memory_space<hbm>>
        %dma_start3A_59 = tpu.memref_slice %arg2[%add3A_58] : memref<320000xi32, #tpu.memory_space<hbm>> -> memref<80xi32, #tpu.memory_space<hbm>>
        tpu.enqueue_dma source(%dma_start3A_59 : memref<80xi32, #tpu.memory_space<hbm>>) target(%arg5 : memref<80xi32, #tpu.memory_space<vmem>>) target_semaphore(%run_scoped3A : memref<!tpu.dma_semaphore, #tpu.memory_space<semaphore_mem>>)
        %dma_wait3A = tpu.memref_slice %arg2[%add3A_58] : memref<320000xi32, #tpu.memory_space<hbm>> -> memref<80xi32, #tpu.memory_space<hbm>>
        %dma_wait3A_60 = tpu.memref_slice %arg2[%add3A_58] : memref<320000xi32, #tpu.memory_space<hbm>> -> memref<80xi32, #tpu.memory_space<hbm>>
        tpu.wait_dma2 semaphore(%run_scoped3A : memref<!tpu.dma_semaphore, #tpu.memory_space<semaphore_mem>>) src(%dma_wait3A_60 : memref<80xi32, #tpu.memory_space<hbm>>) dst(%arg5 : memref<80xi32, #tpu.memory_space<vmem>>)
        tpu.yield
      }) : () -> ()
      "tpu.region"() ({
        %run_scoped3A = tpu.sem_alloc : memref<!tpu.dma_semaphore, #tpu.memory_space<semaphore_mem>>
        %dma_start3A = arith.constant 0 : i32
        %dma_start3A_59 = tpu.memref_slice %arg4[%dma_start3A] : memref<10240xf32, #tpu.memory_space<vmem_shared>> -> memref<10240xf32, #tpu.memory_space<vmem_shared>>
        tpu.enqueue_indirect_dma source(%arg6 : memref<80xf32, #tpu.memory_space<vmem>>) target(%dma_start3A_59 : memref<10240xf32, #tpu.memory_space<vmem_shared>>) offsets(%arg5 : memref<80xi32, #tpu.memory_space<vmem>>) semaphore(%run_scoped3A : memref<!tpu.dma_semaphore, #tpu.memory_space<semaphore_mem>>) {add = true}
        %dma_wait3A = arith.constant 0 : i32
        %dma_wait3A_60 = tpu.memref_slice %arg4[%dma_wait3A] : memref<10240xf32, #tpu.memory_space<vmem_shared>> -> memref<10240xf32, #tpu.memory_space<vmem_shared>>
        tpu.wait_indirect_dma semaphore(%run_scoped3A : memref<!tpu.dma_semaphore, #tpu.memory_space<semaphore_mem>>) src(%arg6 : memref<80xf32, #tpu.memory_space<vmem>>) dst(%dma_wait3A_60 : memref<10240xf32, #tpu.memory_space<vmem_shared>>)
        tpu.yield
      }) : () -> ()
    }
    %scan3A_41 = arith.constant 125 : i32
    %barrier3A_42 = arith.constant 0 : index
    tpu.barrier barrier_id(%barrier3A_42)
    %mul3A_43 = arith.constant 640 : i32
    %mul3A_44 = arith.muli %arg1, %mul3A_43 : i32
    %lt3A = arith.constant 15 : i32
    %lt3A_45 = arith.cmpi slt, %arg1, %lt3A : i32
    %convert_element_type3A = arith.extui %lt3A_45 : i1 to i32
    %cond3A = arith.constant 0 : i32
    %cond3A_46 = arith.cmpi ne, %convert_element_type3A, %cond3A : i32
    scf.if %cond3A_46 {
      "tpu.region"() ({
        %run_scoped3A = tpu.sem_alloc : memref<!tpu.dma_semaphore, #tpu.memory_space<semaphore_mem>>
        %dma_start3A = tpu.memref_slice %arg4[%mul3A_44] : memref<10240xf32, #tpu.memory_space<vmem_shared>> -> memref<640xf32, #tpu.memory_space<vmem_shared>>
        %dma_start3A_54 = tpu.memref_slice %arg4[%mul3A_44] : memref<10240xf32, #tpu.memory_space<vmem_shared>> -> memref<640xf32, #tpu.memory_space<vmem_shared>>
        tpu.enqueue_dma source(%dma_start3A_54 : memref<640xf32, #tpu.memory_space<vmem_shared>>) target(%arg7 : memref<640xf32, #tpu.memory_space<vmem>>) target_semaphore(%run_scoped3A : memref<!tpu.dma_semaphore, #tpu.memory_space<semaphore_mem>>)
        %dma_wait3A = tpu.memref_slice %arg4[%mul3A_44] : memref<10240xf32, #tpu.memory_space<vmem_shared>> -> memref<640xf32, #tpu.memory_space<vmem_shared>>
        %dma_wait3A_55 = tpu.memref_slice %arg4[%mul3A_44] : memref<10240xf32, #tpu.memory_space<vmem_shared>> -> memref<640xf32, #tpu.memory_space<vmem_shared>>
        tpu.wait_dma2 semaphore(%run_scoped3A : memref<!tpu.dma_semaphore, #tpu.memory_space<semaphore_mem>>) src(%dma_wait3A_55 : memref<640xf32, #tpu.memory_space<vmem_shared>>) dst(%arg7 : memref<640xf32, #tpu.memory_space<vmem>>)
        tpu.yield
      }) : () -> ()
      %mul3A_51 = arith.constant 10000 : i32
      %mul3A_52 = arith.muli %arg0, %mul3A_51 : i32
      %add3A_53 = arith.addi %mul3A_52, %mul3A_44 : i32
      "tpu.region"() ({
        %run_scoped3A = tpu.sem_alloc : memref<!tpu.dma_semaphore, #tpu.memory_space<semaphore_mem>>
        %dma_start3A = tpu.memref_slice %arg3[%add3A_53] : memref<20000xf32, #tpu.memory_space<hbm>> -> memref<640xf32, #tpu.memory_space<hbm>>
        %dma_start3A_54 = tpu.memref_slice %arg3[%add3A_53] : memref<20000xf32, #tpu.memory_space<hbm>> -> memref<640xf32, #tpu.memory_space<hbm>>
        tpu.enqueue_dma source(%arg7 : memref<640xf32, #tpu.memory_space<vmem>>) target(%dma_start3A_54 : memref<640xf32, #tpu.memory_space<hbm>>) target_semaphore(%run_scoped3A : memref<!tpu.dma_semaphore, #tpu.memory_space<semaphore_mem>>)
        %dma_wait3A = tpu.memref_slice %arg3[%add3A_53] : memref<20000xf32, #tpu.memory_space<hbm>> -> memref<640xf32, #tpu.memory_space<hbm>>
        %dma_wait3A_55 = tpu.memref_slice %arg3[%add3A_53] : memref<20000xf32, #tpu.memory_space<hbm>> -> memref<640xf32, #tpu.memory_space<hbm>>
        tpu.wait_dma2 semaphore(%run_scoped3A : memref<!tpu.dma_semaphore, #tpu.memory_space<semaphore_mem>>) src(%arg7 : memref<640xf32, #tpu.memory_space<vmem>>) dst(%dma_wait3A_55 : memref<640xf32, #tpu.memory_space<hbm>>)
        tpu.yield
      }) : () -> ()
    } else {
    }
    %eq3A = arith.constant 15 : i32
    %eq3A_47 = arith.cmpi eq, %arg1, %eq3A : i32
    %convert_element_type3A_48 = arith.extui %eq3A_47 : i1 to i32
    %cond3A_49 = arith.constant 0 : i32
    %cond3A_50 = arith.cmpi ne, %convert_element_type3A_48, %cond3A_49 : i32
    scf.if %cond3A_50 {
      "tpu.region"() ({
        %run_scoped3A = tpu.sem_alloc : memref<!tpu.dma_semaphore, #tpu.memory_space<semaphore_mem>>
        %dma_start3A = arith.constant 0 : i32
        %dma_start3A_54 = tpu.memref_slice %arg7[%dma_start3A] : memref<640xf32, #tpu.memory_space<vmem>> -> memref<400xf32, #tpu.memory_space<vmem>>
        %dma_start3A_55 = tpu.memref_slice %arg4[%mul3A_44] : memref<10240xf32, #tpu.memory_space<vmem_shared>> -> memref<400xf32, #tpu.memory_space<vmem_shared>>
        %dma_start3A_56 = arith.constant 0 : i32
        %dma_start3A_57 = tpu.memref_slice %arg7[%dma_start3A_56] : memref<640xf32, #tpu.memory_space<vmem>> -> memref<400xf32, #tpu.memory_space<vmem>>
        %dma_start3A_58 = tpu.memref_slice %arg4[%mul3A_44] : memref<10240xf32, #tpu.memory_space<vmem_shared>> -> memref<400xf32, #tpu.memory_space<vmem_shared>>
        tpu.enqueue_dma source(%dma_start3A_58 : memref<400xf32, #tpu.memory_space<vmem_shared>>) target(%dma_start3A_57 : memref<400xf32, #tpu.memory_space<vmem>>) target_semaphore(%run_scoped3A : memref<!tpu.dma_semaphore, #tpu.memory_space<semaphore_mem>>)
        %dma_wait3A = arith.constant 0 : i32
        %dma_wait3A_59 = tpu.memref_slice %arg7[%dma_wait3A] : memref<640xf32, #tpu.memory_space<vmem>> -> memref<400xf32, #tpu.memory_space<vmem>>
        %dma_wait3A_60 = tpu.memref_slice %arg4[%mul3A_44] : memref<10240xf32, #tpu.memory_space<vmem_shared>> -> memref<400xf32, #tpu.memory_space<vmem_shared>>
        %dma_wait3A_61 = arith.constant 0 : i32
        %dma_wait3A_62 = tpu.memref_slice %arg7[%dma_wait3A_61] : memref<640xf32, #tpu.memory_space<vmem>> -> memref<400xf32, #tpu.memory_space<vmem>>
        %dma_wait3A_63 = tpu.memref_slice %arg4[%mul3A_44] : memref<10240xf32, #tpu.memory_space<vmem_shared>> -> memref<400xf32, #tpu.memory_space<vmem_shared>>
        tpu.wait_dma2 semaphore(%run_scoped3A : memref<!tpu.dma_semaphore, #tpu.memory_space<semaphore_mem>>) src(%dma_wait3A_63 : memref<400xf32, #tpu.memory_space<vmem_shared>>) dst(%dma_wait3A_62 : memref<400xf32, #tpu.memory_space<vmem>>)
        tpu.yield
      }) : () -> ()
      %mul3A_51 = arith.constant 10000 : i32
      %mul3A_52 = arith.muli %arg0, %mul3A_51 : i32
      %add3A_53 = arith.addi %mul3A_52, %mul3A_44 : i32
      "tpu.region"() ({
        %run_scoped3A = tpu.sem_alloc : memref<!tpu.dma_semaphore, #tpu.memory_space<semaphore_mem>>
        %dma_start3A = arith.constant 0 : i32
        %dma_start3A_54 = tpu.memref_slice %arg7[%dma_start3A] : memref<640xf32, #tpu.memory_space<vmem>> -> memref<400xf32, #tpu.memory_space<vmem>>
        %dma_start3A_55 = tpu.memref_slice %arg3[%add3A_53] : memref<20000xf32, #tpu.memory_space<hbm>> -> memref<400xf32, #tpu.memory_space<hbm>>
        %dma_start3A_56 = tpu.memref_slice %arg3[%add3A_53] : memref<20000xf32, #tpu.memory_space<hbm>> -> memref<400xf32, #tpu.memory_space<hbm>>
        %dma_start3A_57 = arith.constant 0 : i32
        %dma_start3A_58 = tpu.memref_slice %arg7[%dma_start3A_57] : memref<640xf32, #tpu.memory_space<vmem>> -> memref<400xf32, #tpu.memory_space<vmem>>
        tpu.enqueue_dma source(%dma_start3A_58 : memref<400xf32, #tpu.memory_space<vmem>>) target(%dma_start3A_56 : memref<400xf32, #tpu.memory_space<hbm>>) target_semaphore(%run_scoped3A : memref<!tpu.dma_semaphore, #tpu.memory_space<semaphore_mem>>)
        %dma_wait3A = arith.constant 0 : i32
        %dma_wait3A_59 = tpu.memref_slice %arg7[%dma_wait3A] : memref<640xf32, #tpu.memory_space<vmem>> -> memref<400xf32, #tpu.memory_space<vmem>>
        %dma_wait3A_60 = tpu.memref_slice %arg3[%add3A_53] : memref<20000xf32, #tpu.memory_space<hbm>> -> memref<400xf32, #tpu.memory_space<hbm>>
        %dma_wait3A_61 = tpu.memref_slice %arg3[%add3A_53] : memref<20000xf32, #tpu.memory_space<hbm>> -> memref<400xf32, #tpu.memory_space<hbm>>
        %dma_wait3A_62 = arith.constant 0 : i32
        %dma_wait3A_63 = tpu.memref_slice %arg7[%dma_wait3A_62] : memref<640xf32, #tpu.memory_space<vmem>> -> memref<400xf32, #tpu.memory_space<vmem>>
        tpu.wait_dma2 semaphore(%run_scoped3A : memref<!tpu.dma_semaphore, #tpu.memory_space<semaphore_mem>>) src(%dma_wait3A_63 : memref<400xf32, #tpu.memory_space<vmem>>) dst(%dma_wait3A_61 : memref<400xf32, #tpu.memory_space<hbm>>)
        tpu.yield
      }) : () -> ()
    } else {
    }
    return
  }
}

#map = affine_map<(d0, d1) -> (0, 0)>
#map1 = affine_map<(d0, d1) -> (0)>
#map2 = affine_map<(d0, d1) -> (0, 0, 0)>
module attributes {stable_mosaic.version = 14 : i64} {
  func.func @_seg_body(%arg0: i32, %arg1: i32, %arg2: memref<10000x128xf32, #tpu.memory_space<hbm>>, %arg3: memref<320000xi32, #tpu.memory_space<hbm>>, %arg4: memref<320000xi32, #tpu.memory_space<hbm>>, %arg5: memref<80x128xf32, #tpu.memory_space<hbm>>, %arg6: memref<2x10000x128xf32, #tpu.memory_space<hbm>>, %arg7: memref<10240x128xf32, #tpu.memory_space<vmem_shared>>, %arg8: memref<80xi32, #tpu.memory_space<vmem>>, %arg9: memref<80xi32, #tpu.memory_space<vmem>>, %arg10: memref<80x128xf32, #tpu.memory_space<vmem>>, %arg11: memref<80x128xf32, #tpu.memory_space<vmem>>, %arg12: memref<!tpu.dma_semaphore, #tpu.memory_space<semaphore_mem>>) attributes {dimension_semantics = [#tpu.dimension_semantics<core_parallel>, #tpu.dimension_semantics<subcore_parallel>], iteration_bounds = array<i64: 2, 16>, scalar_prefetch = 0 : i64, scratch_operands = 6 : i64, tpu.core_type = #tpu.core_type<sc_vector_subcore>, window_params = [{transform_indices = #map}, {transform_indices = #map1}, {transform_indices = #map1}, {transform_indices = #map}, {transform_indices = #map2}]} {
    %mul3A = arith.constant 2 : i32
    %mul3A_0 = arith.muli %arg1, %mul3A : i32
    %add3A = arith.addi %mul3A_0, %arg0 : i32
    "tpu.region"() ({
      %run_scoped3A = tpu.sem_alloc : memref<!tpu.dma_semaphore, #tpu.memory_space<semaphore_mem>>
      tpu.enqueue_dma source(%arg5 : memref<80x128xf32, #tpu.memory_space<hbm>>) target(%arg11 : memref<80x128xf32, #tpu.memory_space<vmem>>) target_semaphore(%run_scoped3A : memref<!tpu.dma_semaphore, #tpu.memory_space<semaphore_mem>>)
      tpu.wait_dma2 semaphore(%run_scoped3A : memref<!tpu.dma_semaphore, #tpu.memory_space<semaphore_mem>>) src(%arg5 : memref<80x128xf32, #tpu.memory_space<hbm>>) dst(%arg11 : memref<80x128xf32, #tpu.memory_space<vmem>>)
      tpu.yield
    }) : () -> ()
    %mul3A_1 = arith.constant 640 : i32
    %mul3A_2 = arith.muli %arg1, %mul3A_1 : i32
    %add3A_3 = arith.constant 0 : i32
    %add3A_4 = arith.addi %mul3A_2, %add3A_3 : i32
    "tpu.region"() ({
      %run_scoped3A = tpu.sem_alloc : memref<!tpu.dma_semaphore, #tpu.memory_space<semaphore_mem>>
      %dma_start3A = arith.constant 0 : i32
      %dma_start3A_32 = tpu.memref_slice %arg7[%add3A_4, %dma_start3A] : memref<10240x128xf32, #tpu.memory_space<vmem_shared>> -> memref<80x128xf32, #tpu.memory_space<vmem_shared>>
      %dma_start3A_33 = arith.constant 0 : i32
      %dma_start3A_34 = tpu.memref_slice %arg7[%add3A_4, %dma_start3A_33] : memref<10240x128xf32, #tpu.memory_space<vmem_shared>> -> memref<80x128xf32, #tpu.memory_space<vmem_shared>>
      tpu.enqueue_dma source(%arg11 : memref<80x128xf32, #tpu.memory_space<vmem>>) target(%dma_start3A_34 : memref<80x128xf32, #tpu.memory_space<vmem_shared>>) target_semaphore(%run_scoped3A : memref<!tpu.dma_semaphore, #tpu.memory_space<semaphore_mem>>)
      %dma_wait3A = arith.constant 0 : i32
      %dma_wait3A_35 = tpu.memref_slice %arg7[%add3A_4, %dma_wait3A] : memref<10240x128xf32, #tpu.memory_space<vmem_shared>> -> memref<80x128xf32, #tpu.memory_space<vmem_shared>>
      %dma_wait3A_36 = arith.constant 0 : i32
      %dma_wait3A_37 = tpu.memref_slice %arg7[%add3A_4, %dma_wait3A_36] : memref<10240x128xf32, #tpu.memory_space<vmem_shared>> -> memref<80x128xf32, #tpu.memory_space<vmem_shared>>
      tpu.wait_dma2 semaphore(%run_scoped3A : memref<!tpu.dma_semaphore, #tpu.memory_space<semaphore_mem>>) src(%arg11 : memref<80x128xf32, #tpu.memory_space<vmem>>) dst(%dma_wait3A_37 : memref<80x128xf32, #tpu.memory_space<vmem_shared>>)
      tpu.yield
    }) : () -> ()
    %add3A_5 = arith.constant 80 : i32
    %add3A_6 = arith.addi %mul3A_2, %add3A_5 : i32
    "tpu.region"() ({
      %run_scoped3A = tpu.sem_alloc : memref<!tpu.dma_semaphore, #tpu.memory_space<semaphore_mem>>
      %dma_start3A = arith.constant 0 : i32
      %dma_start3A_32 = tpu.memref_slice %arg7[%add3A_6, %dma_start3A] : memref<10240x128xf32, #tpu.memory_space<vmem_shared>> -> memref<80x128xf32, #tpu.memory_space<vmem_shared>>
      %dma_start3A_33 = arith.constant 0 : i32
      %dma_start3A_34 = tpu.memref_slice %arg7[%add3A_6, %dma_start3A_33] : memref<10240x128xf32, #tpu.memory_space<vmem_shared>> -> memref<80x128xf32, #tpu.memory_space<vmem_shared>>
      tpu.enqueue_dma source(%arg11 : memref<80x128xf32, #tpu.memory_space<vmem>>) target(%dma_start3A_34 : memref<80x128xf32, #tpu.memory_space<vmem_shared>>) target_semaphore(%run_scoped3A : memref<!tpu.dma_semaphore, #tpu.memory_space<semaphore_mem>>)
      %dma_wait3A = arith.constant 0 : i32
      %dma_wait3A_35 = tpu.memref_slice %arg7[%add3A_6, %dma_wait3A] : memref<10240x128xf32, #tpu.memory_space<vmem_shared>> -> memref<80x128xf32, #tpu.memory_space<vmem_shared>>
      %dma_wait3A_36 = arith.constant 0 : i32
      %dma_wait3A_37 = tpu.memref_slice %arg7[%add3A_6, %dma_wait3A_36] : memref<10240x128xf32, #tpu.memory_space<vmem_shared>> -> memref<80x128xf32, #tpu.memory_space<vmem_shared>>
      tpu.wait_dma2 semaphore(%run_scoped3A : memref<!tpu.dma_semaphore, #tpu.memory_space<semaphore_mem>>) src(%arg11 : memref<80x128xf32, #tpu.memory_space<vmem>>) dst(%dma_wait3A_37 : memref<80x128xf32, #tpu.memory_space<vmem_shared>>)
      tpu.yield
    }) : () -> ()
    %add3A_7 = arith.constant 160 : i32
    %add3A_8 = arith.addi %mul3A_2, %add3A_7 : i32
    "tpu.region"() ({
      %run_scoped3A = tpu.sem_alloc : memref<!tpu.dma_semaphore, #tpu.memory_space<semaphore_mem>>
      %dma_start3A = arith.constant 0 : i32
      %dma_start3A_32 = tpu.memref_slice %arg7[%add3A_8, %dma_start3A] : memref<10240x128xf32, #tpu.memory_space<vmem_shared>> -> memref<80x128xf32, #tpu.memory_space<vmem_shared>>
      %dma_start3A_33 = arith.constant 0 : i32
      %dma_start3A_34 = tpu.memref_slice %arg7[%add3A_8, %dma_start3A_33] : memref<10240x128xf32, #tpu.memory_space<vmem_shared>> -> memref<80x128xf32, #tpu.memory_space<vmem_shared>>
      tpu.enqueue_dma source(%arg11 : memref<80x128xf32, #tpu.memory_space<vmem>>) target(%dma_start3A_34 : memref<80x128xf32, #tpu.memory_space<vmem_shared>>) target_semaphore(%run_scoped3A : memref<!tpu.dma_semaphore, #tpu.memory_space<semaphore_mem>>)
      %dma_wait3A = arith.constant 0 : i32
      %dma_wait3A_35 = tpu.memref_slice %arg7[%add3A_8, %dma_wait3A] : memref<10240x128xf32, #tpu.memory_space<vmem_shared>> -> memref<80x128xf32, #tpu.memory_space<vmem_shared>>
      %dma_wait3A_36 = arith.constant 0 : i32
      %dma_wait3A_37 = tpu.memref_slice %arg7[%add3A_8, %dma_wait3A_36] : memref<10240x128xf32, #tpu.memory_space<vmem_shared>> -> memref<80x128xf32, #tpu.memory_space<vmem_shared>>
      tpu.wait_dma2 semaphore(%run_scoped3A : memref<!tpu.dma_semaphore, #tpu.memory_space<semaphore_mem>>) src(%arg11 : memref<80x128xf32, #tpu.memory_space<vmem>>) dst(%dma_wait3A_37 : memref<80x128xf32, #tpu.memory_space<vmem_shared>>)
      tpu.yield
    }) : () -> ()
    %add3A_9 = arith.constant 240 : i32
    %add3A_10 = arith.addi %mul3A_2, %add3A_9 : i32
    "tpu.region"() ({
      %run_scoped3A = tpu.sem_alloc : memref<!tpu.dma_semaphore, #tpu.memory_space<semaphore_mem>>
      %dma_start3A = arith.constant 0 : i32
      %dma_start3A_32 = tpu.memref_slice %arg7[%add3A_10, %dma_start3A] : memref<10240x128xf32, #tpu.memory_space<vmem_shared>> -> memref<80x128xf32, #tpu.memory_space<vmem_shared>>
      %dma_start3A_33 = arith.constant 0 : i32
      %dma_start3A_34 = tpu.memref_slice %arg7[%add3A_10, %dma_start3A_33] : memref<10240x128xf32, #tpu.memory_space<vmem_shared>> -> memref<80x128xf32, #tpu.memory_space<vmem_shared>>
      tpu.enqueue_dma source(%arg11 : memref<80x128xf32, #tpu.memory_space<vmem>>) target(%dma_start3A_34 : memref<80x128xf32, #tpu.memory_space<vmem_shared>>) target_semaphore(%run_scoped3A : memref<!tpu.dma_semaphore, #tpu.memory_space<semaphore_mem>>)
      %dma_wait3A = arith.constant 0 : i32
      %dma_wait3A_35 = tpu.memref_slice %arg7[%add3A_10, %dma_wait3A] : memref<10240x128xf32, #tpu.memory_space<vmem_shared>> -> memref<80x128xf32, #tpu.memory_space<vmem_shared>>
      %dma_wait3A_36 = arith.constant 0 : i32
      %dma_wait3A_37 = tpu.memref_slice %arg7[%add3A_10, %dma_wait3A_36] : memref<10240x128xf32, #tpu.memory_space<vmem_shared>> -> memref<80x128xf32, #tpu.memory_space<vmem_shared>>
      tpu.wait_dma2 semaphore(%run_scoped3A : memref<!tpu.dma_semaphore, #tpu.memory_space<semaphore_mem>>) src(%arg11 : memref<80x128xf32, #tpu.memory_space<vmem>>) dst(%dma_wait3A_37 : memref<80x128xf32, #tpu.memory_space<vmem_shared>>)
      tpu.yield
    }) : () -> ()
    %add3A_11 = arith.constant 320 : i32
    %add3A_12 = arith.addi %mul3A_2, %add3A_11 : i32
    "tpu.region"() ({
      %run_scoped3A = tpu.sem_alloc : memref<!tpu.dma_semaphore, #tpu.memory_space<semaphore_mem>>
      %dma_start3A = arith.constant 0 : i32
      %dma_start3A_32 = tpu.memref_slice %arg7[%add3A_12, %dma_start3A] : memref<10240x128xf32, #tpu.memory_space<vmem_shared>> -> memref<80x128xf32, #tpu.memory_space<vmem_shared>>
      %dma_start3A_33 = arith.constant 0 : i32
      %dma_start3A_34 = tpu.memref_slice %arg7[%add3A_12, %dma_start3A_33] : memref<10240x128xf32, #tpu.memory_space<vmem_shared>> -> memref<80x128xf32, #tpu.memory_space<vmem_shared>>
      tpu.enqueue_dma source(%arg11 : memref<80x128xf32, #tpu.memory_space<vmem>>) target(%dma_start3A_34 : memref<80x128xf32, #tpu.memory_space<vmem_shared>>) target_semaphore(%run_scoped3A : memref<!tpu.dma_semaphore, #tpu.memory_space<semaphore_mem>>)
      %dma_wait3A = arith.constant 0 : i32
      %dma_wait3A_35 = tpu.memref_slice %arg7[%add3A_12, %dma_wait3A] : memref<10240x128xf32, #tpu.memory_space<vmem_shared>> -> memref<80x128xf32, #tpu.memory_space<vmem_shared>>
      %dma_wait3A_36 = arith.constant 0 : i32
      %dma_wait3A_37 = tpu.memref_slice %arg7[%add3A_12, %dma_wait3A_36] : memref<10240x128xf32, #tpu.memory_space<vmem_shared>> -> memref<80x128xf32, #tpu.memory_space<vmem_shared>>
      tpu.wait_dma2 semaphore(%run_scoped3A : memref<!tpu.dma_semaphore, #tpu.memory_space<semaphore_mem>>) src(%arg11 : memref<80x128xf32, #tpu.memory_space<vmem>>) dst(%dma_wait3A_37 : memref<80x128xf32, #tpu.memory_space<vmem_shared>>)
      tpu.yield
    }) : () -> ()
    %add3A_13 = arith.constant 400 : i32
    %add3A_14 = arith.addi %mul3A_2, %add3A_13 : i32
    "tpu.region"() ({
      %run_scoped3A = tpu.sem_alloc : memref<!tpu.dma_semaphore, #tpu.memory_space<semaphore_mem>>
      %dma_start3A = arith.constant 0 : i32
      %dma_start3A_32 = tpu.memref_slice %arg7[%add3A_14, %dma_start3A] : memref<10240x128xf32, #tpu.memory_space<vmem_shared>> -> memref<80x128xf32, #tpu.memory_space<vmem_shared>>
      %dma_start3A_33 = arith.constant 0 : i32
      %dma_start3A_34 = tpu.memref_slice %arg7[%add3A_14, %dma_start3A_33] : memref<10240x128xf32, #tpu.memory_space<vmem_shared>> -> memref<80x128xf32, #tpu.memory_space<vmem_shared>>
      tpu.enqueue_dma source(%arg11 : memref<80x128xf32, #tpu.memory_space<vmem>>) target(%dma_start3A_34 : memref<80x128xf32, #tpu.memory_space<vmem_shared>>) target_semaphore(%run_scoped3A : memref<!tpu.dma_semaphore, #tpu.memory_space<semaphore_mem>>)
      %dma_wait3A = arith.constant 0 : i32
      %dma_wait3A_35 = tpu.memref_slice %arg7[%add3A_14, %dma_wait3A] : memref<10240x128xf32, #tpu.memory_space<vmem_shared>> -> memref<80x128xf32, #tpu.memory_space<vmem_shared>>
      %dma_wait3A_36 = arith.constant 0 : i32
      %dma_wait3A_37 = tpu.memref_slice %arg7[%add3A_14, %dma_wait3A_36] : memref<10240x128xf32, #tpu.memory_space<vmem_shared>> -> memref<80x128xf32, #tpu.memory_space<vmem_shared>>
      tpu.wait_dma2 semaphore(%run_scoped3A : memref<!tpu.dma_semaphore, #tpu.memory_space<semaphore_mem>>) src(%arg11 : memref<80x128xf32, #tpu.memory_space<vmem>>) dst(%dma_wait3A_37 : memref<80x128xf32, #tpu.memory_space<vmem_shared>>)
      tpu.yield
    }) : () -> ()
    %add3A_15 = arith.constant 480 : i32
    %add3A_16 = arith.addi %mul3A_2, %add3A_15 : i32
    "tpu.region"() ({
      %run_scoped3A = tpu.sem_alloc : memref<!tpu.dma_semaphore, #tpu.memory_space<semaphore_mem>>
      %dma_start3A = arith.constant 0 : i32
      %dma_start3A_32 = tpu.memref_slice %arg7[%add3A_16, %dma_start3A] : memref<10240x128xf32, #tpu.memory_space<vmem_shared>> -> memref<80x128xf32, #tpu.memory_space<vmem_shared>>
      %dma_start3A_33 = arith.constant 0 : i32
      %dma_start3A_34 = tpu.memref_slice %arg7[%add3A_16, %dma_start3A_33] : memref<10240x128xf32, #tpu.memory_space<vmem_shared>> -> memref<80x128xf32, #tpu.memory_space<vmem_shared>>
      tpu.enqueue_dma source(%arg11 : memref<80x128xf32, #tpu.memory_space<vmem>>) target(%dma_start3A_34 : memref<80x128xf32, #tpu.memory_space<vmem_shared>>) target_semaphore(%run_scoped3A : memref<!tpu.dma_semaphore, #tpu.memory_space<semaphore_mem>>)
      %dma_wait3A = arith.constant 0 : i32
      %dma_wait3A_35 = tpu.memref_slice %arg7[%add3A_16, %dma_wait3A] : memref<10240x128xf32, #tpu.memory_space<vmem_shared>> -> memref<80x128xf32, #tpu.memory_space<vmem_shared>>
      %dma_wait3A_36 = arith.constant 0 : i32
      %dma_wait3A_37 = tpu.memref_slice %arg7[%add3A_16, %dma_wait3A_36] : memref<10240x128xf32, #tpu.memory_space<vmem_shared>> -> memref<80x128xf32, #tpu.memory_space<vmem_shared>>
      tpu.wait_dma2 semaphore(%run_scoped3A : memref<!tpu.dma_semaphore, #tpu.memory_space<semaphore_mem>>) src(%arg11 : memref<80x128xf32, #tpu.memory_space<vmem>>) dst(%dma_wait3A_37 : memref<80x128xf32, #tpu.memory_space<vmem_shared>>)
      tpu.yield
    }) : () -> ()
    %add3A_17 = arith.constant 560 : i32
    %add3A_18 = arith.addi %mul3A_2, %add3A_17 : i32
    "tpu.region"() ({
      %run_scoped3A = tpu.sem_alloc : memref<!tpu.dma_semaphore, #tpu.memory_space<semaphore_mem>>
      %dma_start3A = arith.constant 0 : i32
      %dma_start3A_32 = tpu.memref_slice %arg7[%add3A_18, %dma_start3A] : memref<10240x128xf32, #tpu.memory_space<vmem_shared>> -> memref<80x128xf32, #tpu.memory_space<vmem_shared>>
      %dma_start3A_33 = arith.constant 0 : i32
      %dma_start3A_34 = tpu.memref_slice %arg7[%add3A_18, %dma_start3A_33] : memref<10240x128xf32, #tpu.memory_space<vmem_shared>> -> memref<80x128xf32, #tpu.memory_space<vmem_shared>>
      tpu.enqueue_dma source(%arg11 : memref<80x128xf32, #tpu.memory_space<vmem>>) target(%dma_start3A_34 : memref<80x128xf32, #tpu.memory_space<vmem_shared>>) target_semaphore(%run_scoped3A : memref<!tpu.dma_semaphore, #tpu.memory_space<semaphore_mem>>)
      %dma_wait3A = arith.constant 0 : i32
      %dma_wait3A_35 = tpu.memref_slice %arg7[%add3A_18, %dma_wait3A] : memref<10240x128xf32, #tpu.memory_space<vmem_shared>> -> memref<80x128xf32, #tpu.memory_space<vmem_shared>>
      %dma_wait3A_36 = arith.constant 0 : i32
      %dma_wait3A_37 = tpu.memref_slice %arg7[%add3A_18, %dma_wait3A_36] : memref<10240x128xf32, #tpu.memory_space<vmem_shared>> -> memref<80x128xf32, #tpu.memory_space<vmem_shared>>
      tpu.wait_dma2 semaphore(%run_scoped3A : memref<!tpu.dma_semaphore, #tpu.memory_space<semaphore_mem>>) src(%arg11 : memref<80x128xf32, #tpu.memory_space<vmem>>) dst(%dma_wait3A_37 : memref<80x128xf32, #tpu.memory_space<vmem_shared>>)
      tpu.yield
    }) : () -> ()
    %barrier3A = arith.constant 0 : index
    tpu.barrier barrier_id(%barrier3A)
    %mul3A_19 = arith.constant 10000 : i32
    %mul3A_20 = arith.muli %add3A, %mul3A_19 : i32
    %scan3A = arith.constant 0 : i32
    %scan3A_21 = arith.constant 125 : i32
    %scan3A_22 = arith.addi %scan3A, %scan3A_21 : i32
    %scan3A_23 = arith.constant 1 : i32
    scf.for %scan3A_32 = %scan3A to %scan3A_22 step %scan3A_23  : i32 {
      %mul3A_33 = arith.constant 1 : i32
      %mul3A_34 = arith.muli %scan3A_32, %mul3A_33 : i32
      %add3A_35 = arith.constant 0 : i32
      %add3A_36 = arith.addi %add3A_35, %mul3A_34 : i32
      %mul3A_37 = arith.constant 80 : i32
      %mul3A_38 = arith.muli %add3A_36, %mul3A_37 : i32
      %add3A_39 = arith.addi %mul3A_20, %mul3A_38 : i32
      "tpu.region"() ({
        %run_scoped3A = tpu.sem_alloc : memref<!tpu.dma_semaphore, #tpu.memory_space<semaphore_mem>>
        %dma_start3A_44 = tpu.memref_slice %arg3[%add3A_39] : memref<320000xi32, #tpu.memory_space<hbm>> -> memref<80xi32, #tpu.memory_space<hbm>>
        %dma_start3A_45 = tpu.memref_slice %arg3[%add3A_39] : memref<320000xi32, #tpu.memory_space<hbm>> -> memref<80xi32, #tpu.memory_space<hbm>>
        tpu.enqueue_dma source(%dma_start3A_45 : memref<80xi32, #tpu.memory_space<hbm>>) target(%arg8 : memref<80xi32, #tpu.memory_space<vmem>>) target_semaphore(%run_scoped3A : memref<!tpu.dma_semaphore, #tpu.memory_space<semaphore_mem>>)
        %dma_wait3A_46 = tpu.memref_slice %arg3[%add3A_39] : memref<320000xi32, #tpu.memory_space<hbm>> -> memref<80xi32, #tpu.memory_space<hbm>>
        %dma_wait3A_47 = tpu.memref_slice %arg3[%add3A_39] : memref<320000xi32, #tpu.memory_space<hbm>> -> memref<80xi32, #tpu.memory_space<hbm>>
        tpu.wait_dma2 semaphore(%run_scoped3A : memref<!tpu.dma_semaphore, #tpu.memory_space<semaphore_mem>>) src(%dma_wait3A_47 : memref<80xi32, #tpu.memory_space<hbm>>) dst(%arg8 : memref<80xi32, #tpu.memory_space<vmem>>)
        tpu.yield
      }) : () -> ()
      "tpu.region"() ({
        %run_scoped3A = tpu.sem_alloc : memref<!tpu.dma_semaphore, #tpu.memory_space<semaphore_mem>>
        %dma_start3A_44 = tpu.memref_slice %arg4[%add3A_39] : memref<320000xi32, #tpu.memory_space<hbm>> -> memref<80xi32, #tpu.memory_space<hbm>>
        %dma_start3A_45 = tpu.memref_slice %arg4[%add3A_39] : memref<320000xi32, #tpu.memory_space<hbm>> -> memref<80xi32, #tpu.memory_space<hbm>>
        tpu.enqueue_dma source(%dma_start3A_45 : memref<80xi32, #tpu.memory_space<hbm>>) target(%arg9 : memref<80xi32, #tpu.memory_space<vmem>>) target_semaphore(%run_scoped3A : memref<!tpu.dma_semaphore, #tpu.memory_space<semaphore_mem>>)
        %dma_wait3A_46 = tpu.memref_slice %arg4[%add3A_39] : memref<320000xi32, #tpu.memory_space<hbm>> -> memref<80xi32, #tpu.memory_space<hbm>>
        %dma_wait3A_47 = tpu.memref_slice %arg4[%add3A_39] : memref<320000xi32, #tpu.memory_space<hbm>> -> memref<80xi32, #tpu.memory_space<hbm>>
        tpu.wait_dma2 semaphore(%run_scoped3A : memref<!tpu.dma_semaphore, #tpu.memory_space<semaphore_mem>>) src(%dma_wait3A_47 : memref<80xi32, #tpu.memory_space<hbm>>) dst(%arg9 : memref<80xi32, #tpu.memory_space<vmem>>)
        tpu.yield
      }) : () -> ()
      %dma_start3A = arith.constant 0 : i32
      %dma_start3A_40 = arith.constant 0 : i32
      %dma_start3A_41 = tpu.memref_slice %arg2[%dma_start3A, %dma_start3A_40] : memref<10000x128xf32, #tpu.memory_space<hbm>> -> memref<10000x128xf32, #tpu.memory_space<hbm>>
      tpu.enqueue_indirect_dma source(%dma_start3A_41 : memref<10000x128xf32, #tpu.memory_space<hbm>>) target(%arg10 : memref<80x128xf32, #tpu.memory_space<vmem>>) offsets(%arg8 : memref<80xi32, #tpu.memory_space<vmem>>) semaphore(%arg12 : memref<!tpu.dma_semaphore, #tpu.memory_space<semaphore_mem>>)
      %dma_wait3A = arith.constant 0 : i32
      %dma_wait3A_42 = arith.constant 0 : i32
      %dma_wait3A_43 = tpu.memref_slice %arg2[%dma_wait3A, %dma_wait3A_42] : memref<10000x128xf32, #tpu.memory_space<hbm>> -> memref<10000x128xf32, #tpu.memory_space<hbm>>
      tpu.wait_indirect_dma semaphore(%arg12 : memref<!tpu.dma_semaphore, #tpu.memory_space<semaphore_mem>>) src(%dma_wait3A_43 : memref<10000x128xf32, #tpu.memory_space<hbm>>) dst(%arg10 : memref<80x128xf32, #tpu.memory_space<vmem>>)
      "tpu.region"() ({
        %run_scoped3A = tpu.sem_alloc : memref<!tpu.dma_semaphore, #tpu.memory_space<semaphore_mem>>
        %dma_start3A_44 = arith.constant 0 : i32
        %dma_start3A_45 = arith.constant 0 : i32
        %dma_start3A_46 = tpu.memref_slice %arg7[%dma_start3A_44, %dma_start3A_45] : memref<10240x128xf32, #tpu.memory_space<vmem_shared>> -> memref<10240x128xf32, #tpu.memory_space<vmem_shared>>
        tpu.enqueue_indirect_dma source(%arg10 : memref<80x128xf32, #tpu.memory_space<vmem>>) target(%dma_start3A_46 : memref<10240x128xf32, #tpu.memory_space<vmem_shared>>) offsets(%arg9 : memref<80xi32, #tpu.memory_space<vmem>>) semaphore(%run_scoped3A : memref<!tpu.dma_semaphore, #tpu.memory_space<semaphore_mem>>) {add = true}
        %dma_wait3A_47 = arith.constant 0 : i32
        %dma_wait3A_48 = arith.constant 0 : i32
        %dma_wait3A_49 = tpu.memref_slice %arg7[%dma_wait3A_47, %dma_wait3A_48] : memref<10240x128xf32, #tpu.memory_space<vmem_shared>> -> memref<10240x128xf32, #tpu.memory_space<vmem_shared>>
        tpu.wait_indirect_dma semaphore(%run_scoped3A : memref<!tpu.dma_semaphore, #tpu.memory_space<semaphore_mem>>) src(%arg10 : memref<80x128xf32, #tpu.memory_space<vmem>>) dst(%dma_wait3A_49 : memref<10240x128xf32, #tpu.memory_space<vmem_shared>>)
        tpu.yield
      }) : () -> ()
    }
    %scan3A_24 = arith.constant 125 : i32
    %barrier3A_25 = arith.constant 0 : index
    tpu.barrier barrier_id(%barrier3A_25)
    %lt3A = arith.constant 15 : i32
    %lt3A_26 = arith.cmpi slt, %arg1, %lt3A : i32
    %convert_element_type3A = arith.extui %lt3A_26 : i1 to i32
    %cond3A = arith.constant 0 : i32
    %cond3A_27 = arith.cmpi ne, %convert_element_type3A, %cond3A : i32
    scf.if %cond3A_27 {
      %add3A_32 = arith.constant 0 : i32
      %add3A_33 = arith.addi %mul3A_2, %add3A_32 : i32
      "tpu.region"() ({
        %run_scoped3A = tpu.sem_alloc : memref<!tpu.dma_semaphore, #tpu.memory_space<semaphore_mem>>
        %dma_start3A = arith.constant 0 : i32
        %dma_start3A_64 = tpu.memref_slice %arg7[%add3A_33, %dma_start3A] : memref<10240x128xf32, #tpu.memory_space<vmem_shared>> -> memref<80x128xf32, #tpu.memory_space<vmem_shared>>
        %dma_start3A_65 = arith.constant 0 : i32
        %dma_start3A_66 = tpu.memref_slice %arg7[%add3A_33, %dma_start3A_65] : memref<10240x128xf32, #tpu.memory_space<vmem_shared>> -> memref<80x128xf32, #tpu.memory_space<vmem_shared>>
        tpu.enqueue_dma source(%dma_start3A_66 : memref<80x128xf32, #tpu.memory_space<vmem_shared>>) target(%arg11 : memref<80x128xf32, #tpu.memory_space<vmem>>) target_semaphore(%run_scoped3A : memref<!tpu.dma_semaphore, #tpu.memory_space<semaphore_mem>>)
        %dma_wait3A = arith.constant 0 : i32
        %dma_wait3A_67 = tpu.memref_slice %arg7[%add3A_33, %dma_wait3A] : memref<10240x128xf32, #tpu.memory_space<vmem_shared>> -> memref<80x128xf32, #tpu.memory_space<vmem_shared>>
        %dma_wait3A_68 = arith.constant 0 : i32
        %dma_wait3A_69 = tpu.memref_slice %arg7[%add3A_33, %dma_wait3A_68] : memref<10240x128xf32, #tpu.memory_space<vmem_shared>> -> memref<80x128xf32, #tpu.memory_space<vmem_shared>>
        tpu.wait_dma2 semaphore(%run_scoped3A : memref<!tpu.dma_semaphore, #tpu.memory_space<semaphore_mem>>) src(%dma_wait3A_69 : memref<80x128xf32, #tpu.memory_space<vmem_shared>>) dst(%arg11 : memref<80x128xf32, #tpu.memory_space<vmem>>)
        tpu.yield
      }) : () -> ()
      %add3A_34 = arith.constant 0 : i32
      %add3A_35 = arith.addi %mul3A_2, %add3A_34 : i32
      "tpu.region"() ({
        %run_scoped3A = tpu.sem_alloc : memref<!tpu.dma_semaphore, #tpu.memory_space<semaphore_mem>>
        %dma_start3A = arith.constant 0 : i32
        %dma_start3A_64 = tpu.memref_slice %arg6[%arg0, %add3A_35, %dma_start3A] : memref<2x10000x128xf32, #tpu.memory_space<hbm>> -> memref<1x80x128xf32, #tpu.memory_space<hbm>>
        %dma_start3A_65 = tpu.memref_squeeze %dma_start3A_64 : memref<1x80x128xf32, #tpu.memory_space<hbm>> -> memref<80x128xf32, #tpu.memory_space<hbm>>
        %dma_start3A_66 = arith.constant 0 : i32
        %dma_start3A_67 = tpu.memref_slice %arg6[%arg0, %add3A_35, %dma_start3A_66] : memref<2x10000x128xf32, #tpu.memory_space<hbm>> -> memref<1x80x128xf32, #tpu.memory_space<hbm>>
        %dma_start3A_68 = tpu.memref_squeeze %dma_start3A_67 : memref<1x80x128xf32, #tpu.memory_space<hbm>> -> memref<80x128xf32, #tpu.memory_space<hbm>>
        tpu.enqueue_dma source(%arg11 : memref<80x128xf32, #tpu.memory_space<vmem>>) target(%dma_start3A_68 : memref<80x128xf32, #tpu.memory_space<hbm>>) target_semaphore(%run_scoped3A : memref<!tpu.dma_semaphore, #tpu.memory_space<semaphore_mem>>)
        %dma_wait3A = arith.constant 0 : i32
        %dma_wait3A_69 = tpu.memref_slice %arg6[%arg0, %add3A_35, %dma_wait3A] : memref<2x10000x128xf32, #tpu.memory_space<hbm>> -> memref<1x80x128xf32, #tpu.memory_space<hbm>>
        %dma_wait3A_70 = tpu.memref_squeeze %dma_wait3A_69 : memref<1x80x128xf32, #tpu.memory_space<hbm>> -> memref<80x128xf32, #tpu.memory_space<hbm>>
        %dma_wait3A_71 = arith.constant 0 : i32
        %dma_wait3A_72 = tpu.memref_slice %arg6[%arg0, %add3A_35, %dma_wait3A_71] : memref<2x10000x128xf32, #tpu.memory_space<hbm>> -> memref<1x80x128xf32, #tpu.memory_space<hbm>>
        %dma_wait3A_73 = tpu.memref_squeeze %dma_wait3A_72 : memref<1x80x128xf32, #tpu.memory_space<hbm>> -> memref<80x128xf32, #tpu.memory_space<hbm>>
        tpu.wait_dma2 semaphore(%run_scoped3A : memref<!tpu.dma_semaphore, #tpu.memory_space<semaphore_mem>>) src(%arg11 : memref<80x128xf32, #tpu.memory_space<vmem>>) dst(%dma_wait3A_73 : memref<80x128xf32, #tpu.memory_space<hbm>>)
        tpu.yield
      }) : () -> ()
      %add3A_36 = arith.constant 80 : i32
      %add3A_37 = arith.addi %mul3A_2, %add3A_36 : i32
      "tpu.region"() ({
        %run_scoped3A = tpu.sem_alloc : memref<!tpu.dma_semaphore, #tpu.memory_space<semaphore_mem>>
        %dma_start3A = arith.constant 0 : i32
        %dma_start3A_64 = tpu.memref_slice %arg7[%add3A_37, %dma_start3A] : memref<10240x128xf32, #tpu.memory_space<vmem_shared>> -> memref<80x128xf32, #tpu.memory_space<vmem_shared>>
        %dma_start3A_65 = arith.constant 0 : i32
        %dma_start3A_66 = tpu.memref_slice %arg7[%add3A_37, %dma_start3A_65] : memref<10240x128xf32, #tpu.memory_space<vmem_shared>> -> memref<80x128xf32, #tpu.memory_space<vmem_shared>>
        tpu.enqueue_dma source(%dma_start3A_66 : memref<80x128xf32, #tpu.memory_space<vmem_shared>>) target(%arg11 : memref<80x128xf32, #tpu.memory_space<vmem>>) target_semaphore(%run_scoped3A : memref<!tpu.dma_semaphore, #tpu.memory_space<semaphore_mem>>)
        %dma_wait3A = arith.constant 0 : i32
        %dma_wait3A_67 = tpu.memref_slice %arg7[%add3A_37, %dma_wait3A] : memref<10240x128xf32, #tpu.memory_space<vmem_shared>> -> memref<80x128xf32, #tpu.memory_space<vmem_shared>>
        %dma_wait3A_68 = arith.constant 0 : i32
        %dma_wait3A_69 = tpu.memref_slice %arg7[%add3A_37, %dma_wait3A_68] : memref<10240x128xf32, #tpu.memory_space<vmem_shared>> -> memref<80x128xf32, #tpu.memory_space<vmem_shared>>
        tpu.wait_dma2 semaphore(%run_scoped3A : memref<!tpu.dma_semaphore, #tpu.memory_space<semaphore_mem>>) src(%dma_wait3A_69 : memref<80x128xf32, #tpu.memory_space<vmem_shared>>) dst(%arg11 : memref<80x128xf32, #tpu.memory_space<vmem>>)
        tpu.yield
      }) : () -> ()
      %add3A_38 = arith.constant 80 : i32
      %add3A_39 = arith.addi %mul3A_2, %add3A_38 : i32
      "tpu.region"() ({
        %run_scoped3A = tpu.sem_alloc : memref<!tpu.dma_semaphore, #tpu.memory_space<semaphore_mem>>
        %dma_start3A = arith.constant 0 : i32
        %dma_start3A_64 = tpu.memref_slice %arg6[%arg0, %add3A_39, %dma_start3A] : memref<2x10000x128xf32, #tpu.memory_space<hbm>> -> memref<1x80x128xf32, #tpu.memory_space<hbm>>
        %dma_start3A_65 = tpu.memref_squeeze %dma_start3A_64 : memref<1x80x128xf32, #tpu.memory_space<hbm>> -> memref<80x128xf32, #tpu.memory_space<hbm>>
        %dma_start3A_66 = arith.constant 0 : i32
        %dma_start3A_67 = tpu.memref_slice %arg6[%arg0, %add3A_39, %dma_start3A_66] : memref<2x10000x128xf32, #tpu.memory_space<hbm>> -> memref<1x80x128xf32, #tpu.memory_space<hbm>>
        %dma_start3A_68 = tpu.memref_squeeze %dma_start3A_67 : memref<1x80x128xf32, #tpu.memory_space<hbm>> -> memref<80x128xf32, #tpu.memory_space<hbm>>
        tpu.enqueue_dma source(%arg11 : memref<80x128xf32, #tpu.memory_space<vmem>>) target(%dma_start3A_68 : memref<80x128xf32, #tpu.memory_space<hbm>>) target_semaphore(%run_scoped3A : memref<!tpu.dma_semaphore, #tpu.memory_space<semaphore_mem>>)
        %dma_wait3A = arith.constant 0 : i32
        %dma_wait3A_69 = tpu.memref_slice %arg6[%arg0, %add3A_39, %dma_wait3A] : memref<2x10000x128xf32, #tpu.memory_space<hbm>> -> memref<1x80x128xf32, #tpu.memory_space<hbm>>
        %dma_wait3A_70 = tpu.memref_squeeze %dma_wait3A_69 : memref<1x80x128xf32, #tpu.memory_space<hbm>> -> memref<80x128xf32, #tpu.memory_space<hbm>>
        %dma_wait3A_71 = arith.constant 0 : i32
        %dma_wait3A_72 = tpu.memref_slice %arg6[%arg0, %add3A_39, %dma_wait3A_71] : memref<2x10000x128xf32, #tpu.memory_space<hbm>> -> memref<1x80x128xf32, #tpu.memory_space<hbm>>
        %dma_wait3A_73 = tpu.memref_squeeze %dma_wait3A_72 : memref<1x80x128xf32, #tpu.memory_space<hbm>> -> memref<80x128xf32, #tpu.memory_space<hbm>>
        tpu.wait_dma2 semaphore(%run_scoped3A : memref<!tpu.dma_semaphore, #tpu.memory_space<semaphore_mem>>) src(%arg11 : memref<80x128xf32, #tpu.memory_space<vmem>>) dst(%dma_wait3A_73 : memref<80x128xf32, #tpu.memory_space<hbm>>)
        tpu.yield
      }) : () -> ()
      %add3A_40 = arith.constant 160 : i32
      %add3A_41 = arith.addi %mul3A_2, %add3A_40 : i32
      "tpu.region"() ({
        %run_scoped3A = tpu.sem_alloc : memref<!tpu.dma_semaphore, #tpu.memory_space<semaphore_mem>>
        %dma_start3A = arith.constant 0 : i32
        %dma_start3A_64 = tpu.memref_slice %arg7[%add3A_41, %dma_start3A] : memref<10240x128xf32, #tpu.memory_space<vmem_shared>> -> memref<80x128xf32, #tpu.memory_space<vmem_shared>>
        %dma_start3A_65 = arith.constant 0 : i32
        %dma_start3A_66 = tpu.memref_slice %arg7[%add3A_41, %dma_start3A_65] : memref<10240x128xf32, #tpu.memory_space<vmem_shared>> -> memref<80x128xf32, #tpu.memory_space<vmem_shared>>
        tpu.enqueue_dma source(%dma_start3A_66 : memref<80x128xf32, #tpu.memory_space<vmem_shared>>) target(%arg11 : memref<80x128xf32, #tpu.memory_space<vmem>>) target_semaphore(%run_scoped3A : memref<!tpu.dma_semaphore, #tpu.memory_space<semaphore_mem>>)
        %dma_wait3A = arith.constant 0 : i32
        %dma_wait3A_67 = tpu.memref_slice %arg7[%add3A_41, %dma_wait3A] : memref<10240x128xf32, #tpu.memory_space<vmem_shared>> -> memref<80x128xf32, #tpu.memory_space<vmem_shared>>
        %dma_wait3A_68 = arith.constant 0 : i32
        %dma_wait3A_69 = tpu.memref_slice %arg7[%add3A_41, %dma_wait3A_68] : memref<10240x128xf32, #tpu.memory_space<vmem_shared>> -> memref<80x128xf32, #tpu.memory_space<vmem_shared>>
        tpu.wait_dma2 semaphore(%run_scoped3A : memref<!tpu.dma_semaphore, #tpu.memory_space<semaphore_mem>>) src(%dma_wait3A_69 : memref<80x128xf32, #tpu.memory_space<vmem_shared>>) dst(%arg11 : memref<80x128xf32, #tpu.memory_space<vmem>>)
        tpu.yield
      }) : () -> ()
      %add3A_42 = arith.constant 160 : i32
      %add3A_43 = arith.addi %mul3A_2, %add3A_42 : i32
      "tpu.region"() ({
        %run_scoped3A = tpu.sem_alloc : memref<!tpu.dma_semaphore, #tpu.memory_space<semaphore_mem>>
        %dma_start3A = arith.constant 0 : i32
        %dma_start3A_64 = tpu.memref_slice %arg6[%arg0, %add3A_43, %dma_start3A] : memref<2x10000x128xf32, #tpu.memory_space<hbm>> -> memref<1x80x128xf32, #tpu.memory_space<hbm>>
        %dma_start3A_65 = tpu.memref_squeeze %dma_start3A_64 : memref<1x80x128xf32, #tpu.memory_space<hbm>> -> memref<80x128xf32, #tpu.memory_space<hbm>>
        %dma_start3A_66 = arith.constant 0 : i32
        %dma_start3A_67 = tpu.memref_slice %arg6[%arg0, %add3A_43, %dma_start3A_66] : memref<2x10000x128xf32, #tpu.memory_space<hbm>> -> memref<1x80x128xf32, #tpu.memory_space<hbm>>
        %dma_start3A_68 = tpu.memref_squeeze %dma_start3A_67 : memref<1x80x128xf32, #tpu.memory_space<hbm>> -> memref<80x128xf32, #tpu.memory_space<hbm>>
        tpu.enqueue_dma source(%arg11 : memref<80x128xf32, #tpu.memory_space<vmem>>) target(%dma_start3A_68 : memref<80x128xf32, #tpu.memory_space<hbm>>) target_semaphore(%run_scoped3A : memref<!tpu.dma_semaphore, #tpu.memory_space<semaphore_mem>>)
        %dma_wait3A = arith.constant 0 : i32
        %dma_wait3A_69 = tpu.memref_slice %arg6[%arg0, %add3A_43, %dma_wait3A] : memref<2x10000x128xf32, #tpu.memory_space<hbm>> -> memref<1x80x128xf32, #tpu.memory_space<hbm>>
        %dma_wait3A_70 = tpu.memref_squeeze %dma_wait3A_69 : memref<1x80x128xf32, #tpu.memory_space<hbm>> -> memref<80x128xf32, #tpu.memory_space<hbm>>
        %dma_wait3A_71 = arith.constant 0 : i32
        %dma_wait3A_72 = tpu.memref_slice %arg6[%arg0, %add3A_43, %dma_wait3A_71] : memref<2x10000x128xf32, #tpu.memory_space<hbm>> -> memref<1x80x128xf32, #tpu.memory_space<hbm>>
        %dma_wait3A_73 = tpu.memref_squeeze %dma_wait3A_72 : memref<1x80x128xf32, #tpu.memory_space<hbm>> -> memref<80x128xf32, #tpu.memory_space<hbm>>
        tpu.wait_dma2 semaphore(%run_scoped3A : memref<!tpu.dma_semaphore, #tpu.memory_space<semaphore_mem>>) src(%arg11 : memref<80x128xf32, #tpu.memory_space<vmem>>) dst(%dma_wait3A_73 : memref<80x128xf32, #tpu.memory_space<hbm>>)
        tpu.yield
      }) : () -> ()
      %add3A_44 = arith.constant 240 : i32
      %add3A_45 = arith.addi %mul3A_2, %add3A_44 : i32
      "tpu.region"() ({
        %run_scoped3A = tpu.sem_alloc : memref<!tpu.dma_semaphore, #tpu.memory_space<semaphore_mem>>
        %dma_start3A = arith.constant 0 : i32
        %dma_start3A_64 = tpu.memref_slice %arg7[%add3A_45, %dma_start3A] : memref<10240x128xf32, #tpu.memory_space<vmem_shared>> -> memref<80x128xf32, #tpu.memory_space<vmem_shared>>
        %dma_start3A_65 = arith.constant 0 : i32
        %dma_start3A_66 = tpu.memref_slice %arg7[%add3A_45, %dma_start3A_65] : memref<10240x128xf32, #tpu.memory_space<vmem_shared>> -> memref<80x128xf32, #tpu.memory_space<vmem_shared>>
        tpu.enqueue_dma source(%dma_start3A_66 : memref<80x128xf32, #tpu.memory_space<vmem_shared>>) target(%arg11 : memref<80x128xf32, #tpu.memory_space<vmem>>) target_semaphore(%run_scoped3A : memref<!tpu.dma_semaphore, #tpu.memory_space<semaphore_mem>>)
        %dma_wait3A = arith.constant 0 : i32
        %dma_wait3A_67 = tpu.memref_slice %arg7[%add3A_45, %dma_wait3A] : memref<10240x128xf32, #tpu.memory_space<vmem_shared>> -> memref<80x128xf32, #tpu.memory_space<vmem_shared>>
        %dma_wait3A_68 = arith.constant 0 : i32
        %dma_wait3A_69 = tpu.memref_slice %arg7[%add3A_45, %dma_wait3A_68] : memref<10240x128xf32, #tpu.memory_space<vmem_shared>> -> memref<80x128xf32, #tpu.memory_space<vmem_shared>>
        tpu.wait_dma2 semaphore(%run_scoped3A : memref<!tpu.dma_semaphore, #tpu.memory_space<semaphore_mem>>) src(%dma_wait3A_69 : memref<80x128xf32, #tpu.memory_space<vmem_shared>>) dst(%arg11 : memref<80x128xf32, #tpu.memory_space<vmem>>)
        tpu.yield
      }) : () -> ()
      %add3A_46 = arith.constant 240 : i32
      %add3A_47 = arith.addi %mul3A_2, %add3A_46 : i32
      "tpu.region"() ({
        %run_scoped3A = tpu.sem_alloc : memref<!tpu.dma_semaphore, #tpu.memory_space<semaphore_mem>>
        %dma_start3A = arith.constant 0 : i32
        %dma_start3A_64 = tpu.memref_slice %arg6[%arg0, %add3A_47, %dma_start3A] : memref<2x10000x128xf32, #tpu.memory_space<hbm>> -> memref<1x80x128xf32, #tpu.memory_space<hbm>>
        %dma_start3A_65 = tpu.memref_squeeze %dma_start3A_64 : memref<1x80x128xf32, #tpu.memory_space<hbm>> -> memref<80x128xf32, #tpu.memory_space<hbm>>
        %dma_start3A_66 = arith.constant 0 : i32
        %dma_start3A_67 = tpu.memref_slice %arg6[%arg0, %add3A_47, %dma_start3A_66] : memref<2x10000x128xf32, #tpu.memory_space<hbm>> -> memref<1x80x128xf32, #tpu.memory_space<hbm>>
        %dma_start3A_68 = tpu.memref_squeeze %dma_start3A_67 : memref<1x80x128xf32, #tpu.memory_space<hbm>> -> memref<80x128xf32, #tpu.memory_space<hbm>>
        tpu.enqueue_dma source(%arg11 : memref<80x128xf32, #tpu.memory_space<vmem>>) target(%dma_start3A_68 : memref<80x128xf32, #tpu.memory_space<hbm>>) target_semaphore(%run_scoped3A : memref<!tpu.dma_semaphore, #tpu.memory_space<semaphore_mem>>)
        %dma_wait3A = arith.constant 0 : i32
        %dma_wait3A_69 = tpu.memref_slice %arg6[%arg0, %add3A_47, %dma_wait3A] : memref<2x10000x128xf32, #tpu.memory_space<hbm>> -> memref<1x80x128xf32, #tpu.memory_space<hbm>>
        %dma_wait3A_70 = tpu.memref_squeeze %dma_wait3A_69 : memref<1x80x128xf32, #tpu.memory_space<hbm>> -> memref<80x128xf32, #tpu.memory_space<hbm>>
        %dma_wait3A_71 = arith.constant 0 : i32
        %dma_wait3A_72 = tpu.memref_slice %arg6[%arg0, %add3A_47, %dma_wait3A_71] : memref<2x10000x128xf32, #tpu.memory_space<hbm>> -> memref<1x80x128xf32, #tpu.memory_space<hbm>>
        %dma_wait3A_73 = tpu.memref_squeeze %dma_wait3A_72 : memref<1x80x128xf32, #tpu.memory_space<hbm>> -> memref<80x128xf32, #tpu.memory_space<hbm>>
        tpu.wait_dma2 semaphore(%run_scoped3A : memref<!tpu.dma_semaphore, #tpu.memory_space<semaphore_mem>>) src(%arg11 : memref<80x128xf32, #tpu.memory_space<vmem>>) dst(%dma_wait3A_73 : memref<80x128xf32, #tpu.memory_space<hbm>>)
        tpu.yield
      }) : () -> ()
      %add3A_48 = arith.constant 320 : i32
      %add3A_49 = arith.addi %mul3A_2, %add3A_48 : i32
      "tpu.region"() ({
        %run_scoped3A = tpu.sem_alloc : memref<!tpu.dma_semaphore, #tpu.memory_space<semaphore_mem>>
        %dma_start3A = arith.constant 0 : i32
        %dma_start3A_64 = tpu.memref_slice %arg7[%add3A_49, %dma_start3A] : memref<10240x128xf32, #tpu.memory_space<vmem_shared>> -> memref<80x128xf32, #tpu.memory_space<vmem_shared>>
        %dma_start3A_65 = arith.constant 0 : i32
        %dma_start3A_66 = tpu.memref_slice %arg7[%add3A_49, %dma_start3A_65] : memref<10240x128xf32, #tpu.memory_space<vmem_shared>> -> memref<80x128xf32, #tpu.memory_space<vmem_shared>>
        tpu.enqueue_dma source(%dma_start3A_66 : memref<80x128xf32, #tpu.memory_space<vmem_shared>>) target(%arg11 : memref<80x128xf32, #tpu.memory_space<vmem>>) target_semaphore(%run_scoped3A : memref<!tpu.dma_semaphore, #tpu.memory_space<semaphore_mem>>)
        %dma_wait3A = arith.constant 0 : i32
        %dma_wait3A_67 = tpu.memref_slice %arg7[%add3A_49, %dma_wait3A] : memref<10240x128xf32, #tpu.memory_space<vmem_shared>> -> memref<80x128xf32, #tpu.memory_space<vmem_shared>>
        %dma_wait3A_68 = arith.constant 0 : i32
        %dma_wait3A_69 = tpu.memref_slice %arg7[%add3A_49, %dma_wait3A_68] : memref<10240x128xf32, #tpu.memory_space<vmem_shared>> -> memref<80x128xf32, #tpu.memory_space<vmem_shared>>
        tpu.wait_dma2 semaphore(%run_scoped3A : memref<!tpu.dma_semaphore, #tpu.memory_space<semaphore_mem>>) src(%dma_wait3A_69 : memref<80x128xf32, #tpu.memory_space<vmem_shared>>) dst(%arg11 : memref<80x128xf32, #tpu.memory_space<vmem>>)
        tpu.yield
      }) : () -> ()
      %add3A_50 = arith.constant 320 : i32
      %add3A_51 = arith.addi %mul3A_2, %add3A_50 : i32
      "tpu.region"() ({
        %run_scoped3A = tpu.sem_alloc : memref<!tpu.dma_semaphore, #tpu.memory_space<semaphore_mem>>
        %dma_start3A = arith.constant 0 : i32
        %dma_start3A_64 = tpu.memref_slice %arg6[%arg0, %add3A_51, %dma_start3A] : memref<2x10000x128xf32, #tpu.memory_space<hbm>> -> memref<1x80x128xf32, #tpu.memory_space<hbm>>
        %dma_start3A_65 = tpu.memref_squeeze %dma_start3A_64 : memref<1x80x128xf32, #tpu.memory_space<hbm>> -> memref<80x128xf32, #tpu.memory_space<hbm>>
        %dma_start3A_66 = arith.constant 0 : i32
        %dma_start3A_67 = tpu.memref_slice %arg6[%arg0, %add3A_51, %dma_start3A_66] : memref<2x10000x128xf32, #tpu.memory_space<hbm>> -> memref<1x80x128xf32, #tpu.memory_space<hbm>>
        %dma_start3A_68 = tpu.memref_squeeze %dma_start3A_67 : memref<1x80x128xf32, #tpu.memory_space<hbm>> -> memref<80x128xf32, #tpu.memory_space<hbm>>
        tpu.enqueue_dma source(%arg11 : memref<80x128xf32, #tpu.memory_space<vmem>>) target(%dma_start3A_68 : memref<80x128xf32, #tpu.memory_space<hbm>>) target_semaphore(%run_scoped3A : memref<!tpu.dma_semaphore, #tpu.memory_space<semaphore_mem>>)
        %dma_wait3A = arith.constant 0 : i32
        %dma_wait3A_69 = tpu.memref_slice %arg6[%arg0, %add3A_51, %dma_wait3A] : memref<2x10000x128xf32, #tpu.memory_space<hbm>> -> memref<1x80x128xf32, #tpu.memory_space<hbm>>
        %dma_wait3A_70 = tpu.memref_squeeze %dma_wait3A_69 : memref<1x80x128xf32, #tpu.memory_space<hbm>> -> memref<80x128xf32, #tpu.memory_space<hbm>>
        %dma_wait3A_71 = arith.constant 0 : i32
        %dma_wait3A_72 = tpu.memref_slice %arg6[%arg0, %add3A_51, %dma_wait3A_71] : memref<2x10000x128xf32, #tpu.memory_space<hbm>> -> memref<1x80x128xf32, #tpu.memory_space<hbm>>
        %dma_wait3A_73 = tpu.memref_squeeze %dma_wait3A_72 : memref<1x80x128xf32, #tpu.memory_space<hbm>> -> memref<80x128xf32, #tpu.memory_space<hbm>>
        tpu.wait_dma2 semaphore(%run_scoped3A : memref<!tpu.dma_semaphore, #tpu.memory_space<semaphore_mem>>) src(%arg11 : memref<80x128xf32, #tpu.memory_space<vmem>>) dst(%dma_wait3A_73 : memref<80x128xf32, #tpu.memory_space<hbm>>)
        tpu.yield
      }) : () -> ()
      %add3A_52 = arith.constant 400 : i32
      %add3A_53 = arith.addi %mul3A_2, %add3A_52 : i32
      "tpu.region"() ({
        %run_scoped3A = tpu.sem_alloc : memref<!tpu.dma_semaphore, #tpu.memory_space<semaphore_mem>>
        %dma_start3A = arith.constant 0 : i32
        %dma_start3A_64 = tpu.memref_slice %arg7[%add3A_53, %dma_start3A] : memref<10240x128xf32, #tpu.memory_space<vmem_shared>> -> memref<80x128xf32, #tpu.memory_space<vmem_shared>>
        %dma_start3A_65 = arith.constant 0 : i32
        %dma_start3A_66 = tpu.memref_slice %arg7[%add3A_53, %dma_start3A_65] : memref<10240x128xf32, #tpu.memory_space<vmem_shared>> -> memref<80x128xf32, #tpu.memory_space<vmem_shared>>
        tpu.enqueue_dma source(%dma_start3A_66 : memref<80x128xf32, #tpu.memory_space<vmem_shared>>) target(%arg11 : memref<80x128xf32, #tpu.memory_space<vmem>>) target_semaphore(%run_scoped3A : memref<!tpu.dma_semaphore, #tpu.memory_space<semaphore_mem>>)
        %dma_wait3A = arith.constant 0 : i32
        %dma_wait3A_67 = tpu.memref_slice %arg7[%add3A_53, %dma_wait3A] : memref<10240x128xf32, #tpu.memory_space<vmem_shared>> -> memref<80x128xf32, #tpu.memory_space<vmem_shared>>
        %dma_wait3A_68 = arith.constant 0 : i32
        %dma_wait3A_69 = tpu.memref_slice %arg7[%add3A_53, %dma_wait3A_68] : memref<10240x128xf32, #tpu.memory_space<vmem_shared>> -> memref<80x128xf32, #tpu.memory_space<vmem_shared>>
        tpu.wait_dma2 semaphore(%run_scoped3A : memref<!tpu.dma_semaphore, #tpu.memory_space<semaphore_mem>>) src(%dma_wait3A_69 : memref<80x128xf32, #tpu.memory_space<vmem_shared>>) dst(%arg11 : memref<80x128xf32, #tpu.memory_space<vmem>>)
        tpu.yield
      }) : () -> ()
      %add3A_54 = arith.constant 400 : i32
      %add3A_55 = arith.addi %mul3A_2, %add3A_54 : i32
      "tpu.region"() ({
        %run_scoped3A = tpu.sem_alloc : memref<!tpu.dma_semaphore, #tpu.memory_space<semaphore_mem>>
        %dma_start3A = arith.constant 0 : i32
        %dma_start3A_64 = tpu.memref_slice %arg6[%arg0, %add3A_55, %dma_start3A] : memref<2x10000x128xf32, #tpu.memory_space<hbm>> -> memref<1x80x128xf32, #tpu.memory_space<hbm>>
        %dma_start3A_65 = tpu.memref_squeeze %dma_start3A_64 : memref<1x80x128xf32, #tpu.memory_space<hbm>> -> memref<80x128xf32, #tpu.memory_space<hbm>>
        %dma_start3A_66 = arith.constant 0 : i32
        %dma_start3A_67 = tpu.memref_slice %arg6[%arg0, %add3A_55, %dma_start3A_66] : memref<2x10000x128xf32, #tpu.memory_space<hbm>> -> memref<1x80x128xf32, #tpu.memory_space<hbm>>
        %dma_start3A_68 = tpu.memref_squeeze %dma_start3A_67 : memref<1x80x128xf32, #tpu.memory_space<hbm>> -> memref<80x128xf32, #tpu.memory_space<hbm>>
        tpu.enqueue_dma source(%arg11 : memref<80x128xf32, #tpu.memory_space<vmem>>) target(%dma_start3A_68 : memref<80x128xf32, #tpu.memory_space<hbm>>) target_semaphore(%run_scoped3A : memref<!tpu.dma_semaphore, #tpu.memory_space<semaphore_mem>>)
        %dma_wait3A = arith.constant 0 : i32
        %dma_wait3A_69 = tpu.memref_slice %arg6[%arg0, %add3A_55, %dma_wait3A] : memref<2x10000x128xf32, #tpu.memory_space<hbm>> -> memref<1x80x128xf32, #tpu.memory_space<hbm>>
        %dma_wait3A_70 = tpu.memref_squeeze %dma_wait3A_69 : memref<1x80x128xf32, #tpu.memory_space<hbm>> -> memref<80x128xf32, #tpu.memory_space<hbm>>
        %dma_wait3A_71 = arith.constant 0 : i32
        %dma_wait3A_72 = tpu.memref_slice %arg6[%arg0, %add3A_55, %dma_wait3A_71] : memref<2x10000x128xf32, #tpu.memory_space<hbm>> -> memref<1x80x128xf32, #tpu.memory_space<hbm>>
        %dma_wait3A_73 = tpu.memref_squeeze %dma_wait3A_72 : memref<1x80x128xf32, #tpu.memory_space<hbm>> -> memref<80x128xf32, #tpu.memory_space<hbm>>
        tpu.wait_dma2 semaphore(%run_scoped3A : memref<!tpu.dma_semaphore, #tpu.memory_space<semaphore_mem>>) src(%arg11 : memref<80x128xf32, #tpu.memory_space<vmem>>) dst(%dma_wait3A_73 : memref<80x128xf32, #tpu.memory_space<hbm>>)
        tpu.yield
      }) : () -> ()
      %add3A_56 = arith.constant 480 : i32
      %add3A_57 = arith.addi %mul3A_2, %add3A_56 : i32
      "tpu.region"() ({
        %run_scoped3A = tpu.sem_alloc : memref<!tpu.dma_semaphore, #tpu.memory_space<semaphore_mem>>
        %dma_start3A = arith.constant 0 : i32
        %dma_start3A_64 = tpu.memref_slice %arg7[%add3A_57, %dma_start3A] : memref<10240x128xf32, #tpu.memory_space<vmem_shared>> -> memref<80x128xf32, #tpu.memory_space<vmem_shared>>
        %dma_start3A_65 = arith.constant 0 : i32
        %dma_start3A_66 = tpu.memref_slice %arg7[%add3A_57, %dma_start3A_65] : memref<10240x128xf32, #tpu.memory_space<vmem_shared>> -> memref<80x128xf32, #tpu.memory_space<vmem_shared>>
        tpu.enqueue_dma source(%dma_start3A_66 : memref<80x128xf32, #tpu.memory_space<vmem_shared>>) target(%arg11 : memref<80x128xf32, #tpu.memory_space<vmem>>) target_semaphore(%run_scoped3A : memref<!tpu.dma_semaphore, #tpu.memory_space<semaphore_mem>>)
        %dma_wait3A = arith.constant 0 : i32
        %dma_wait3A_67 = tpu.memref_slice %arg7[%add3A_57, %dma_wait3A] : memref<10240x128xf32, #tpu.memory_space<vmem_shared>> -> memref<80x128xf32, #tpu.memory_space<vmem_shared>>
        %dma_wait3A_68 = arith.constant 0 : i32
        %dma_wait3A_69 = tpu.memref_slice %arg7[%add3A_57, %dma_wait3A_68] : memref<10240x128xf32, #tpu.memory_space<vmem_shared>> -> memref<80x128xf32, #tpu.memory_space<vmem_shared>>
        tpu.wait_dma2 semaphore(%run_scoped3A : memref<!tpu.dma_semaphore, #tpu.memory_space<semaphore_mem>>) src(%dma_wait3A_69 : memref<80x128xf32, #tpu.memory_space<vmem_shared>>) dst(%arg11 : memref<80x128xf32, #tpu.memory_space<vmem>>)
        tpu.yield
      }) : () -> ()
      %add3A_58 = arith.constant 480 : i32
      %add3A_59 = arith.addi %mul3A_2, %add3A_58 : i32
      "tpu.region"() ({
        %run_scoped3A = tpu.sem_alloc : memref<!tpu.dma_semaphore, #tpu.memory_space<semaphore_mem>>
        %dma_start3A = arith.constant 0 : i32
        %dma_start3A_64 = tpu.memref_slice %arg6[%arg0, %add3A_59, %dma_start3A] : memref<2x10000x128xf32, #tpu.memory_space<hbm>> -> memref<1x80x128xf32, #tpu.memory_space<hbm>>
        %dma_start3A_65 = tpu.memref_squeeze %dma_start3A_64 : memref<1x80x128xf32, #tpu.memory_space<hbm>> -> memref<80x128xf32, #tpu.memory_space<hbm>>
        %dma_start3A_66 = arith.constant 0 : i32
        %dma_start3A_67 = tpu.memref_slice %arg6[%arg0, %add3A_59, %dma_start3A_66] : memref<2x10000x128xf32, #tpu.memory_space<hbm>> -> memref<1x80x128xf32, #tpu.memory_space<hbm>>
        %dma_start3A_68 = tpu.memref_squeeze %dma_start3A_67 : memref<1x80x128xf32, #tpu.memory_space<hbm>> -> memref<80x128xf32, #tpu.memory_space<hbm>>
        tpu.enqueue_dma source(%arg11 : memref<80x128xf32, #tpu.memory_space<vmem>>) target(%dma_start3A_68 : memref<80x128xf32, #tpu.memory_space<hbm>>) target_semaphore(%run_scoped3A : memref<!tpu.dma_semaphore, #tpu.memory_space<semaphore_mem>>)
        %dma_wait3A = arith.constant 0 : i32
        %dma_wait3A_69 = tpu.memref_slice %arg6[%arg0, %add3A_59, %dma_wait3A] : memref<2x10000x128xf32, #tpu.memory_space<hbm>> -> memref<1x80x128xf32, #tpu.memory_space<hbm>>
        %dma_wait3A_70 = tpu.memref_squeeze %dma_wait3A_69 : memref<1x80x128xf32, #tpu.memory_space<hbm>> -> memref<80x128xf32, #tpu.memory_space<hbm>>
        %dma_wait3A_71 = arith.constant 0 : i32
        %dma_wait3A_72 = tpu.memref_slice %arg6[%arg0, %add3A_59, %dma_wait3A_71] : memref<2x10000x128xf32, #tpu.memory_space<hbm>> -> memref<1x80x128xf32, #tpu.memory_space<hbm>>
        %dma_wait3A_73 = tpu.memref_squeeze %dma_wait3A_72 : memref<1x80x128xf32, #tpu.memory_space<hbm>> -> memref<80x128xf32, #tpu.memory_space<hbm>>
        tpu.wait_dma2 semaphore(%run_scoped3A : memref<!tpu.dma_semaphore, #tpu.memory_space<semaphore_mem>>) src(%arg11 : memref<80x128xf32, #tpu.memory_space<vmem>>) dst(%dma_wait3A_73 : memref<80x128xf32, #tpu.memory_space<hbm>>)
        tpu.yield
      }) : () -> ()
      %add3A_60 = arith.constant 560 : i32
      %add3A_61 = arith.addi %mul3A_2, %add3A_60 : i32
      "tpu.region"() ({
        %run_scoped3A = tpu.sem_alloc : memref<!tpu.dma_semaphore, #tpu.memory_space<semaphore_mem>>
        %dma_start3A = arith.constant 0 : i32
        %dma_start3A_64 = tpu.memref_slice %arg7[%add3A_61, %dma_start3A] : memref<10240x128xf32, #tpu.memory_space<vmem_shared>> -> memref<80x128xf32, #tpu.memory_space<vmem_shared>>
        %dma_start3A_65 = arith.constant 0 : i32
        %dma_start3A_66 = tpu.memref_slice %arg7[%add3A_61, %dma_start3A_65] : memref<10240x128xf32, #tpu.memory_space<vmem_shared>> -> memref<80x128xf32, #tpu.memory_space<vmem_shared>>
        tpu.enqueue_dma source(%dma_start3A_66 : memref<80x128xf32, #tpu.memory_space<vmem_shared>>) target(%arg11 : memref<80x128xf32, #tpu.memory_space<vmem>>) target_semaphore(%run_scoped3A : memref<!tpu.dma_semaphore, #tpu.memory_space<semaphore_mem>>)
        %dma_wait3A = arith.constant 0 : i32
        %dma_wait3A_67 = tpu.memref_slice %arg7[%add3A_61, %dma_wait3A] : memref<10240x128xf32, #tpu.memory_space<vmem_shared>> -> memref<80x128xf32, #tpu.memory_space<vmem_shared>>
        %dma_wait3A_68 = arith.constant 0 : i32
        %dma_wait3A_69 = tpu.memref_slice %arg7[%add3A_61, %dma_wait3A_68] : memref<10240x128xf32, #tpu.memory_space<vmem_shared>> -> memref<80x128xf32, #tpu.memory_space<vmem_shared>>
        tpu.wait_dma2 semaphore(%run_scoped3A : memref<!tpu.dma_semaphore, #tpu.memory_space<semaphore_mem>>) src(%dma_wait3A_69 : memref<80x128xf32, #tpu.memory_space<vmem_shared>>) dst(%arg11 : memref<80x128xf32, #tpu.memory_space<vmem>>)
        tpu.yield
      }) : () -> ()
      %add3A_62 = arith.constant 560 : i32
      %add3A_63 = arith.addi %mul3A_2, %add3A_62 : i32
      "tpu.region"() ({
        %run_scoped3A = tpu.sem_alloc : memref<!tpu.dma_semaphore, #tpu.memory_space<semaphore_mem>>
        %dma_start3A = arith.constant 0 : i32
        %dma_start3A_64 = tpu.memref_slice %arg6[%arg0, %add3A_63, %dma_start3A] : memref<2x10000x128xf32, #tpu.memory_space<hbm>> -> memref<1x80x128xf32, #tpu.memory_space<hbm>>
        %dma_start3A_65 = tpu.memref_squeeze %dma_start3A_64 : memref<1x80x128xf32, #tpu.memory_space<hbm>> -> memref<80x128xf32, #tpu.memory_space<hbm>>
        %dma_start3A_66 = arith.constant 0 : i32
        %dma_start3A_67 = tpu.memref_slice %arg6[%arg0, %add3A_63, %dma_start3A_66] : memref<2x10000x128xf32, #tpu.memory_space<hbm>> -> memref<1x80x128xf32, #tpu.memory_space<hbm>>
        %dma_start3A_68 = tpu.memref_squeeze %dma_start3A_67 : memref<1x80x128xf32, #tpu.memory_space<hbm>> -> memref<80x128xf32, #tpu.memory_space<hbm>>
        tpu.enqueue_dma source(%arg11 : memref<80x128xf32, #tpu.memory_space<vmem>>) target(%dma_start3A_68 : memref<80x128xf32, #tpu.memory_space<hbm>>) target_semaphore(%run_scoped3A : memref<!tpu.dma_semaphore, #tpu.memory_space<semaphore_mem>>)
        %dma_wait3A = arith.constant 0 : i32
        %dma_wait3A_69 = tpu.memref_slice %arg6[%arg0, %add3A_63, %dma_wait3A] : memref<2x10000x128xf32, #tpu.memory_space<hbm>> -> memref<1x80x128xf32, #tpu.memory_space<hbm>>
        %dma_wait3A_70 = tpu.memref_squeeze %dma_wait3A_69 : memref<1x80x128xf32, #tpu.memory_space<hbm>> -> memref<80x128xf32, #tpu.memory_space<hbm>>
        %dma_wait3A_71 = arith.constant 0 : i32
        %dma_wait3A_72 = tpu.memref_slice %arg6[%arg0, %add3A_63, %dma_wait3A_71] : memref<2x10000x128xf32, #tpu.memory_space<hbm>> -> memref<1x80x128xf32, #tpu.memory_space<hbm>>
        %dma_wait3A_73 = tpu.memref_squeeze %dma_wait3A_72 : memref<1x80x128xf32, #tpu.memory_space<hbm>> -> memref<80x128xf32, #tpu.memory_space<hbm>>
        tpu.wait_dma2 semaphore(%run_scoped3A : memref<!tpu.dma_semaphore, #tpu.memory_space<semaphore_mem>>) src(%arg11 : memref<80x128xf32, #tpu.memory_space<vmem>>) dst(%dma_wait3A_73 : memref<80x128xf32, #tpu.memory_space<hbm>>)
        tpu.yield
      }) : () -> ()
    } else {
    }
    %eq3A = arith.constant 15 : i32
    %eq3A_28 = arith.cmpi eq, %arg1, %eq3A : i32
    %convert_element_type3A_29 = arith.extui %eq3A_28 : i1 to i32
    %cond3A_30 = arith.constant 0 : i32
    %cond3A_31 = arith.cmpi ne, %convert_element_type3A_29, %cond3A_30 : i32
    scf.if %cond3A_31 {
      %add3A_32 = arith.constant 0 : i32
      %add3A_33 = arith.addi %mul3A_2, %add3A_32 : i32
      "tpu.region"() ({
        %run_scoped3A = tpu.sem_alloc : memref<!tpu.dma_semaphore, #tpu.memory_space<semaphore_mem>>
        %dma_start3A = arith.constant 0 : i32
        %dma_start3A_52 = tpu.memref_slice %arg7[%add3A_33, %dma_start3A] : memref<10240x128xf32, #tpu.memory_space<vmem_shared>> -> memref<80x128xf32, #tpu.memory_space<vmem_shared>>
        %dma_start3A_53 = arith.constant 0 : i32
        %dma_start3A_54 = tpu.memref_slice %arg7[%add3A_33, %dma_start3A_53] : memref<10240x128xf32, #tpu.memory_space<vmem_shared>> -> memref<80x128xf32, #tpu.memory_space<vmem_shared>>
        tpu.enqueue_dma source(%dma_start3A_54 : memref<80x128xf32, #tpu.memory_space<vmem_shared>>) target(%arg11 : memref<80x128xf32, #tpu.memory_space<vmem>>) target_semaphore(%run_scoped3A : memref<!tpu.dma_semaphore, #tpu.memory_space<semaphore_mem>>)
        %dma_wait3A = arith.constant 0 : i32
        %dma_wait3A_55 = tpu.memref_slice %arg7[%add3A_33, %dma_wait3A] : memref<10240x128xf32, #tpu.memory_space<vmem_shared>> -> memref<80x128xf32, #tpu.memory_space<vmem_shared>>
        %dma_wait3A_56 = arith.constant 0 : i32
        %dma_wait3A_57 = tpu.memref_slice %arg7[%add3A_33, %dma_wait3A_56] : memref<10240x128xf32, #tpu.memory_space<vmem_shared>> -> memref<80x128xf32, #tpu.memory_space<vmem_shared>>
        tpu.wait_dma2 semaphore(%run_scoped3A : memref<!tpu.dma_semaphore, #tpu.memory_space<semaphore_mem>>) src(%dma_wait3A_57 : memref<80x128xf32, #tpu.memory_space<vmem_shared>>) dst(%arg11 : memref<80x128xf32, #tpu.memory_space<vmem>>)
        tpu.yield
      }) : () -> ()
      %add3A_34 = arith.constant 0 : i32
      %add3A_35 = arith.addi %mul3A_2, %add3A_34 : i32
      "tpu.region"() ({
        %run_scoped3A = tpu.sem_alloc : memref<!tpu.dma_semaphore, #tpu.memory_space<semaphore_mem>>
        %dma_start3A = arith.constant 0 : i32
        %dma_start3A_52 = tpu.memref_slice %arg6[%arg0, %add3A_35, %dma_start3A] : memref<2x10000x128xf32, #tpu.memory_space<hbm>> -> memref<1x80x128xf32, #tpu.memory_space<hbm>>
        %dma_start3A_53 = tpu.memref_squeeze %dma_start3A_52 : memref<1x80x128xf32, #tpu.memory_space<hbm>> -> memref<80x128xf32, #tpu.memory_space<hbm>>
        %dma_start3A_54 = arith.constant 0 : i32
        %dma_start3A_55 = tpu.memref_slice %arg6[%arg0, %add3A_35, %dma_start3A_54] : memref<2x10000x128xf32, #tpu.memory_space<hbm>> -> memref<1x80x128xf32, #tpu.memory_space<hbm>>
        %dma_start3A_56 = tpu.memref_squeeze %dma_start3A_55 : memref<1x80x128xf32, #tpu.memory_space<hbm>> -> memref<80x128xf32, #tpu.memory_space<hbm>>
        tpu.enqueue_dma source(%arg11 : memref<80x128xf32, #tpu.memory_space<vmem>>) target(%dma_start3A_56 : memref<80x128xf32, #tpu.memory_space<hbm>>) target_semaphore(%run_scoped3A : memref<!tpu.dma_semaphore, #tpu.memory_space<semaphore_mem>>)
        %dma_wait3A = arith.constant 0 : i32
        %dma_wait3A_57 = tpu.memref_slice %arg6[%arg0, %add3A_35, %dma_wait3A] : memref<2x10000x128xf32, #tpu.memory_space<hbm>> -> memref<1x80x128xf32, #tpu.memory_space<hbm>>
        %dma_wait3A_58 = tpu.memref_squeeze %dma_wait3A_57 : memref<1x80x128xf32, #tpu.memory_space<hbm>> -> memref<80x128xf32, #tpu.memory_space<hbm>>
        %dma_wait3A_59 = arith.constant 0 : i32
        %dma_wait3A_60 = tpu.memref_slice %arg6[%arg0, %add3A_35, %dma_wait3A_59] : memref<2x10000x128xf32, #tpu.memory_space<hbm>> -> memref<1x80x128xf32, #tpu.memory_space<hbm>>
        %dma_wait3A_61 = tpu.memref_squeeze %dma_wait3A_60 : memref<1x80x128xf32, #tpu.memory_space<hbm>> -> memref<80x128xf32, #tpu.memory_space<hbm>>
        tpu.wait_dma2 semaphore(%run_scoped3A : memref<!tpu.dma_semaphore, #tpu.memory_space<semaphore_mem>>) src(%arg11 : memref<80x128xf32, #tpu.memory_space<vmem>>) dst(%dma_wait3A_61 : memref<80x128xf32, #tpu.memory_space<hbm>>)
        tpu.yield
      }) : () -> ()
      %add3A_36 = arith.constant 80 : i32
      %add3A_37 = arith.addi %mul3A_2, %add3A_36 : i32
      "tpu.region"() ({
        %run_scoped3A = tpu.sem_alloc : memref<!tpu.dma_semaphore, #tpu.memory_space<semaphore_mem>>
        %dma_start3A = arith.constant 0 : i32
        %dma_start3A_52 = tpu.memref_slice %arg7[%add3A_37, %dma_start3A] : memref<10240x128xf32, #tpu.memory_space<vmem_shared>> -> memref<80x128xf32, #tpu.memory_space<vmem_shared>>
        %dma_start3A_53 = arith.constant 0 : i32
        %dma_start3A_54 = tpu.memref_slice %arg7[%add3A_37, %dma_start3A_53] : memref<10240x128xf32, #tpu.memory_space<vmem_shared>> -> memref<80x128xf32, #tpu.memory_space<vmem_shared>>
        tpu.enqueue_dma source(%dma_start3A_54 : memref<80x128xf32, #tpu.memory_space<vmem_shared>>) target(%arg11 : memref<80x128xf32, #tpu.memory_space<vmem>>) target_semaphore(%run_scoped3A : memref<!tpu.dma_semaphore, #tpu.memory_space<semaphore_mem>>)
        %dma_wait3A = arith.constant 0 : i32
        %dma_wait3A_55 = tpu.memref_slice %arg7[%add3A_37, %dma_wait3A] : memref<10240x128xf32, #tpu.memory_space<vmem_shared>> -> memref<80x128xf32, #tpu.memory_space<vmem_shared>>
        %dma_wait3A_56 = arith.constant 0 : i32
        %dma_wait3A_57 = tpu.memref_slice %arg7[%add3A_37, %dma_wait3A_56] : memref<10240x128xf32, #tpu.memory_space<vmem_shared>> -> memref<80x128xf32, #tpu.memory_space<vmem_shared>>
        tpu.wait_dma2 semaphore(%run_scoped3A : memref<!tpu.dma_semaphore, #tpu.memory_space<semaphore_mem>>) src(%dma_wait3A_57 : memref<80x128xf32, #tpu.memory_space<vmem_shared>>) dst(%arg11 : memref<80x128xf32, #tpu.memory_space<vmem>>)
        tpu.yield
      }) : () -> ()
      %add3A_38 = arith.constant 80 : i32
      %add3A_39 = arith.addi %mul3A_2, %add3A_38 : i32
      "tpu.region"() ({
        %run_scoped3A = tpu.sem_alloc : memref<!tpu.dma_semaphore, #tpu.memory_space<semaphore_mem>>
        %dma_start3A = arith.constant 0 : i32
        %dma_start3A_52 = tpu.memref_slice %arg6[%arg0, %add3A_39, %dma_start3A] : memref<2x10000x128xf32, #tpu.memory_space<hbm>> -> memref<1x80x128xf32, #tpu.memory_space<hbm>>
        %dma_start3A_53 = tpu.memref_squeeze %dma_start3A_52 : memref<1x80x128xf32, #tpu.memory_space<hbm>> -> memref<80x128xf32, #tpu.memory_space<hbm>>
        %dma_start3A_54 = arith.constant 0 : i32
        %dma_start3A_55 = tpu.memref_slice %arg6[%arg0, %add3A_39, %dma_start3A_54] : memref<2x10000x128xf32, #tpu.memory_space<hbm>> -> memref<1x80x128xf32, #tpu.memory_space<hbm>>
        %dma_start3A_56 = tpu.memref_squeeze %dma_start3A_55 : memref<1x80x128xf32, #tpu.memory_space<hbm>> -> memref<80x128xf32, #tpu.memory_space<hbm>>
        tpu.enqueue_dma source(%arg11 : memref<80x128xf32, #tpu.memory_space<vmem>>) target(%dma_start3A_56 : memref<80x128xf32, #tpu.memory_space<hbm>>) target_semaphore(%run_scoped3A : memref<!tpu.dma_semaphore, #tpu.memory_space<semaphore_mem>>)
        %dma_wait3A = arith.constant 0 : i32
        %dma_wait3A_57 = tpu.memref_slice %arg6[%arg0, %add3A_39, %dma_wait3A] : memref<2x10000x128xf32, #tpu.memory_space<hbm>> -> memref<1x80x128xf32, #tpu.memory_space<hbm>>
        %dma_wait3A_58 = tpu.memref_squeeze %dma_wait3A_57 : memref<1x80x128xf32, #tpu.memory_space<hbm>> -> memref<80x128xf32, #tpu.memory_space<hbm>>
        %dma_wait3A_59 = arith.constant 0 : i32
        %dma_wait3A_60 = tpu.memref_slice %arg6[%arg0, %add3A_39, %dma_wait3A_59] : memref<2x10000x128xf32, #tpu.memory_space<hbm>> -> memref<1x80x128xf32, #tpu.memory_space<hbm>>
        %dma_wait3A_61 = tpu.memref_squeeze %dma_wait3A_60 : memref<1x80x128xf32, #tpu.memory_space<hbm>> -> memref<80x128xf32, #tpu.memory_space<hbm>>
        tpu.wait_dma2 semaphore(%run_scoped3A : memref<!tpu.dma_semaphore, #tpu.memory_space<semaphore_mem>>) src(%arg11 : memref<80x128xf32, #tpu.memory_space<vmem>>) dst(%dma_wait3A_61 : memref<80x128xf32, #tpu.memory_space<hbm>>)
        tpu.yield
      }) : () -> ()
      %add3A_40 = arith.constant 160 : i32
      %add3A_41 = arith.addi %mul3A_2, %add3A_40 : i32
      "tpu.region"() ({
        %run_scoped3A = tpu.sem_alloc : memref<!tpu.dma_semaphore, #tpu.memory_space<semaphore_mem>>
        %dma_start3A = arith.constant 0 : i32
        %dma_start3A_52 = tpu.memref_slice %arg7[%add3A_41, %dma_start3A] : memref<10240x128xf32, #tpu.memory_space<vmem_shared>> -> memref<80x128xf32, #tpu.memory_space<vmem_shared>>
        %dma_start3A_53 = arith.constant 0 : i32
        %dma_start3A_54 = tpu.memref_slice %arg7[%add3A_41, %dma_start3A_53] : memref<10240x128xf32, #tpu.memory_space<vmem_shared>> -> memref<80x128xf32, #tpu.memory_space<vmem_shared>>
        tpu.enqueue_dma source(%dma_start3A_54 : memref<80x128xf32, #tpu.memory_space<vmem_shared>>) target(%arg11 : memref<80x128xf32, #tpu.memory_space<vmem>>) target_semaphore(%run_scoped3A : memref<!tpu.dma_semaphore, #tpu.memory_space<semaphore_mem>>)
        %dma_wait3A = arith.constant 0 : i32
        %dma_wait3A_55 = tpu.memref_slice %arg7[%add3A_41, %dma_wait3A] : memref<10240x128xf32, #tpu.memory_space<vmem_shared>> -> memref<80x128xf32, #tpu.memory_space<vmem_shared>>
        %dma_wait3A_56 = arith.constant 0 : i32
        %dma_wait3A_57 = tpu.memref_slice %arg7[%add3A_41, %dma_wait3A_56] : memref<10240x128xf32, #tpu.memory_space<vmem_shared>> -> memref<80x128xf32, #tpu.memory_space<vmem_shared>>
        tpu.wait_dma2 semaphore(%run_scoped3A : memref<!tpu.dma_semaphore, #tpu.memory_space<semaphore_mem>>) src(%dma_wait3A_57 : memref<80x128xf32, #tpu.memory_space<vmem_shared>>) dst(%arg11 : memref<80x128xf32, #tpu.memory_space<vmem>>)
        tpu.yield
      }) : () -> ()
      %add3A_42 = arith.constant 160 : i32
      %add3A_43 = arith.addi %mul3A_2, %add3A_42 : i32
      "tpu.region"() ({
        %run_scoped3A = tpu.sem_alloc : memref<!tpu.dma_semaphore, #tpu.memory_space<semaphore_mem>>
        %dma_start3A = arith.constant 0 : i32
        %dma_start3A_52 = tpu.memref_slice %arg6[%arg0, %add3A_43, %dma_start3A] : memref<2x10000x128xf32, #tpu.memory_space<hbm>> -> memref<1x80x128xf32, #tpu.memory_space<hbm>>
        %dma_start3A_53 = tpu.memref_squeeze %dma_start3A_52 : memref<1x80x128xf32, #tpu.memory_space<hbm>> -> memref<80x128xf32, #tpu.memory_space<hbm>>
        %dma_start3A_54 = arith.constant 0 : i32
        %dma_start3A_55 = tpu.memref_slice %arg6[%arg0, %add3A_43, %dma_start3A_54] : memref<2x10000x128xf32, #tpu.memory_space<hbm>> -> memref<1x80x128xf32, #tpu.memory_space<hbm>>
        %dma_start3A_56 = tpu.memref_squeeze %dma_start3A_55 : memref<1x80x128xf32, #tpu.memory_space<hbm>> -> memref<80x128xf32, #tpu.memory_space<hbm>>
        tpu.enqueue_dma source(%arg11 : memref<80x128xf32, #tpu.memory_space<vmem>>) target(%dma_start3A_56 : memref<80x128xf32, #tpu.memory_space<hbm>>) target_semaphore(%run_scoped3A : memref<!tpu.dma_semaphore, #tpu.memory_space<semaphore_mem>>)
        %dma_wait3A = arith.constant 0 : i32
        %dma_wait3A_57 = tpu.memref_slice %arg6[%arg0, %add3A_43, %dma_wait3A] : memref<2x10000x128xf32, #tpu.memory_space<hbm>> -> memref<1x80x128xf32, #tpu.memory_space<hbm>>
        %dma_wait3A_58 = tpu.memref_squeeze %dma_wait3A_57 : memref<1x80x128xf32, #tpu.memory_space<hbm>> -> memref<80x128xf32, #tpu.memory_space<hbm>>
        %dma_wait3A_59 = arith.constant 0 : i32
        %dma_wait3A_60 = tpu.memref_slice %arg6[%arg0, %add3A_43, %dma_wait3A_59] : memref<2x10000x128xf32, #tpu.memory_space<hbm>> -> memref<1x80x128xf32, #tpu.memory_space<hbm>>
        %dma_wait3A_61 = tpu.memref_squeeze %dma_wait3A_60 : memref<1x80x128xf32, #tpu.memory_space<hbm>> -> memref<80x128xf32, #tpu.memory_space<hbm>>
        tpu.wait_dma2 semaphore(%run_scoped3A : memref<!tpu.dma_semaphore, #tpu.memory_space<semaphore_mem>>) src(%arg11 : memref<80x128xf32, #tpu.memory_space<vmem>>) dst(%dma_wait3A_61 : memref<80x128xf32, #tpu.memory_space<hbm>>)
        tpu.yield
      }) : () -> ()
      %add3A_44 = arith.constant 240 : i32
      %add3A_45 = arith.addi %mul3A_2, %add3A_44 : i32
      "tpu.region"() ({
        %run_scoped3A = tpu.sem_alloc : memref<!tpu.dma_semaphore, #tpu.memory_space<semaphore_mem>>
        %dma_start3A = arith.constant 0 : i32
        %dma_start3A_52 = tpu.memref_slice %arg7[%add3A_45, %dma_start3A] : memref<10240x128xf32, #tpu.memory_space<vmem_shared>> -> memref<80x128xf32, #tpu.memory_space<vmem_shared>>
        %dma_start3A_53 = arith.constant 0 : i32
        %dma_start3A_54 = tpu.memref_slice %arg7[%add3A_45, %dma_start3A_53] : memref<10240x128xf32, #tpu.memory_space<vmem_shared>> -> memref<80x128xf32, #tpu.memory_space<vmem_shared>>
        tpu.enqueue_dma source(%dma_start3A_54 : memref<80x128xf32, #tpu.memory_space<vmem_shared>>) target(%arg11 : memref<80x128xf32, #tpu.memory_space<vmem>>) target_semaphore(%run_scoped3A : memref<!tpu.dma_semaphore, #tpu.memory_space<semaphore_mem>>)
        %dma_wait3A = arith.constant 0 : i32
        %dma_wait3A_55 = tpu.memref_slice %arg7[%add3A_45, %dma_wait3A] : memref<10240x128xf32, #tpu.memory_space<vmem_shared>> -> memref<80x128xf32, #tpu.memory_space<vmem_shared>>
        %dma_wait3A_56 = arith.constant 0 : i32
        %dma_wait3A_57 = tpu.memref_slice %arg7[%add3A_45, %dma_wait3A_56] : memref<10240x128xf32, #tpu.memory_space<vmem_shared>> -> memref<80x128xf32, #tpu.memory_space<vmem_shared>>
        tpu.wait_dma2 semaphore(%run_scoped3A : memref<!tpu.dma_semaphore, #tpu.memory_space<semaphore_mem>>) src(%dma_wait3A_57 : memref<80x128xf32, #tpu.memory_space<vmem_shared>>) dst(%arg11 : memref<80x128xf32, #tpu.memory_space<vmem>>)
        tpu.yield
      }) : () -> ()
      %add3A_46 = arith.constant 240 : i32
      %add3A_47 = arith.addi %mul3A_2, %add3A_46 : i32
      "tpu.region"() ({
        %run_scoped3A = tpu.sem_alloc : memref<!tpu.dma_semaphore, #tpu.memory_space<semaphore_mem>>
        %dma_start3A = arith.constant 0 : i32
        %dma_start3A_52 = tpu.memref_slice %arg6[%arg0, %add3A_47, %dma_start3A] : memref<2x10000x128xf32, #tpu.memory_space<hbm>> -> memref<1x80x128xf32, #tpu.memory_space<hbm>>
        %dma_start3A_53 = tpu.memref_squeeze %dma_start3A_52 : memref<1x80x128xf32, #tpu.memory_space<hbm>> -> memref<80x128xf32, #tpu.memory_space<hbm>>
        %dma_start3A_54 = arith.constant 0 : i32
        %dma_start3A_55 = tpu.memref_slice %arg6[%arg0, %add3A_47, %dma_start3A_54] : memref<2x10000x128xf32, #tpu.memory_space<hbm>> -> memref<1x80x128xf32, #tpu.memory_space<hbm>>
        %dma_start3A_56 = tpu.memref_squeeze %dma_start3A_55 : memref<1x80x128xf32, #tpu.memory_space<hbm>> -> memref<80x128xf32, #tpu.memory_space<hbm>>
        tpu.enqueue_dma source(%arg11 : memref<80x128xf32, #tpu.memory_space<vmem>>) target(%dma_start3A_56 : memref<80x128xf32, #tpu.memory_space<hbm>>) target_semaphore(%run_scoped3A : memref<!tpu.dma_semaphore, #tpu.memory_space<semaphore_mem>>)
        %dma_wait3A = arith.constant 0 : i32
        %dma_wait3A_57 = tpu.memref_slice %arg6[%arg0, %add3A_47, %dma_wait3A] : memref<2x10000x128xf32, #tpu.memory_space<hbm>> -> memref<1x80x128xf32, #tpu.memory_space<hbm>>
        %dma_wait3A_58 = tpu.memref_squeeze %dma_wait3A_57 : memref<1x80x128xf32, #tpu.memory_space<hbm>> -> memref<80x128xf32, #tpu.memory_space<hbm>>
        %dma_wait3A_59 = arith.constant 0 : i32
        %dma_wait3A_60 = tpu.memref_slice %arg6[%arg0, %add3A_47, %dma_wait3A_59] : memref<2x10000x128xf32, #tpu.memory_space<hbm>> -> memref<1x80x128xf32, #tpu.memory_space<hbm>>
        %dma_wait3A_61 = tpu.memref_squeeze %dma_wait3A_60 : memref<1x80x128xf32, #tpu.memory_space<hbm>> -> memref<80x128xf32, #tpu.memory_space<hbm>>
        tpu.wait_dma2 semaphore(%run_scoped3A : memref<!tpu.dma_semaphore, #tpu.memory_space<semaphore_mem>>) src(%arg11 : memref<80x128xf32, #tpu.memory_space<vmem>>) dst(%dma_wait3A_61 : memref<80x128xf32, #tpu.memory_space<hbm>>)
        tpu.yield
      }) : () -> ()
      %add3A_48 = arith.constant 320 : i32
      %add3A_49 = arith.addi %mul3A_2, %add3A_48 : i32
      "tpu.region"() ({
        %run_scoped3A = tpu.sem_alloc : memref<!tpu.dma_semaphore, #tpu.memory_space<semaphore_mem>>
        %dma_start3A = arith.constant 0 : i32
        %dma_start3A_52 = tpu.memref_slice %arg7[%add3A_49, %dma_start3A] : memref<10240x128xf32, #tpu.memory_space<vmem_shared>> -> memref<80x128xf32, #tpu.memory_space<vmem_shared>>
        %dma_start3A_53 = arith.constant 0 : i32
        %dma_start3A_54 = tpu.memref_slice %arg7[%add3A_49, %dma_start3A_53] : memref<10240x128xf32, #tpu.memory_space<vmem_shared>> -> memref<80x128xf32, #tpu.memory_space<vmem_shared>>
        tpu.enqueue_dma source(%dma_start3A_54 : memref<80x128xf32, #tpu.memory_space<vmem_shared>>) target(%arg11 : memref<80x128xf32, #tpu.memory_space<vmem>>) target_semaphore(%run_scoped3A : memref<!tpu.dma_semaphore, #tpu.memory_space<semaphore_mem>>)
        %dma_wait3A = arith.constant 0 : i32
        %dma_wait3A_55 = tpu.memref_slice %arg7[%add3A_49, %dma_wait3A] : memref<10240x128xf32, #tpu.memory_space<vmem_shared>> -> memref<80x128xf32, #tpu.memory_space<vmem_shared>>
        %dma_wait3A_56 = arith.constant 0 : i32
        %dma_wait3A_57 = tpu.memref_slice %arg7[%add3A_49, %dma_wait3A_56] : memref<10240x128xf32, #tpu.memory_space<vmem_shared>> -> memref<80x128xf32, #tpu.memory_space<vmem_shared>>
        tpu.wait_dma2 semaphore(%run_scoped3A : memref<!tpu.dma_semaphore, #tpu.memory_space<semaphore_mem>>) src(%dma_wait3A_57 : memref<80x128xf32, #tpu.memory_space<vmem_shared>>) dst(%arg11 : memref<80x128xf32, #tpu.memory_space<vmem>>)
        tpu.yield
      }) : () -> ()
      %add3A_50 = arith.constant 320 : i32
      %add3A_51 = arith.addi %mul3A_2, %add3A_50 : i32
      "tpu.region"() ({
        %run_scoped3A = tpu.sem_alloc : memref<!tpu.dma_semaphore, #tpu.memory_space<semaphore_mem>>
        %dma_start3A = arith.constant 0 : i32
        %dma_start3A_52 = tpu.memref_slice %arg6[%arg0, %add3A_51, %dma_start3A] : memref<2x10000x128xf32, #tpu.memory_space<hbm>> -> memref<1x80x128xf32, #tpu.memory_space<hbm>>
        %dma_start3A_53 = tpu.memref_squeeze %dma_start3A_52 : memref<1x80x128xf32, #tpu.memory_space<hbm>> -> memref<80x128xf32, #tpu.memory_space<hbm>>
        %dma_start3A_54 = arith.constant 0 : i32
        %dma_start3A_55 = tpu.memref_slice %arg6[%arg0, %add3A_51, %dma_start3A_54] : memref<2x10000x128xf32, #tpu.memory_space<hbm>> -> memref<1x80x128xf32, #tpu.memory_space<hbm>>
        %dma_start3A_56 = tpu.memref_squeeze %dma_start3A_55 : memref<1x80x128xf32, #tpu.memory_space<hbm>> -> memref<80x128xf32, #tpu.memory_space<hbm>>
        tpu.enqueue_dma source(%arg11 : memref<80x128xf32, #tpu.memory_space<vmem>>) target(%dma_start3A_56 : memref<80x128xf32, #tpu.memory_space<hbm>>) target_semaphore(%run_scoped3A : memref<!tpu.dma_semaphore, #tpu.memory_space<semaphore_mem>>)
        %dma_wait3A = arith.constant 0 : i32
        %dma_wait3A_57 = tpu.memref_slice %arg6[%arg0, %add3A_51, %dma_wait3A] : memref<2x10000x128xf32, #tpu.memory_space<hbm>> -> memref<1x80x128xf32, #tpu.memory_space<hbm>>
        %dma_wait3A_58 = tpu.memref_squeeze %dma_wait3A_57 : memref<1x80x128xf32, #tpu.memory_space<hbm>> -> memref<80x128xf32, #tpu.memory_space<hbm>>
        %dma_wait3A_59 = arith.constant 0 : i32
        %dma_wait3A_60 = tpu.memref_slice %arg6[%arg0, %add3A_51, %dma_wait3A_59] : memref<2x10000x128xf32, #tpu.memory_space<hbm>> -> memref<1x80x128xf32, #tpu.memory_space<hbm>>
        %dma_wait3A_61 = tpu.memref_squeeze %dma_wait3A_60 : memref<1x80x128xf32, #tpu.memory_space<hbm>> -> memref<80x128xf32, #tpu.memory_space<hbm>>
        tpu.wait_dma2 semaphore(%run_scoped3A : memref<!tpu.dma_semaphore, #tpu.memory_space<semaphore_mem>>) src(%arg11 : memref<80x128xf32, #tpu.memory_space<vmem>>) dst(%dma_wait3A_61 : memref<80x128xf32, #tpu.memory_space<hbm>>)
        tpu.yield
      }) : () -> ()
    } else {
    }
    return
  }
}

module attributes {stable_mosaic.version = 14 : i64} {
  func.func @_tc1_body(%arg0: i32, %arg1: memref<1000x128xf32, #tpu.memory_space<vmem>>, %arg2: memref<128x128xf32, #tpu.memory_space<vmem>>, %arg3: memref<128x128xf32, #tpu.memory_space<vmem>>, %arg4: memref<1x128xf32, #tpu.memory_space<vmem>>, %arg5: memref<1000x1xf32, #tpu.memory_space<vmem>>, %arg6: memref<1000x1xf32, #tpu.memory_space<vmem>>, %arg7: memref<1000x1xf32, #tpu.memory_space<vmem>>, %arg8: memref<1000x128xf32, #tpu.memory_space<vmem>>, %arg9: memref<1000x128xf32, #tpu.memory_space<vmem>>) attributes {dimension_semantics = [#tpu.dimension_semantics<arbitrary>], iteration_bounds = array<i64: 10>, scalar_prefetch = 0 : i64, scratch_operands = 0 : i64, tpu.core_type = #tpu.core_type<tc>, window_params = [{transform_indices = @transform_0, window_bounds = array<i64: 1000, 128>}, {pipeline_mode = #tpu.pipeline_mode<synchronous>, transform_indices = @transform_1, window_bounds = array<i64: 128, 128>}, {pipeline_mode = #tpu.pipeline_mode<synchronous>, transform_indices = @transform_2, window_bounds = array<i64: 128, 128>}, {pipeline_mode = #tpu.pipeline_mode<synchronous>, transform_indices = @transform_3, window_bounds = array<i64: 1, 128>}, {transform_indices = @transform_4, window_bounds = array<i64: 1000, 1>}, {transform_indices = @transform_5, window_bounds = array<i64: 1000, 1>}, {transform_indices = @transform_6, window_bounds = array<i64: 1000, 1>}, {transform_indices = @transform_7, window_bounds = array<i64: 1000, 128>}, {transform_indices = @transform_8, window_bounds = array<i64: 1000, 128>}]} {
    %get3A = arith.constant 0 : index
    %get3A_0 = arith.constant 0 : index
    %get3A_1 = vector.load %arg5[%get3A, %get3A_0] : memref<1000x1xf32, #tpu.memory_space<vmem>>, vector<1000x1xf32>
    %get3A_2 = arith.constant 0 : index
    %get3A_3 = arith.constant 0 : index
    %get3A_4 = vector.load %arg6[%get3A_2, %get3A_3] : memref<1000x1xf32, #tpu.memory_space<vmem>>, vector<1000x1xf32>
    %add3A = arith.addf %get3A_1, %get3A_4 : vector<1000x1xf32>
    %add3A_5 = arith.constant 1.000000e+00 : f32
    %add3A_6 = vector.broadcast %add3A_5 : f32 to vector<1000x1xf32>
    %add3A_7 = arith.addf %add3A, %add3A_6 : vector<1000x1xf32>
    %rsqrt3A = math.rsqrt %add3A_7 : vector<1000x1xf32>
    %swap3A = arith.constant 0 : index
    %swap3A_8 = arith.constant 0 : index
    %swap3A_9 = vector.load %arg7[%swap3A, %swap3A_8] : memref<1000x1xf32, #tpu.memory_space<vmem>>, vector<1000x1xf32>
    tpu.vector_store %arg7[%swap3A, %swap3A_8], %rsqrt3A {strides = array<i32>} : memref<1000x1xf32, #tpu.memory_space<vmem>>, vector<1000x1xf32>,
    %get3A_10 = arith.constant 0 : index
    %get3A_11 = arith.constant 0 : index
    %get3A_12 = vector.load %arg1[%get3A_10, %get3A_11] : memref<1000x128xf32, #tpu.memory_space<vmem>>, vector<1000x128xf32>
    %get3A_13 = arith.constant 0 : index
    %get3A_14 = arith.constant 0 : index
    %get3A_15 = vector.load %arg2[%get3A_13, %get3A_14] : memref<128x128xf32, #tpu.memory_space<vmem>>, vector<128x128xf32>
    %dot_general3A = arith.constant dense<0.000000e+00> : vector<1000x128xf32>
    %dot_general3A_16 = tpu.matmul %get3A_12, %get3A_15, %dot_general3A {dimension_numbers = #tpu.dot_dimension_numbers<[1], [0], [0], [1], [0, 0, 1, 1], [], []>, transpose_lhs_hint = false} : vector<1000x128xf32>, vector<128x128xf32>, vector<1000x128xf32> -> vector<1000x128xf32>
    %mul3A = vector.broadcast %rsqrt3A : vector<1000x1xf32> to vector<1000x128xf32>
    %mul3A_17 = arith.mulf %dot_general3A_16, %mul3A : vector<1000x128xf32>
    %swap3A_18 = arith.constant 0 : index
    %swap3A_19 = arith.constant 0 : index
    %swap3A_20 = vector.load %arg8[%swap3A_18, %swap3A_19] : memref<1000x128xf32, #tpu.memory_space<vmem>>, vector<1000x128xf32>
    tpu.vector_store %arg8[%swap3A_18, %swap3A_19], %mul3A_17 {strides = array<i32>} : memref<1000x128xf32, #tpu.memory_space<vmem>>, vector<1000x128xf32>,
    %get3A_21 = arith.constant 0 : index
    %get3A_22 = arith.constant 0 : index
    %get3A_23 = vector.load %arg3[%get3A_21, %get3A_22] : memref<128x128xf32, #tpu.memory_space<vmem>>, vector<128x128xf32>
    %dot_general3A_24 = arith.constant dense<0.000000e+00> : vector<1000x128xf32>
    %dot_general3A_25 = tpu.matmul %get3A_12, %get3A_23, %dot_general3A_24 {dimension_numbers = #tpu.dot_dimension_numbers<[1], [0], [0], [1], [0, 0, 1, 1], [], []>, transpose_lhs_hint = false} : vector<1000x128xf32>, vector<128x128xf32>, vector<1000x128xf32> -> vector<1000x128xf32>
    %get3A_26 = arith.constant 0 : index
    %get3A_27 = arith.constant 0 : index
    %get3A_28 = vector.load %arg4[%get3A_26, %get3A_27] : memref<1x128xf32, #tpu.memory_space<vmem>>, vector<1x128xf32>
    %add3A_29 = vector.broadcast %get3A_28 : vector<1x128xf32> to vector<1000x128xf32>
    %add3A_30 = arith.addf %dot_general3A_25, %add3A_29 : vector<1000x128xf32>
    %swap3A_31 = arith.constant 0 : index
    %swap3A_32 = arith.constant 0 : index
    %swap3A_33 = vector.load %arg9[%swap3A_31, %swap3A_32] : memref<1000x128xf32, #tpu.memory_space<vmem>>, vector<1000x128xf32>
    tpu.vector_store %arg9[%swap3A_31, %swap3A_32], %add3A_30 {strides = array<i32>} : memref<1000x128xf32, #tpu.memory_space<vmem>>, vector<1000x128xf32>,
    return
  }
  func.func @transform_0(%arg0: i32) -> (i32, i32) {
    %c0_i32 = arith.constant 0 : i32
    %c0_i32_0 = arith.constant 0 : i32
    return %arg0, %c0_i32 : i32, i32
  }
  func.func @transform_1(%arg0: i32) -> (i32, i32) {
    %c0_i32 = arith.constant 0 : i32
    %c0_i32_0 = arith.constant 0 : i32
    %c0_i32_1 = arith.constant 0 : i32
    return %c0_i32, %c0_i32_0 : i32, i32
  }
  func.func @transform_2(%arg0: i32) -> (i32, i32) {
    %c0_i32 = arith.constant 0 : i32
    %c0_i32_0 = arith.constant 0 : i32
    %c0_i32_1 = arith.constant 0 : i32
    return %c0_i32, %c0_i32_0 : i32, i32
  }
  func.func @transform_3(%arg0: i32) -> (i32, i32) {
    %c0_i32 = arith.constant 0 : i32
    %c0_i32_0 = arith.constant 0 : i32
    %c0_i32_1 = arith.constant 0 : i32
    return %c0_i32, %c0_i32_0 : i32, i32
  }
  func.func @transform_4(%arg0: i32) -> (i32, i32) {
    %c0_i32 = arith.constant 0 : i32
    %c0_i32_0 = arith.constant 0 : i32
    return %arg0, %c0_i32 : i32, i32
  }
  func.func @transform_5(%arg0: i32) -> (i32, i32) {
    %c0_i32 = arith.constant 0 : i32
    %c0_i32_0 = arith.constant 0 : i32
    return %arg0, %c0_i32 : i32, i32
  }
  func.func @transform_6(%arg0: i32) -> (i32, i32) {
    %c0_i32 = arith.constant 0 : i32
    %c0_i32_0 = arith.constant 0 : i32
    return %arg0, %c0_i32 : i32, i32
  }
  func.func @transform_7(%arg0: i32) -> (i32, i32) {
    %c0_i32 = arith.constant 0 : i32
    %c0_i32_0 = arith.constant 0 : i32
    return %arg0, %c0_i32 : i32, i32
  }
  func.func @transform_8(%arg0: i32) -> (i32, i32) {
    %c0_i32 = arith.constant 0 : i32
    %c0_i32_0 = arith.constant 0 : i32
    return %arg0, %c0_i32 : i32, i32
  }
}

module attributes {stable_mosaic.version = 14 : i64} {
  func.func @_tc2_body(%arg0: i32, %arg1: memref<1000x128xf32, #tpu.memory_space<vmem>>, %arg2: memref<1000x128xf32, #tpu.memory_space<vmem>>, %arg3: memref<1000x128xf32, #tpu.memory_space<vmem>>, %arg4: memref<1000x1xf32, #tpu.memory_space<vmem>>, %arg5: memref<1000x128xf32, #tpu.memory_space<vmem>>, %arg6: memref<1x128xf32, #tpu.memory_space<vmem>>, %arg7: memref<1x128xf32, #tpu.memory_space<vmem>>, %arg8: memref<1x128xf32, #tpu.memory_space<vmem>>, %arg9: memref<128x128xf32, #tpu.memory_space<vmem>>, %arg10: memref<128x128xf32, #tpu.memory_space<vmem>>, %arg11: memref<1x128xf32, #tpu.memory_space<vmem>>, %arg12: memref<1000x128xf32, #tpu.memory_space<vmem>>, %arg13: memref<1000x128xf32, #tpu.memory_space<vmem>>) attributes {dimension_semantics = [#tpu.dimension_semantics<arbitrary>], iteration_bounds = array<i64: 10>, scalar_prefetch = 0 : i64, scratch_operands = 0 : i64, tpu.core_type = #tpu.core_type<tc>, window_params = [{transform_indices = @transform_0, window_bounds = array<i64: 1000, 128>}, {transform_indices = @transform_1, window_bounds = array<i64: 1000, 128>}, {transform_indices = @transform_2, window_bounds = array<i64: 1000, 128>}, {transform_indices = @transform_3, window_bounds = array<i64: 1000, 1>}, {transform_indices = @transform_4, window_bounds = array<i64: 1000, 128>}, {pipeline_mode = #tpu.pipeline_mode<synchronous>, transform_indices = @transform_5, window_bounds = array<i64: 1, 128>}, {pipeline_mode = #tpu.pipeline_mode<synchronous>, transform_indices = @transform_6, window_bounds = array<i64: 1, 128>}, {pipeline_mode = #tpu.pipeline_mode<synchronous>, transform_indices = @transform_7, window_bounds = array<i64: 1, 128>}, {pipeline_mode = #tpu.pipeline_mode<synchronous>, transform_indices = @transform_8, window_bounds = array<i64: 128, 128>}, {pipeline_mode = #tpu.pipeline_mode<synchronous>, transform_indices = @transform_9, window_bounds = array<i64: 128, 128>}, {pipeline_mode = #tpu.pipeline_mode<synchronous>, transform_indices = @transform_10, window_bounds = array<i64: 1, 128>}, {transform_indices = @transform_11, window_bounds = array<i64: 1000, 128>}, {transform_indices = @transform_12, window_bounds = array<i64: 1000, 128>}]} {
    %get3A = arith.constant 0 : index
    %get3A_0 = arith.constant 0 : index
    %get3A_1 = vector.load %arg4[%get3A, %get3A_0] : memref<1000x1xf32, #tpu.memory_space<vmem>>, vector<1000x1xf32>
    %get3A_2 = arith.constant 0 : index
    %get3A_3 = arith.constant 0 : index
    %get3A_4 = vector.load %arg1[%get3A_2, %get3A_3] : memref<1000x128xf32, #tpu.memory_space<vmem>>, vector<1000x128xf32>
    %get3A_5 = arith.constant 0 : index
    %get3A_6 = arith.constant 0 : index
    %get3A_7 = vector.load %arg2[%get3A_5, %get3A_6] : memref<1000x128xf32, #tpu.memory_space<vmem>>, vector<1000x128xf32>
    %add3A = arith.addf %get3A_4, %get3A_7 : vector<1000x128xf32>
    %get3A_8 = arith.constant 0 : index
    %get3A_9 = arith.constant 0 : index
    %get3A_10 = vector.load %arg3[%get3A_8, %get3A_9] : memref<1000x128xf32, #tpu.memory_space<vmem>>, vector<1000x128xf32>
    %add3A_11 = arith.addf %add3A, %get3A_10 : vector<1000x128xf32>
    %mul3A = vector.broadcast %get3A_1 : vector<1000x1xf32> to vector<1000x128xf32>
    %mul3A_12 = arith.mulf %mul3A, %add3A_11 : vector<1000x128xf32>
    %get3A_13 = arith.constant 0 : index
    %get3A_14 = arith.constant 0 : index
    %get3A_15 = vector.load %arg6[%get3A_13, %get3A_14] : memref<1x128xf32, #tpu.memory_space<vmem>>, vector<1x128xf32>
    %add3A_16 = vector.broadcast %get3A_15 : vector<1x128xf32> to vector<1000x128xf32>
    %add3A_17 = arith.addf %mul3A_12, %add3A_16 : vector<1000x128xf32>
    %get3A_18 = arith.constant 0 : index
    %get3A_19 = arith.constant 0 : index
    %get3A_20 = vector.load %arg5[%get3A_18, %get3A_19] : memref<1000x128xf32, #tpu.memory_space<vmem>>, vector<1000x128xf32>
    %add3A_21 = arith.addf %add3A_17, %get3A_20 : vector<1000x128xf32>
    %get3A_22 = arith.constant 0 : index
    %get3A_23 = arith.constant 0 : index
    %get3A_24 = vector.load %arg7[%get3A_22, %get3A_23] : memref<1x128xf32, #tpu.memory_space<vmem>>, vector<1x128xf32>
    %get3A_25 = arith.constant 0 : index
    %get3A_26 = arith.constant 0 : index
    %get3A_27 = vector.load %arg8[%get3A_25, %get3A_26] : memref<1x128xf32, #tpu.memory_space<vmem>>, vector<1x128xf32>
    %reduce_sum3A = arith.constant dense<0.000000e+00> : vector<1000xf32>
    %reduce_sum3A_28 = vector.multi_reduction <add>, %add3A_21, %reduce_sum3A [1] : vector<1000x128xf32> to vector<1000xf32>
    %broadcast_in_dim3A = vector.shape_cast %reduce_sum3A_28 : vector<1000xf32> to vector<1000x1xf32>
    %div3A = arith.constant 1.280000e+02 : f32
    %div3A_29 = vector.broadcast %div3A : f32 to vector<1000x1xf32>
    %div3A_30 = arith.divf %broadcast_in_dim3A, %div3A_29 : vector<1000x1xf32>
    %sub3A = vector.broadcast %div3A_30 : vector<1000x1xf32> to vector<1000x128xf32>
    %sub3A_31 = arith.subf %add3A_21, %sub3A : vector<1000x128xf32>
    %mul3A_32 = arith.mulf %sub3A_31, %sub3A_31 : vector<1000x128xf32>
    %reduce_sum3A_33 = arith.constant dense<0.000000e+00> : vector<1000xf32>
    %reduce_sum3A_34 = vector.multi_reduction <add>, %mul3A_32, %reduce_sum3A_33 [1] : vector<1000x128xf32> to vector<1000xf32>
    %broadcast_in_dim3A_35 = vector.shape_cast %reduce_sum3A_34 : vector<1000xf32> to vector<1000x1xf32>
    %div3A_36 = arith.constant 1.280000e+02 : f32
    %div3A_37 = vector.broadcast %div3A_36 : f32 to vector<1000x1xf32>
    %div3A_38 = arith.divf %broadcast_in_dim3A_35, %div3A_37 : vector<1000x1xf32>
    %add3A_39 = arith.constant 9.99999974E-6 : f32
    %add3A_40 = vector.broadcast %add3A_39 : f32 to vector<1000x1xf32>
    %add3A_41 = arith.addf %div3A_38, %add3A_40 : vector<1000x1xf32>
    %rsqrt3A = math.rsqrt %add3A_41 : vector<1000x1xf32>
    %mul3A_42 = vector.broadcast %rsqrt3A : vector<1000x1xf32> to vector<1000x128xf32>
    %mul3A_43 = arith.mulf %sub3A_31, %mul3A_42 : vector<1000x128xf32>
    %mul3A_44 = vector.broadcast %get3A_24 : vector<1x128xf32> to vector<1000x128xf32>
    %mul3A_45 = arith.mulf %mul3A_43, %mul3A_44 : vector<1000x128xf32>
    %add3A_46 = vector.broadcast %get3A_27 : vector<1x128xf32> to vector<1000x128xf32>
    %add3A_47 = arith.addf %mul3A_45, %add3A_46 : vector<1000x128xf32>
    %max3A = arith.constant 0.000000e+00 : f32
    %max3A_48 = vector.broadcast %max3A : f32 to vector<1000x128xf32>
    %max3A_49 = arith.maximumf %add3A_47, %max3A_48 : vector<1000x128xf32>
    %get3A_50 = arith.constant 0 : index
    %get3A_51 = arith.constant 0 : index
    %get3A_52 = vector.load %arg9[%get3A_50, %get3A_51] : memref<128x128xf32, #tpu.memory_space<vmem>>, vector<128x128xf32>
    %dot_general3A = arith.constant dense<0.000000e+00> : vector<1000x128xf32>
    %dot_general3A_53 = tpu.matmul %max3A_49, %get3A_52, %dot_general3A {dimension_numbers = #tpu.dot_dimension_numbers<[1], [0], [0], [1], [0, 0, 1, 1], [], []>, transpose_lhs_hint = false} : vector<1000x128xf32>, vector<128x128xf32>, vector<1000x128xf32> -> vector<1000x128xf32>
    %mul3A_54 = vector.broadcast %get3A_1 : vector<1000x1xf32> to vector<1000x128xf32>
    %mul3A_55 = arith.mulf %dot_general3A_53, %mul3A_54 : vector<1000x128xf32>
    %swap3A = arith.constant 0 : index
    %swap3A_56 = arith.constant 0 : index
    %swap3A_57 = vector.load %arg12[%swap3A, %swap3A_56] : memref<1000x128xf32, #tpu.memory_space<vmem>>, vector<1000x128xf32>
    tpu.vector_store %arg12[%swap3A, %swap3A_56], %mul3A_55 {strides = array<i32>} : memref<1000x128xf32, #tpu.memory_space<vmem>>, vector<1000x128xf32>,
    %get3A_58 = arith.constant 0 : index
    %get3A_59 = arith.constant 0 : index
    %get3A_60 = vector.load %arg10[%get3A_58, %get3A_59] : memref<128x128xf32, #tpu.memory_space<vmem>>, vector<128x128xf32>
    %dot_general3A_61 = arith.constant dense<0.000000e+00> : vector<1000x128xf32>
    %dot_general3A_62 = tpu.matmul %max3A_49, %get3A_60, %dot_general3A_61 {dimension_numbers = #tpu.dot_dimension_numbers<[1], [0], [0], [1], [0, 0, 1, 1], [], []>, transpose_lhs_hint = false} : vector<1000x128xf32>, vector<128x128xf32>, vector<1000x128xf32> -> vector<1000x128xf32>
    %get3A_63 = arith.constant 0 : index
    %get3A_64 = arith.constant 0 : index
    %get3A_65 = vector.load %arg11[%get3A_63, %get3A_64] : memref<1x128xf32, #tpu.memory_space<vmem>>, vector<1x128xf32>
    %add3A_66 = vector.broadcast %get3A_65 : vector<1x128xf32> to vector<1000x128xf32>
    %add3A_67 = arith.addf %dot_general3A_62, %add3A_66 : vector<1000x128xf32>
    %swap3A_68 = arith.constant 0 : index
    %swap3A_69 = arith.constant 0 : index
    %swap3A_70 = vector.load %arg13[%swap3A_68, %swap3A_69] : memref<1000x128xf32, #tpu.memory_space<vmem>>, vector<1000x128xf32>
    tpu.vector_store %arg13[%swap3A_68, %swap3A_69], %add3A_67 {strides = array<i32>} : memref<1000x128xf32, #tpu.memory_space<vmem>>, vector<1000x128xf32>,
    return
  }
  func.func @transform_0(%arg0: i32) -> (i32, i32) {
    %c0_i32 = arith.constant 0 : i32
    %c0_i32_0 = arith.constant 0 : i32
    return %arg0, %c0_i32 : i32, i32
  }
  func.func @transform_1(%arg0: i32) -> (i32, i32) {
    %c0_i32 = arith.constant 0 : i32
    %c0_i32_0 = arith.constant 0 : i32
    return %arg0, %c0_i32 : i32, i32
  }
  func.func @transform_2(%arg0: i32) -> (i32, i32) {
    %c0_i32 = arith.constant 0 : i32
    %c0_i32_0 = arith.constant 0 : i32
    return %arg0, %c0_i32 : i32, i32
  }
  func.func @transform_3(%arg0: i32) -> (i32, i32) {
    %c0_i32 = arith.constant 0 : i32
    %c0_i32_0 = arith.constant 0 : i32
    return %arg0, %c0_i32 : i32, i32
  }
  func.func @transform_4(%arg0: i32) -> (i32, i32) {
    %c0_i32 = arith.constant 0 : i32
    %c0_i32_0 = arith.constant 0 : i32
    return %arg0, %c0_i32 : i32, i32
  }
  func.func @transform_5(%arg0: i32) -> (i32, i32) {
    %c0_i32 = arith.constant 0 : i32
    %c0_i32_0 = arith.constant 0 : i32
    %c0_i32_1 = arith.constant 0 : i32
    return %c0_i32, %c0_i32_0 : i32, i32
  }
  func.func @transform_6(%arg0: i32) -> (i32, i32) {
    %c0_i32 = arith.constant 0 : i32
    %c0_i32_0 = arith.constant 0 : i32
    %c0_i32_1 = arith.constant 0 : i32
    return %c0_i32, %c0_i32_0 : i32, i32
  }
  func.func @transform_7(%arg0: i32) -> (i32, i32) {
    %c0_i32 = arith.constant 0 : i32
    %c0_i32_0 = arith.constant 0 : i32
    %c0_i32_1 = arith.constant 0 : i32
    return %c0_i32, %c0_i32_0 : i32, i32
  }
  func.func @transform_8(%arg0: i32) -> (i32, i32) {
    %c0_i32 = arith.constant 0 : i32
    %c0_i32_0 = arith.constant 0 : i32
    %c0_i32_1 = arith.constant 0 : i32
    return %c0_i32, %c0_i32_0 : i32, i32
  }
  func.func @transform_9(%arg0: i32) -> (i32, i32) {
    %c0_i32 = arith.constant 0 : i32
    %c0_i32_0 = arith.constant 0 : i32
    %c0_i32_1 = arith.constant 0 : i32
    return %c0_i32, %c0_i32_0 : i32, i32
  }
  func.func @transform_10(%arg0: i32) -> (i32, i32) {
    %c0_i32 = arith.constant 0 : i32
    %c0_i32_0 = arith.constant 0 : i32
    %c0_i32_1 = arith.constant 0 : i32
    return %c0_i32, %c0_i32_0 : i32, i32
  }
  func.func @transform_11(%arg0: i32) -> (i32, i32) {
    %c0_i32 = arith.constant 0 : i32
    %c0_i32_0 = arith.constant 0 : i32
    return %arg0, %c0_i32 : i32, i32
  }
  func.func @transform_12(%arg0: i32) -> (i32, i32) {
    %c0_i32 = arith.constant 0 : i32
    %c0_i32_0 = arith.constant 0 : i32
    return %arg0, %c0_i32 : i32, i32
  }
}

module attributes {stable_mosaic.version = 14 : i64} {
  func.func @_tc3_body(%arg0: i32, %arg1: memref<1000x128xf32, #tpu.memory_space<vmem>>, %arg2: memref<1000x128xf32, #tpu.memory_space<vmem>>, %arg3: memref<1000x128xf32, #tpu.memory_space<vmem>>, %arg4: memref<1000x1xf32, #tpu.memory_space<vmem>>, %arg5: memref<1000x128xf32, #tpu.memory_space<vmem>>, %arg6: memref<1x128xf32, #tpu.memory_space<vmem>>, %arg7: memref<1x128xf32, #tpu.memory_space<vmem>>, %arg8: memref<1x128xf32, #tpu.memory_space<vmem>>, %arg9: memref<1000x128xf32, #tpu.memory_space<vmem>>) attributes {dimension_semantics = [#tpu.dimension_semantics<arbitrary>], iteration_bounds = array<i64: 10>, scalar_prefetch = 0 : i64, scratch_operands = 0 : i64, tpu.core_type = #tpu.core_type<tc>, window_params = [{transform_indices = @transform_0, window_bounds = array<i64: 1000, 128>}, {transform_indices = @transform_1, window_bounds = array<i64: 1000, 128>}, {transform_indices = @transform_2, window_bounds = array<i64: 1000, 128>}, {transform_indices = @transform_3, window_bounds = array<i64: 1000, 1>}, {transform_indices = @transform_4, window_bounds = array<i64: 1000, 128>}, {pipeline_mode = #tpu.pipeline_mode<synchronous>, transform_indices = @transform_5, window_bounds = array<i64: 1, 128>}, {pipeline_mode = #tpu.pipeline_mode<synchronous>, transform_indices = @transform_6, window_bounds = array<i64: 1, 128>}, {pipeline_mode = #tpu.pipeline_mode<synchronous>, transform_indices = @transform_7, window_bounds = array<i64: 1, 128>}, {transform_indices = @transform_8, window_bounds = array<i64: 1000, 128>}]} {
    %get3A = arith.constant 0 : index
    %get3A_0 = arith.constant 0 : index
    %get3A_1 = vector.load %arg4[%get3A, %get3A_0] : memref<1000x1xf32, #tpu.memory_space<vmem>>, vector<1000x1xf32>
    %get3A_2 = arith.constant 0 : index
    %get3A_3 = arith.constant 0 : index
    %get3A_4 = vector.load %arg1[%get3A_2, %get3A_3] : memref<1000x128xf32, #tpu.memory_space<vmem>>, vector<1000x128xf32>
    %get3A_5 = arith.constant 0 : index
    %get3A_6 = arith.constant 0 : index
    %get3A_7 = vector.load %arg2[%get3A_5, %get3A_6] : memref<1000x128xf32, #tpu.memory_space<vmem>>, vector<1000x128xf32>
    %add3A = arith.addf %get3A_4, %get3A_7 : vector<1000x128xf32>
    %get3A_8 = arith.constant 0 : index
    %get3A_9 = arith.constant 0 : index
    %get3A_10 = vector.load %arg3[%get3A_8, %get3A_9] : memref<1000x128xf32, #tpu.memory_space<vmem>>, vector<1000x128xf32>
    %add3A_11 = arith.addf %add3A, %get3A_10 : vector<1000x128xf32>
    %mul3A = vector.broadcast %get3A_1 : vector<1000x1xf32> to vector<1000x128xf32>
    %mul3A_12 = arith.mulf %mul3A, %add3A_11 : vector<1000x128xf32>
    %get3A_13 = arith.constant 0 : index
    %get3A_14 = arith.constant 0 : index
    %get3A_15 = vector.load %arg6[%get3A_13, %get3A_14] : memref<1x128xf32, #tpu.memory_space<vmem>>, vector<1x128xf32>
    %add3A_16 = vector.broadcast %get3A_15 : vector<1x128xf32> to vector<1000x128xf32>
    %add3A_17 = arith.addf %mul3A_12, %add3A_16 : vector<1000x128xf32>
    %get3A_18 = arith.constant 0 : index
    %get3A_19 = arith.constant 0 : index
    %get3A_20 = vector.load %arg5[%get3A_18, %get3A_19] : memref<1000x128xf32, #tpu.memory_space<vmem>>, vector<1000x128xf32>
    %add3A_21 = arith.addf %add3A_17, %get3A_20 : vector<1000x128xf32>
    %get3A_22 = arith.constant 0 : index
    %get3A_23 = arith.constant 0 : index
    %get3A_24 = vector.load %arg7[%get3A_22, %get3A_23] : memref<1x128xf32, #tpu.memory_space<vmem>>, vector<1x128xf32>
    %get3A_25 = arith.constant 0 : index
    %get3A_26 = arith.constant 0 : index
    %get3A_27 = vector.load %arg8[%get3A_25, %get3A_26] : memref<1x128xf32, #tpu.memory_space<vmem>>, vector<1x128xf32>
    %reduce_sum3A = arith.constant dense<0.000000e+00> : vector<1000xf32>
    %reduce_sum3A_28 = vector.multi_reduction <add>, %add3A_21, %reduce_sum3A [1] : vector<1000x128xf32> to vector<1000xf32>
    %broadcast_in_dim3A = vector.shape_cast %reduce_sum3A_28 : vector<1000xf32> to vector<1000x1xf32>
    %div3A = arith.constant 1.280000e+02 : f32
    %div3A_29 = vector.broadcast %div3A : f32 to vector<1000x1xf32>
    %div3A_30 = arith.divf %broadcast_in_dim3A, %div3A_29 : vector<1000x1xf32>
    %sub3A = vector.broadcast %div3A_30 : vector<1000x1xf32> to vector<1000x128xf32>
    %sub3A_31 = arith.subf %add3A_21, %sub3A : vector<1000x128xf32>
    %mul3A_32 = arith.mulf %sub3A_31, %sub3A_31 : vector<1000x128xf32>
    %reduce_sum3A_33 = arith.constant dense<0.000000e+00> : vector<1000xf32>
    %reduce_sum3A_34 = vector.multi_reduction <add>, %mul3A_32, %reduce_sum3A_33 [1] : vector<1000x128xf32> to vector<1000xf32>
    %broadcast_in_dim3A_35 = vector.shape_cast %reduce_sum3A_34 : vector<1000xf32> to vector<1000x1xf32>
    %div3A_36 = arith.constant 1.280000e+02 : f32
    %div3A_37 = vector.broadcast %div3A_36 : f32 to vector<1000x1xf32>
    %div3A_38 = arith.divf %broadcast_in_dim3A_35, %div3A_37 : vector<1000x1xf32>
    %add3A_39 = arith.constant 9.99999974E-6 : f32
    %add3A_40 = vector.broadcast %add3A_39 : f32 to vector<1000x1xf32>
    %add3A_41 = arith.addf %div3A_38, %add3A_40 : vector<1000x1xf32>
    %rsqrt3A = math.rsqrt %add3A_41 : vector<1000x1xf32>
    %mul3A_42 = vector.broadcast %rsqrt3A : vector<1000x1xf32> to vector<1000x128xf32>
    %mul3A_43 = arith.mulf %sub3A_31, %mul3A_42 : vector<1000x128xf32>
    %mul3A_44 = vector.broadcast %get3A_24 : vector<1x128xf32> to vector<1000x128xf32>
    %mul3A_45 = arith.mulf %mul3A_43, %mul3A_44 : vector<1000x128xf32>
    %add3A_46 = vector.broadcast %get3A_27 : vector<1x128xf32> to vector<1000x128xf32>
    %add3A_47 = arith.addf %mul3A_45, %add3A_46 : vector<1000x128xf32>
    %max3A = arith.constant 0.000000e+00 : f32
    %max3A_48 = vector.broadcast %max3A : f32 to vector<1000x128xf32>
    %max3A_49 = arith.maximumf %add3A_47, %max3A_48 : vector<1000x128xf32>
    %swap3A = arith.constant 0 : index
    %swap3A_50 = arith.constant 0 : index
    %swap3A_51 = vector.load %arg9[%swap3A, %swap3A_50] : memref<1000x128xf32, #tpu.memory_space<vmem>>, vector<1000x128xf32>
    tpu.vector_store %arg9[%swap3A, %swap3A_50], %max3A_49 {strides = array<i32>} : memref<1000x128xf32, #tpu.memory_space<vmem>>, vector<1000x128xf32>,
    return
  }
  func.func @transform_0(%arg0: i32) -> (i32, i32) {
    %c0_i32 = arith.constant 0 : i32
    %c0_i32_0 = arith.constant 0 : i32
    return %arg0, %c0_i32 : i32, i32
  }
  func.func @transform_1(%arg0: i32) -> (i32, i32) {
    %c0_i32 = arith.constant 0 : i32
    %c0_i32_0 = arith.constant 0 : i32
    return %arg0, %c0_i32 : i32, i32
  }
  func.func @transform_2(%arg0: i32) -> (i32, i32) {
    %c0_i32 = arith.constant 0 : i32
    %c0_i32_0 = arith.constant 0 : i32
    return %arg0, %c0_i32 : i32, i32
  }
  func.func @transform_3(%arg0: i32) -> (i32, i32) {
    %c0_i32 = arith.constant 0 : i32
    %c0_i32_0 = arith.constant 0 : i32
    return %arg0, %c0_i32 : i32, i32
  }
  func.func @transform_4(%arg0: i32) -> (i32, i32) {
    %c0_i32 = arith.constant 0 : i32
    %c0_i32_0 = arith.constant 0 : i32
    return %arg0, %c0_i32 : i32, i32
  }
  func.func @transform_5(%arg0: i32) -> (i32, i32) {
    %c0_i32 = arith.constant 0 : i32
    %c0_i32_0 = arith.constant 0 : i32
    %c0_i32_1 = arith.constant 0 : i32
    return %c0_i32, %c0_i32_0 : i32, i32
  }
  func.func @transform_6(%arg0: i32) -> (i32, i32) {
    %c0_i32 = arith.constant 0 : i32
    %c0_i32_0 = arith.constant 0 : i32
    %c0_i32_1 = arith.constant 0 : i32
    return %c0_i32, %c0_i32_0 : i32, i32
  }
  func.func @transform_7(%arg0: i32) -> (i32, i32) {
    %c0_i32 = arith.constant 0 : i32
    %c0_i32_0 = arith.constant 0 : i32
    %c0_i32_1 = arith.constant 0 : i32
    return %c0_i32, %c0_i32_0 : i32, i32
  }
  func.func @transform_8(%arg0: i32) -> (i32, i32) {
    %c0_i32 = arith.constant 0 : i32
    %c0_i32_0 = arith.constant 0 : i32
    return %arg0, %c0_i32 : i32, i32
  }
}

</mosaic_0001>

<sc_bundles>
// kernel: kernel.11.cloned.1.call-start
scs
__scs_entry_jumppad:
0x0: {  	(pc) =	sbr.rel $0x88, $3  }
0x1: {  	(tag) =	ssettag $0x0;
	lr =	simm.s32 $0x1  }
0x2: {  	[smem:$0x3F93] =	sst lr;
	_ =	strace $0xD0000000  }
0x3: {  	_ = 	snop  }
0x4: {  	_ = 	snop  }
0x5: {  	_ = 	snop  }
0x6: {  	_ = 	snop  }
0x7: {  	_ = 	snop  }
__scs_overlays_trampoline_lowered:
0x8: {  	[smem:$0x3FA2] =	sst s0  }
0x9: {  	[smem:$0x3FA3] =	sst s1  }
0xa: {  	[smem:$0x3FA4] =	sst s2  }
0xb: {  	[smem:$0x3FA5] =	sst s3  }
0xc: {  	[smem:$0x3FA6] =	sst s4  }
0xd: {  	[smem:$0x3FA7] =	sst s5  }
0xe: {  	[smem:$0x3FA8] =	sst s6  }
0xf: {  	[smem:$0x3FA9] =	sst s7  }
0x10: {  	[smem:$0x3FAA] =	sst s8  }
0x11: {  	[smem:$0x3FAB] =	sst s9;
	s0 =	simm.s32 @!p0 $0x0  }
0x12: {  	s1 =	sld [smem:$0x3F91];
	s0 =	simm.s32 @p0 $0x1  }
0x13: {  	[smem:$0x3FAC] =	sst s0;
	s0 =	simm.s32 @!p1 $0x0  }
0x14: {  	s2 =	sld [smem:$0x3F90];
	s0 =	simm.s32 @p1 $0x1  }
0x15: {  	[smem:$0x3FAD] =	sst s0;
	s0 =	simm.s32 @!p2 $0x0  }
0x16: {  	s3 =	sld [smem:$0x3FDB];
	s0 =	simm.s32 @p2 $0x1  }
0x17: {  	s4 =	simm.s32 $0x1BF5;
	[smem:$0x3FAF] =	sst s0  }
0x18: {  	s0 =	sld [smem:$0x3F92];
	_ =	swait.ge [sflag:s4], $0x0  }
0x19: {  	s7 =	sld [smem:$0x3F93]  }
0x1a: {  	s8 =	sadd.s32 $0xFFFFE003, lr  }
0x1b: {  	s9 =	sadd.s32 $0xFFFFFEF7, lr;
	s5 =	simm.s32 $0xFFFFFFFF;
	p2 =	slt.u32 s8, $0xFFFFF086  }
0x1c: {  	p1 =	slt.u32 s9, $0xF7A;
	s5 =	simm.s32 @!p2 $0x0  }
0x1d: {  	s5 =	simm.s32 @p1 $0x1;
	p0 =	seq.s32 s7, s2  }
0x1e: {  	s7 =	smul.u32 @!p0 $0xF7A, s2;
	p2 =	seq.s32 @!p0 s5, $0x0  }
0x1f: {  	s9 =	smul.u32 $0xF7A, s1;
	s8 =	simm.s32 @!p0 $0x1BF5;
	p2 =	por !p2, p0  }
0x20: {  	[sflag:s8] =	ssyncset.s32 @!p0 $0xFFFFF086;
	s6 =	sadd.s32 @!p0 s3, s7;
	s7 =	simm.s32 @!p0 $0x108  }
0x21: {  	s3 =	sadd.s32 s3, s9;
	s6 =	sadd.s32 @!p0 $0x88, s6;
	s7 =	simm.s32 @p2 $0x1082  }
0x22: {  	[simem:s7], [sflag:s8] =	dma.local @!p0 [hbm:s6], $0xF7A  }
0x23: {  	s9 =	sor.u32 $0xD0000000, s2;
	s6 =	simm.s32 $0x108;
	_ =	swait.ge @!p0 [sflag:s8], $0x0  }
0x24: {  	s3 =	sadd.s32 $0x88, s3;
	s6 =	simm.s32 @!p1 $0x1082;
	[sflag:s4] =	ssyncset.s32 $0xFFFFF086  }
0x25: {  	[simem:s6], [sflag:s4] =	dma.local [hbm:s3], $0xF7A  }
0x26: {  	[smem:$0x3F93] =	sst s1;
	(tag) =	ssettag s2;
	_ =	strace s9  }
0x27: {  	s1 =	sld [smem:$0x3FA3]  }
0x28: {  	s2 =	sld [smem:$0x3FA4]  }
0x29: {  	s4 =	sld [smem:$0x3FA6]  }
0x2a: {  	p0 =	seq.s32 s5, $0x0;
	s5 =	sld [smem:$0x3FA7]  }
0x2b: {  	s6 =	sld [smem:$0x3FA8]  }
0x2c: {  	s7 =	sld [smem:$0x3FA9]  }
0x2d: {  	s3 =	simm.s32 $0x108;
	s8 =	sld [smem:$0x3FAA]  }
0x2e: {  	s3 =	simm.s32 @!p0 $0x1082;
	s9 =	sld [smem:$0x3FAB]  }
0x2f: {  	lr =	sadd.s32 s0, s3;
	s0 =	sld [smem:$0x3FA2]  }
0x30: {  	s3 =	sld [smem:$0x3FA5]  }
0x31: {  	[smem:$0x3FAE] =	sst s10  }
0x32: {  	s10 =	sld [smem:$0x3FAC];
	_ =	sdelay $0x3  }
0x33: {  	p0 =	seq.s32 s10, $0x1;
	s10 =	sld [smem:$0x3FAE];
	_ =	sdelay $0x3  }
0x34: {  	[smem:$0x3FAE] =	sst s10  }
0x35: {  	s10 =	sld [smem:$0x3FAD];
	_ =	sdelay $0x3  }
0x36: {  	p1 =	seq.s32 s10, $0x1;
	s10 =	sld [smem:$0x3FAE];
	_ =	sdelay $0x3  }
0x37: {  	[smem:$0x3FAE] =	sst s10  }
0x38: {  	s10 =	sld [smem:$0x3FAF]  }
0x39: {  	_ = 	snop;
	(pc) =	sbr.ind lr, $3  }
0x3a: {  	_ = 	snop  }
0x3b: {  	_ = 	snop  }
0x3c: {  	p2 =	seq.s32 s10, $0x1;
	s10 =	sld [smem:$0x3FAE]  }
0x3d: {  	_ =	shalt  }
0x3e: {  	_ =	shalt  }
0x3f: {  	_ =	shalt  }
0x40: {  	_ =	shalt  }
0x41: {  	_ =	shalt  }
0x42: {  	_ =	shalt  }
0x43: {  	_ =	shalt  }
0x44: {  	_ =	shalt  }
0x45: {  	_ =	shalt  }
0x46: {  	_ =	shalt  }
0x47: {  	_ =	shalt  }
0x48: {  	_ =	shalt  }
0x49: {  	_ =	shalt  }
0x4a: {  	_ =	shalt  }
0x4b: {  	_ =	shalt  }
0x4c: {  	_ =	shalt  }
0x4d: {  	_ =	shalt  }
0x4e: {  	_ =	shalt  }
0x4f: {  	_ =	shalt  }
0x50: {  	_ =	shalt  }
0x51: {  	_ =	shalt  }
0x52: {  	_ =	shalt  }
0x53: {  	_ =	shalt  }
0x54: {  	_ =	shalt  }
0x55: {  	_ =	shalt  }
0x56: {  	_ =	shalt  }
0x57: {  	_ =	shalt  }
0x58: {  	_ =	shalt  }
0x59: {  	_ =	shalt  }
0x5a: {  	_ =	shalt  }
0x5b: {  	_ =	shalt  }
0x5c: {  	_ =	shalt  }
0x5d: {  	_ =	shalt  }
0x5e: {  	_ =	shalt  }
0x5f: {  	_ =	shalt  }
0x60: {  	_ =	shalt  }
0x61: {  	_ =	shalt  }
0x62: {  	_ =	shalt  }
0x63: {  	_ =	shalt  }
0x64: {  	_ =	shalt  }
0x65: {  	_ =	shalt  }
0x66: {  	_ =	shalt  }
0x67: {  	_ =	shalt  }
0x68: {  	_ =	shalt  }
0x69: {  	_ =	shalt  }
0x6a: {  	_ =	shalt  }
0x6b: {  	_ =	shalt  }
0x6c: {  	_ =	shalt  }
0x6d: {  	_ =	shalt  }
0x6e: {  	_ =	shalt  }
0x6f: {  	_ =	shalt  }
0x70: {  	_ =	shalt  }
0x71: {  	_ =	shalt  }
0x72: {  	_ =	shalt  }
0x73: {  	_ =	shalt  }
0x74: {  	_ =	shalt  }
0x75: {  	_ =	shalt  }
0x76: {  	_ =	shalt  }
0x77: {  	_ =	shalt  }
0x78: {  	_ =	shalt  }
0x79: {  	_ =	shalt  }
0x7a: {  	_ =	shalt  }
0x7b: {  	_ =	shalt  }
0x7c: {  	_ =	shalt  }
0x7d: {  	_ =	shalt  }
0x7e: {  	_ =	shalt  }
0x7f: {  	_ =	shalt  }
0x80: {  	_ =	shalt  }
0x81: {  	_ =	shalt  }
0x82: {  	_ =	shalt  }
0x83: {  	_ =	shalt  }
0x84: {  	_ =	shalt  }
0x85: {  	_ =	shalt  }
0x86: {  	_ =	shalt  }
0x87: {  	_ =	shalt  }
.Lfunc_end0:
.L_simem_size_0:
called_computation.1_lowered:
.L_overlay_start_0:
0x88: {  	s2 =	sld [smem:$0x3FD9]  }
0x89: {  	s3 =	sld [smem:$0x3FFE];
	_ =	sdelay $0x1  }
0x8a: {  	s1 =	srdreg.scid  }
0x8b: {  	s0 =	sand.u32 $0x1, s1  }
0x8c: {  	s17 =	sshll.u32 s0, $0xA;
	s2 =	sadd.s32 s3, s2  }
0x8d: {  	s2 =	sadd.s32 s2, s17  }
0x8e: {  	[smem:$0x3FBA] =	sst s2  }
0x8f: {  	_ = 	snop  }
0x90: {  	s2 =	sld [smem:$0x3FD0];
	(tm) =	ssettm $0x1  }
0x91: {  	s18 =	sld [smem:$0x3FFB];
	_ =	sdelay $0x3  }
0x92: {  	_ =	strace s18  }
0x93: {  	s3 =	sld [smem:$0x3FFC];
	_ =	sdelay $0x3  }
0x94: {  	_ =	strace s3  }
0x95: {  	s3 =	sld [smem:$0x3FFD];
	_ =	sdelay $0x3  }
0x96: {  	_ =	strace s3  }
0x97: {  	_ =	strace $0x8FFFFFFF  }
0x98: {  	s19 =	sld [smem:$0x3FDB];
	_ =	sdelay $0x1  }
0x99: {  	s4 =	simm.s32 $_scs_section_size  }
0x9a: {  	s5 =	simm.s32 $_size__tile_overlayer_lowered;
	s6 =	simm.s32 $_tile_overlayer_lowered  }
0x9b: {  	s22 =	simm.s32 $0x1BFF;
	s21 =	sshll.u32 s6, $0x1;
	s3 =	sadd.s32 s4, s19  }
0x9c: {  	s7 =	simm.s32 $0x0;
	s20 =	sshll.u32 s5, $0x1;
	s5 =	sadd.s32 s21, s3  }
0x9d: {  	[timem:s7], [sflag:s22] =	dma.local [hbm:s5], s20  }
0x9e: {  	_ =	swait.ge [sflag:s22], s20  }
0x9f: {  	s4 =	ssub.s32 $0x0, s20;
	[sflag:s22] =	ssyncset.done $0x0  }
0xa0: {  	[sflag:s22] =	ssyncadd.s32 s4;
	_ =	sdelay $0x1  }
0xa1: {  	s23 =	simm.s32 $0x1B8B  }
0xa2: {  	_ =	swait.ge [sflag:s23], $0x1  }
0xa3: {  	[sflag:s23] =	ssyncset.done $0x0  }
0xa4: {  	s25 =	simm.s32 $0x1B8E;
	s24 =	sld [smem:$0x3FFE];
	[sflag:s23] =	ssyncadd.s32 $0xFFFFFFFF  }
0xa5: {  	s26 =	simm.s32 $execute0_lowered;
	[smem:$0x3FD2] =	sst s25  }
0xa6: {  	s5 =	sshll.u32 s26, $0x1;
	_ =	strace $0x80000049;
	[dreg:$0x1] =	wrdreg $0xFFFFFFFF  }
0xa7: {  	s28 =	simm.s32 $_size_execute0_lowered;
	s3 =	sadd.s32 s3, s5;
	[dreg:$0x0] =	wrdreg $0x0  }
0xa8: {  	s5 =	sshll.u32 s28, $0x1;
	[dreg:$0x2] =	wrdreg s3  }
0xa9: {  	[dreg:$0x3] =	wrdreg s5  }
0xaa: {  	[dreg:$0x4] =	wrdreg $0xC0  }
0xab: {  	_ =	task [dreg:s7], $0x5FFFF  }
0xac: {  	[dreg:$0x1] =	wrdreg $0xFFFFFFFF  }
0xad: {  	[dreg:$0x0] =	wrdreg $0x60  }
0xae: {  	[dreg:$0x2] =	wrdreg s2  }
0xaf: {  	[dreg:$0x3] =	wrdreg s24  }
0xb0: {  	[dreg:$0x4] =	wrdreg $0x0  }
0xb1: {  	[dreg:$0x5] =	wrdreg $0x9  }
0xb2: {  	_ =	task.clear_ibuf [dreg:s7], $0x6FFFF;
	_ =	strace $0x90000049  }
0xb3: {  	s29 =	simm.s32 $0x9;
	_ =	strace $0x8000004B  }
0xb4: {  	_ =	swait.ge [sflag:s29], $0x1  }
0xb5: {  	[sflag:s29] =	ssyncadd.s32 $0xFFFFFFFF  }
0xb6: {  	_ =	strace $0x9000004B  }
0xb7: {  	_ =	sfence  }
0xb8: {  	s30 =	sld [smem:$0x0];
	_ =	sdelay $0x2  }
0xb9: {  	s31 =	sshll.u32 s1, $0xD;
	s1 =	sshrl.u32 s1, $0x2  }
0xba: {  	s3 =	sand.u32 $0x4000, s31;
	s1 =	sadd.s32 s1, s30  }
0xbb: {  	s0 =	sor.u32 s3, s0;
	s1 =	sshll.u32 s1, $0x11  }
0xbc: {  	s0 =	sor.u32 s1, s0  }
0xbd: {  	s0 =	sadd.s32 $0x8F2B, s0  }
0xbe: {  	[sflag:s0] =	ssyncadd.remote.s32 $0x1  }
0xbf: {  	_ =	sfence.sel $0xFFFF  }
0xc0: {  	[dreg:$0x0] =	wrdreg $0xFFFFFFFF;
	(pc) =	sbr.abs _section_cstart, $3  }
0xc1: {  	[dreg:$0x1] =	wrdreg $0xFFFFFFFF  }
0xc2: {  	_ =	task.clear_ibuf [dreg:s7], $0x2FFFF;
	_ =	strace $0x9FFFFFFF  }
0xc3: {  	(tm) =	ssettm $0x7FFFFFFF  }
tec
execute0_lowered:
.L_overlay_start_1:
0x0: {  	(tag) =	ssettag $0x1  }
0x1: {  	s2 =	rddreg [dreg:$0x0]  }
0x2: {  	s0 =	srdreg.scid;
	s5 =	rddreg [dreg:$0x1]  }
0x3: {  	s21 =	stileid.u32;
	s3 =	rddreg [dreg:$0x2]  }
0x4: {  	s4 =	simm.s32 $0x0;
	s28 =	simm.s32 $0x14000;
	s29 =	simm.s32 $0x14080  }
0x5: {  	s30 =	simm.s32 $0x50;
	s31 =	simm.s32 $0x14100;
	s1 =	smul.u32 $0x4E20, s21  }
0x6: {  	s0 =	sand.u32 $0x1, s0;
	[smem:$0x7FF] =	sst s4;
	s12 =	smul.u32 $0x50000, s21  }
0x7: {  	s7 =	sadd.s32 $0x66200, s5;
	s14 =	smul.u32 $0x14000, s21;
	p0 =	seq.s32 s21, $0xF  }
0x8: {  	s6 =	smul.u32 $0x2710, s0;
	_ =	strace $0x8000004A;
	s13 =	ssub.s32 $0x2, s0  }
0x9: {  	[dreg:$0x4] =	wrdreg s7;
	s0 =	smul.u32 $0x138800, s0;
	s8 =	sshrl.u32 s13, $0x1  }
0xa: {  	s15 =	sor.u32 $0x2800, s14;
	s16 =	sadd.s32 $0x5000, s14;
	s18 =	sadd.s32 $0xC800, s14  }
0xb: {  	s19 =	sadd.s32 $0xF000, s14;
	s20 =	sadd.s32 $0x11800, s14;
	s1 =	sadd.s32 s6, s1  }
0xc: {  	s6 =	sshrl.u32 s12, $0x2;
	s17 =	ssub.s32 s13, s8;
	s7 =	sadd.s32 s15, s3  }
0xd: {  	s12 =	sadd.s32 $0x7800, s14;
	s8 =	sadd.s32 s16, s3;
	s13 =	sadd.s32 $0xA000, s14  }
0xe: {  	s11 =	sadd.s32 s18, s3;
	s23 =	sadd.s32 s0, s18;
	s21 =	sadd.s32 s0, s20  }
0xf: {  	s14 =	sadd.s32 s14, s0;
	s15 =	sadd.s32 s0, s15;
	s16 =	sadd.s32 s0, s16  }
0x10: {  	s1 =	sshrl.u32 s1, $0x3;
	s6 =	sadd.s32 s6, s3;
	s9 =	sadd.s32 s12, s3  }
0x11: {  	s10 =	sadd.s32 s13, s3;
	s24 =	sadd.s32 s0, s12;
	s22 =	sadd.s32 s0, s13  }
0x12: {  	s12 =	sadd.s32 $0x12C000, s0;
	s13 =	sadd.s32 $0x12E800, s0;
	s14 =	sshrl.u32 s14, $0x3  }
0x13: {  	s15 =	sshrl.u32 s15, $0x3;
	s16 =	sshrl.u32 s16, $0x3;
	s1 =	sadd.s32 s1, s5  }
0x14: {  	s5 =	sadd.s32 $0x66800, s5;
	s24 =	smov.u32 @p0 s12;
	s12 =	sadd.s32 $0x131000, s0  }
0x15: {  	s22 =	smov.u32 @p0 s13;
	s13 =	sadd.s32 s20, s3;
	s23 =	smov.u32 @p0 s12  }
0x16: {  	s12 =	sadd.s32 $0x136000, s0;
	s14 =	sadd.s32 s5, s14;
	s15 =	sadd.s32 s5, s15  }
0x17: {  	s18 =	sadd.s32 s5, s16;
	s25 =	sshrl.u32 s22, $0x3;
	[dreg:$0x5] =	wrdreg s14  }
0x18: {  	s26 =	sshrl.u32 s24, $0x3;
	s21 =	smov.u32 @p0 s12;
	[dreg:$0x6] =	wrdreg s15  }
0x19: {  	s12 =	sadd.s32 s19, s3;
	[dreg:$0x7] =	wrdreg s18;
	s14 =	sadd.s32 s0, s19  }
0x1a: {  	s0 =	sadd.s32 $0x133800, s0;
	s19 =	smax.u32 s17, $0x1;
	s18 =	sadd.s32 $0xE000, s1  }
0x1b: {  	s23 =	sshrl.u32 s23, $0x3;
	s24 =	sadd.s32 s5, s26;
	s26 =	simm.s32 $0x2  }
0x1c: {  	[dreg:$0x8] =	wrdreg s19;
	s14 =	smov.u32 @p0 s0;
	s20 =	sshrl.u32 s21, $0x3  }
0x1d: {  	s19 =	sadd.s32 $0x4200, s1;
	s22 =	sadd.s32 s5, s23;
	s23 =	sadd.s32 s5, s25  }
0x1e: {  	s25 =	simm.s32 $0x16900;
	s1 =	simm.s32 $0x1;
	s21 =	sshrl.u32 s14, $0x3  }
0x1f: {  	s0 =	simm.s32 $0x0;
	s20 =	sadd.s32 s5, s20;
	s21 =	sadd.s32 s5, s21  }
.LBB2_1:
0x20: {  	s5 =	rddreg [dreg:$0x4]  }
0x21: {  	[tilespmem:s25], [sflag:$0x2] =	stream.linear.gather [hbm4b:s5+s4], $0x2800, $0x38;
	[tilespmem:$0x19100] =	vst v63  }
0x22: {  	_ =	swait.ge [sflag:s26], $0x2800  }
0x23: {  	[sflag:s26] =	ssyncset.done $0x0  }
0x24: {  	[sflag:s26] =	ssyncadd.s32 $0xFFFFD800  }
0x25: {  	[spmem:s6] =	stream.linear.scatter [tilespmem:s25], [sflag:$0x2], $0x2800, $0x38;
	[tilespmem:$0x19100] =	vst v63  }
0x26: {  	_ =	swait.ge [sflag:s26], $0x2800  }
0x27: {  	[sflag:s26] =	ssyncset.done $0x0  }
0x28: {  	[sflag:s26] =	ssyncadd.s32 $0xFFFFD800  }
0x29: {  	[spmem:s7] =	stream.linear.scatter [tilespmem:s25], [sflag:$0x2], $0x2800, $0x38;
	[tilespmem:$0x19100] =	vst v63  }
0x2a: {  	_ =	swait.ge [sflag:s26], $0x2800  }
0x2b: {  	[sflag:s26] =	ssyncset.done $0x0  }
0x2c: {  	[sflag:s26] =	ssyncadd.s32 $0xFFFFD800  }
0x2d: {  	[spmem:s8] =	stream.linear.scatter [tilespmem:s25], [sflag:$0x2], $0x2800, $0x38;
	[tilespmem:$0x19100] =	vst v63  }
0x2e: {  	_ =	swait.ge [sflag:s26], $0x2800  }
0x2f: {  	[sflag:s26] =	ssyncset.done $0x0  }
0x30: {  	[sflag:s26] =	ssyncadd.s32 $0xFFFFD800  }
0x31: {  	[spmem:s9] =	stream.linear.scatter [tilespmem:s25], [sflag:$0x2], $0x2800, $0x38;
	[tilespmem:$0x19100] =	vst v63  }
0x32: {  	_ =	swait.ge [sflag:s26], $0x2800  }
0x33: {  	[sflag:s26] =	ssyncset.done $0x0  }
0x34: {  	[sflag:s26] =	ssyncadd.s32 $0xFFFFD800  }
0x35: {  	[spmem:s10] =	stream.linear.scatter [tilespmem:s25], [sflag:$0x2], $0x2800, $0x38;
	[tilespmem:$0x19100] =	vst v63  }
0x36: {  	_ =	swait.ge [sflag:s26], $0x2800  }
0x37: {  	[sflag:s26] =	ssyncset.done $0x0  }
0x38: {  	[sflag:s26] =	ssyncadd.s32 $0xFFFFD800  }
0x39: {  	[spmem:s11] =	stream.linear.scatter [tilespmem:s25], [sflag:$0x2], $0x2800, $0x38;
	[tilespmem:$0x19100] =	vst v63  }
0x3a: {  	_ =	swait.ge [sflag:s26], $0x2800  }
0x3b: {  	[sflag:s26] =	ssyncset.done $0x0  }
0x3c: {  	[sflag:s26] =	ssyncadd.s32 $0xFFFFD800  }
0x3d: {  	[spmem:s12] =	stream.linear.scatter [tilespmem:s25], [sflag:$0x2], $0x2800, $0x38;
	[tilespmem:$0x19100] =	vst v63  }
0x3e: {  	_ =	swait.ge [sflag:s26], $0x2800  }
0x3f: {  	[sflag:s26] =	ssyncset.done $0x0  }
0x40: {  	[sflag:s26] =	ssyncadd.s32 $0xFFFFD800  }
0x41: {  	[spmem:s13] =	stream.linear.scatter [tilespmem:s25], [sflag:$0x2], $0x2800, $0x38;
	[tilespmem:$0x19100] =	vst v63  }
0x42: {  	_ =	swait.ge [sflag:s26], $0x2800  }
0x43: {  	[sflag:s26] =	ssyncset.done $0x0  }
0x44: {  	[sflag:s26] =	ssyncadd.s32 $0xFFFFD800  }
0x45: {  	s16 =	sadd.s32 $0x0, s19;
	[bflag:$0x0] =	sbarrier.arrive $0xFFFF  }
0x46: {  	[tilespmem:s28], [sflag:$0x2] =	stream.linear.gather [hbm4b:s16+s4], $0x50, $0x38;
	[tilespmem:$0x19100] =	vst v63  }
0x47: {  	_ =	swait.ge [sflag:s26], $0x50  }
0x48: {  	[sflag:s26] =	ssyncset.done $0x0  }
0x49: {  	s17 =	sadd.s32 $0x0, s18;
	[sflag:s26] =	ssyncadd.s32 $0xFFFFFFB0  }
0x4a: {  	[tilespmem:s29], [sflag:$0x2] =	stream.linear.gather [hbm4b:s17+s4], $0x50, $0x38;
	[tilespmem:$0x19100] =	vst v63  }
0x4b: {  	_ =	swait.ge [sflag:s26], $0x50  }
0x4c: {  	[sflag:s26] =	ssyncset.done $0x0  }
0x4d: {  	[sflag:s26] =	ssyncadd.s32 $0xFFFFFFB0  }
0x4e: {  	[tilespmem:s31], [sflag:$0x1] =	stream.indirect.gather [hbm4b:s2+s30], $0x80, s28, s30, $0xb8;
	[tilespmem:$0x19100] =	vst v63  }
0x4f: {  	_ =	swait.ge [sflag:s1], $0x2800  }
0x50: {  	[sflag:s1] =	ssyncset.done $0x0  }
0x51: {  	[sflag:s1] =	ssyncadd.s32 $0xFFFFD800  }
0x52: {  	[spmem:s3] =	stream.indirect.scatter.add.f32 [tilespmem:s31], [sflag:$0x2], $0x80, s29, s30, $0xb8;
	[tilespmem:$0x19100] =	vst v63  }
0x53: {  	_ =	swait.ge [sflag:s26], $0x2800  }
0x54: {  	s14 =	simm.s32 $0x14;
	s5 =	simm.s32 $0xA;
	[sflag:s26] =	ssyncset.done $0x0  }
.LBB2_2:
0x55: {  	s15 =	sadd.s32 s5, s19  }
0x56: {  	[sflag:s26] =	ssyncadd.s32 $0xFFFFD800;
	s16 =	smov.u32 s14;
	s17 =	sadd.s32 $0xA, s14  }
0x57: {  	[tilespmem:s28], [sflag:$0x2] =	stream.linear.gather [hbm4b:s15+s4], $0x50, $0x38;
	[tilespmem:$0x19100] =	vst v63  }
0x58: {  	p1 =	sne.s32 s14, $0x4D8;
	_ =	swait.ge [sflag:s26], $0x50  }
0x59: {  	[sflag:s26] =	ssyncset.done $0x0  }
0x5a: {  	s14 =	sadd.s32 s5, s18;
	s5 =	smov.u32 s16;
	[sflag:s26] =	ssyncadd.s32 $0xFFFFFFB0  }
0x5b: {  	[tilespmem:s29], [sflag:$0x2] =	stream.linear.gather [hbm4b:s14+s4], $0x50, $0x38;
	[tilespmem:$0x19100] =	vst v63  }
0x5c: {  	_ =	swait.ge [sflag:s26], $0x50  }
0x5d: {  	[sflag:s26] =	ssyncset.done $0x0  }
0x5e: {  	[sflag:s26] =	ssyncadd.s32 $0xFFFFFFB0  }
0x5f: {  	[tilespmem:s31], [sflag:$0x1] =	stream.indirect.gather [hbm4b:s2+s30], $0x80, s28, s30, $0xb8;
	[tilespmem:$0x19100] =	vst v63  }
0x60: {  	_ =	swait.ge [sflag:s1], $0x2800  }
.Ltmp0:
0x61: {  	[sflag:s1] =	ssyncset.done $0x0;
	(pc) =	sbr.rel @p1 .LBB2_2-.Ltmp0, $4  }
0x62: {  	[sflag:s1] =	ssyncadd.s32 $0xFFFFD800  }
0x63: {  	[spmem:s3] =	stream.indirect.scatter.add.f32 [tilespmem:s31], [sflag:$0x2], $0x80, s29, s30, $0xb8;
	[tilespmem:$0x19100] =	vst v63  }
0x64: {  	_ =	swait.ge [sflag:s26], $0x2800  }
0x65: {  	s14 =	smov.u32 s17;
	[sflag:s26] =	ssyncset.done $0x0  }
0x66: {  	s14 =	sadd.s32 s5, s19;
	[sflag:s26] =	ssyncadd.s32 $0xFFFFD800  }
0x67: {  	[tilespmem:s28], [sflag:$0x2] =	stream.linear.gather [hbm4b:s14+s4], $0x50, $0x38;
	[tilespmem:$0x19100] =	vst v63  }
0x68: {  	_ =	swait.ge [sflag:s26], $0x50  }
0x69: {  	[sflag:s26] =	ssyncset.done $0x0  }
0x6a: {  	s16 =	sadd.s32 s5, s18;
	[sflag:s26] =	ssyncadd.s32 $0xFFFFFFB0  }
0x6b: {  	[tilespmem:s29], [sflag:$0x2] =	stream.linear.gather [hbm4b:s16+s4], $0x50, $0x38;
	[tilespmem:$0x19100] =	vst v63  }
0x6c: {  	_ =	swait.ge [sflag:s26], $0x50  }
0x6d: {  	[sflag:s26] =	ssyncset.done $0x0  }
0x6e: {  	[sflag:s26] =	ssyncadd.s32 $0xFFFFFFB0  }
0x6f: {  	[tilespmem:s31], [sflag:$0x1] =	stream.indirect.gather [hbm4b:s2+s30], $0x80, s28, s30, $0xb8;
	[tilespmem:$0x19100] =	vst v63  }
0x70: {  	_ =	swait.ge [sflag:s1], $0x2800  }
0x71: {  	[sflag:s1] =	ssyncset.done $0x0  }
0x72: {  	[sflag:s1] =	ssyncadd.s32 $0xFFFFD800  }
0x73: {  	[spmem:s3] =	stream.indirect.scatter.add.f32 [tilespmem:s31], [sflag:$0x2], $0x80, s29, s30, $0xb8;
	[tilespmem:$0x19100] =	vst v63  }
0x74: {  	_ =	swait.ge [sflag:s26], $0x2800  }
0x75: {  	[sflag:s26] =	ssyncset.done $0x0  }
0x76: {  	[sflag:s26] =	ssyncadd.s32 $0xFFFFD800  }
0x77: {  	[bflag:$0x0] =	sbarrier.arrive $0xFFFF  }
0x78: {  	[tilespmem:s25], [sflag:$0x2] =	stream.linear.gather [spmem:s6], $0x2800, $0x38;
	[tilespmem:$0x19100] =	vst v63  }
0x79: {  	_ =	swait.ge [sflag:s26], $0x2800  }
0x7a: {  	s5 =	simm.s32 @!p0 $0x0;
	[sflag:s26] =	ssyncset.done $0x0  }
0x7b: {  	s14 =	simm.s32 @!p0 $0x16900;
	s15 =	rddreg [dreg:$0x5];
	[sflag:s26] =	ssyncadd.s32 $0xFFFFD800  }
0x7c: {  	[hbm4b:s15+s5] =	stream.linear.scatter @!p0 [tilespmem:s14], [sflag:$0x2], $0x2800, $0x38;
	[tilespmem:$0x19100] =	vst v63  }
0x7d: {  	s15 =	simm.s32 @!p0 $0x2  }
0x7e: {  	_ =	swait.ge @!p0 [sflag:s15], $0x2800  }
0x7f: {  	[sflag:s15] =	ssyncset.done @!p0 $0x0  }
0x80: {  	[sflag:s15] =	ssyncadd.s32 @!p0 $0xFFFFD800  }
0x81: {  	[tilespmem:s14], [sflag:$0x2] =	stream.linear.gather @!p0 [spmem:s7], $0x2800, $0x38;
	[tilespmem:$0x19100] =	vst v63  }
0x82: {  	_ =	swait.ge @!p0 [sflag:s15], $0x2800  }
0x83: {  	[sflag:s15] =	ssyncset.done @!p0 $0x0  }
0x84: {  	s16 =	rddreg [dreg:$0x6];
	[sflag:s15] =	ssyncadd.s32 @!p0 $0xFFFFD800  }
0x85: {  	[hbm4b:s16+s5] =	stream.linear.scatter @!p0 [tilespmem:s14], [sflag:$0x2], $0x2800, $0x38;
	[tilespmem:$0x19100] =	vst v63  }
0x86: {  	_ =	swait.ge @!p0 [sflag:s15], $0x2800  }
0x87: {  	[sflag:s15] =	ssyncset.done @!p0 $0x0  }
0x88: {  	[sflag:s15] =	ssyncadd.s32 @!p0 $0xFFFFD800  }
0x89: {  	[tilespmem:s14], [sflag:$0x2] =	stream.linear.gather @!p0 [spmem:s8], $0x2800, $0x38;
	[tilespmem:$0x19100] =	vst v63  }
0x8a: {  	_ =	swait.ge @!p0 [sflag:s15], $0x2800  }
0x8b: {  	[sflag:s15] =	ssyncset.done @!p0 $0x0  }
0x8c: {  	s16 =	rddreg [dreg:$0x7];
	[sflag:s15] =	ssyncadd.s32 @!p0 $0xFFFFD800  }
0x8d: {  	[hbm4b:s16+s5] =	stream.linear.scatter @!p0 [tilespmem:s14], [sflag:$0x2], $0x2800, $0x38;
	[tilespmem:$0x19100] =	vst v63  }
0x8e: {  	_ =	swait.ge @!p0 [sflag:s15], $0x2800  }
0x8f: {  	[sflag:s15] =	ssyncset.done @!p0 $0x0  }
0x90: {  	[sflag:s15] =	ssyncadd.s32 @!p0 $0xFFFFD800  }
0x91: {  	[tilespmem:s14], [sflag:$0x2] =	stream.linear.gather @!p0 [spmem:s9], $0x2800, $0x38;
	[tilespmem:$0x19100] =	vst v63  }
0x92: {  	_ =	swait.ge @!p0 [sflag:s15], $0x2800  }
0x93: {  	[sflag:s15] =	ssyncset.done @!p0 $0x0  }
0x94: {  	[sflag:s15] =	ssyncadd.s32 @!p0 $0xFFFFD800  }
0x95: {  	[hbm4b:s24+s4] =	stream.linear.scatter [tilespmem:s25], [sflag:$0x2], $0x2800, $0x38;
	[tilespmem:$0x19100] =	vst v63  }
0x96: {  	_ =	swait.ge [sflag:s26], $0x2800  }
0x97: {  	s5 =	smov.u32 s10;
	[sflag:s26] =	ssyncset.done $0x0  }
0x98: {  	s5 =	smov.u32 @p0 s7;
	[sflag:s26] =	ssyncadd.s32 $0xFFFFD800  }
0x99: {  	[tilespmem:s25], [sflag:$0x2] =	stream.linear.gather [spmem:s5], $0x2800, $0x38;
	[tilespmem:$0x19100] =	vst v63  }
0x9a: {  	_ =	swait.ge [sflag:s26], $0x2800  }
0x9b: {  	[sflag:s26] =	ssyncset.done $0x0  }
0x9c: {  	[sflag:s26] =	ssyncadd.s32 $0xFFFFD800  }
0x9d: {  	[hbm4b:s23+s4] =	stream.linear.scatter [tilespmem:s25], [sflag:$0x2], $0x2800, $0x38;
	[tilespmem:$0x19100] =	vst v63  }
0x9e: {  	_ =	swait.ge [sflag:s26], $0x2800  }
0x9f: {  	s5 =	smov.u32 s11;
	[sflag:s26] =	ssyncset.done $0x0  }
0xa0: {  	s5 =	smov.u32 @p0 s8;
	[sflag:s26] =	ssyncadd.s32 $0xFFFFD800  }
0xa1: {  	[tilespmem:s25], [sflag:$0x2] =	stream.linear.gather [spmem:s5], $0x2800, $0x38;
	[tilespmem:$0x19100] =	vst v63  }
0xa2: {  	_ =	swait.ge [sflag:s26], $0x2800  }
0xa3: {  	[sflag:s26] =	ssyncset.done $0x0  }
0xa4: {  	[sflag:s26] =	ssyncadd.s32 $0xFFFFD800  }
0xa5: {  	[hbm4b:s22+s4] =	stream.linear.scatter [tilespmem:s25], [sflag:$0x2], $0x2800, $0x38;
	[tilespmem:$0x19100] =	vst v63  }
0xa6: {  	_ =	swait.ge [sflag:s26], $0x2800  }
0xa7: {  	s5 =	smov.u32 s12;
	[sflag:s26] =	ssyncset.done $0x0  }
0xa8: {  	s5 =	smov.u32 @p0 s9;
	[sflag:s26] =	ssyncadd.s32 $0xFFFFD800  }
0xa9: {  	[tilespmem:s25], [sflag:$0x2] =	stream.linear.gather [spmem:s5], $0x2800, $0x38;
	[tilespmem:$0x19100] =	vst v63  }
0xaa: {  	_ =	swait.ge [sflag:s26], $0x2800  }
0xab: {  	[sflag:s26] =	ssyncset.done $0x0  }
0xac: {  	[sflag:s26] =	ssyncadd.s32 $0xFFFFD800  }
0xad: {  	[hbm4b:s21+s4] =	stream.linear.scatter [tilespmem:s25], [sflag:$0x2], $0x2800, $0x38;
	[tilespmem:$0x19100] =	vst v63  }
0xae: {  	_ =	swait.ge [sflag:s26], $0x2800  }
0xaf: {  	s5 =	smov.u32 s13;
	[sflag:s26] =	ssyncset.done $0x0  }
0xb0: {  	s5 =	smov.u32 @p0 s10;
	[sflag:s26] =	ssyncadd.s32 $0xFFFFD800  }
0xb1: {  	[tilespmem:s25], [sflag:$0x2] =	stream.linear.gather [spmem:s5], $0x2800, $0x38;
	[tilespmem:$0x19100] =	vst v63  }
0xb2: {  	_ =	swait.ge [sflag:s26], $0x2800  }
0xb3: {  	[sflag:s26] =	ssyncset.done $0x0  }
0xb4: {  	[sflag:s26] =	ssyncadd.s32 $0xFFFFD800  }
0xb5: {  	[hbm4b:s20+s4] =	stream.linear.scatter [tilespmem:s25], [sflag:$0x2], $0x2800, $0x38;
	[tilespmem:$0x19100] =	vst v63  }
0xb6: {  	_ =	swait.ge [sflag:s26], $0x2800  }
0xb7: {  	s0 =	sadd.s32 $0x1, s0;
	s17 =	rddreg [dreg:$0x8]  }
0xb8: {  	p1 =	sne.s32 s0, s17  }
.Ltmp1:
0xb9: {  	_ = 	snop;
	(pc) =	sbr.rel @p1 .LBB2_1-.Ltmp1, $3  }
0xba: {  	_ =	sdelay $0x1  }
0xbb: {  	[sflag:s26] =	ssyncset.done $0x0  }
0xbc: {  	[sflag:s26] =	ssyncadd.s32 $0xFFFFD800  }
0xbd: {  	_ =	sfence.sel $0x180000  }
0xbe: {  	[bflag:$0x0] =	sbarrier.arrive $0xFFFF  }
0xbf: {  	_ =	strace $0x9000004A  }
0xc0: {  	s0 =	stileid.u32;
	[bflag:$0x2] =	sbarrier.arrive $0xFFFF  }
0xc1: {  	p0 =	sne.s32 s0, $0x0;
	s0 =	rddreg [dreg:$0x3]  }
0xc2: {  	s0 =	sadd.s32 @!p0 $0x100000, s0  }
0xc3: {  	[sflag:s0] =	ssyncadd.tile.s32 @!p0 $0x1;
	_ =	shalt  }
.Lfunc_end2:
_tile_overlayer_lowered:
.L_overlay_start_2:
0xc4: {  	(tag) =	ssettag $0x2  }
0xc5: {  	s0 =	rddreg [dreg:$0x0];
	s2 =	stileid.u32  }
0xc6: {  	s1 =	rddreg [dreg:$0x1];
	p0 =	sne.s32 s2, $0x0  }
0xc7: {  	s3 =	rddreg [dreg:$0x2];
	[bflag:$0x3] =	sbarrier.arrive $0xFFFF;
	s2 =	simm.s32 @!p0 $0x1C02  }
0xc8: {  	[timem:s3], [sflag:s2] =	dma.local @!p0 [hbm:s0], s1  }
0xc9: {  	s0 =	simm.s32 @!p0 $0x2  }
0xca: {  	_ =	swait.ge @!p0 [sflag:s0], s1  }
0xcb: {  	s1 =	ssub.s32 @!p0 $0x0, s1;
	[sflag:s0] =	ssyncset.done @!p0 $0x0  }
0xcc: {  	[sflag:s0] =	ssyncadd.s32 @!p0 s1  }
0xcd: {  	[bflag:$0x3] =	sbarrier.arrive $0xFFFF  }
0xce: {  	_ =	shalt  }

// kernel: kernel.14.cloned.1.call-start
scs
__scs_entry_jumppad:
0x0: {  	(pc) =	sbr.rel $0x88, $3  }
0x1: {  	(tag) =	ssettag $0x0;
	lr =	simm.s32 $0x1  }
0x2: {  	[smem:$0x3F93] =	sst lr;
	_ =	strace $0xD0000000  }
0x3: {  	_ = 	snop  }
0x4: {  	_ = 	snop  }
0x5: {  	_ = 	snop  }
0x6: {  	_ = 	snop  }
0x7: {  	_ = 	snop  }
__scs_overlays_trampoline_lowered:
0x8: {  	[smem:$0x3FA2] =	sst s0  }
0x9: {  	[smem:$0x3FA3] =	sst s1  }
0xa: {  	[smem:$0x3FA4] =	sst s2  }
0xb: {  	[smem:$0x3FA5] =	sst s3  }
0xc: {  	[smem:$0x3FA6] =	sst s4  }
0xd: {  	[smem:$0x3FA7] =	sst s5  }
0xe: {  	[smem:$0x3FA8] =	sst s6  }
0xf: {  	[smem:$0x3FA9] =	sst s7  }
0x10: {  	[smem:$0x3FAA] =	sst s8  }
0x11: {  	[smem:$0x3FAB] =	sst s9;
	s0 =	simm.s32 @!p0 $0x0  }
0x12: {  	s1 =	sld [smem:$0x3F91];
	s0 =	simm.s32 @p0 $0x1  }
0x13: {  	[smem:$0x3FAC] =	sst s0;
	s0 =	simm.s32 @!p1 $0x0  }
0x14: {  	s2 =	sld [smem:$0x3F90];
	s0 =	simm.s32 @p1 $0x1  }
0x15: {  	[smem:$0x3FAD] =	sst s0;
	s0 =	simm.s32 @!p2 $0x0  }
0x16: {  	s3 =	sld [smem:$0x3FDB];
	s0 =	simm.s32 @p2 $0x1  }
0x17: {  	s4 =	simm.s32 $0x1BF5;
	[smem:$0x3FAF] =	sst s0  }
0x18: {  	s0 =	sld [smem:$0x3F92];
	_ =	swait.ge [sflag:s4], $0x0  }
0x19: {  	s7 =	sld [smem:$0x3F93]  }
0x1a: {  	s8 =	sadd.s32 $0xFFFFE003, lr  }
0x1b: {  	s9 =	sadd.s32 $0xFFFFFEF7, lr;
	s5 =	simm.s32 $0xFFFFFFFF;
	p2 =	slt.u32 s8, $0xFFFFF086  }
0x1c: {  	p1 =	slt.u32 s9, $0xF7A;
	s5 =	simm.s32 @!p2 $0x0  }
0x1d: {  	s5 =	simm.s32 @p1 $0x1;
	p0 =	seq.s32 s7, s2  }
0x1e: {  	s7 =	smul.u32 @!p0 $0xF7A, s2;
	p2 =	seq.s32 @!p0 s5, $0x0  }
0x1f: {  	s9 =	smul.u32 $0xF7A, s1;
	s8 =	simm.s32 @!p0 $0x1BF5;
	p2 =	por !p2, p0  }
0x20: {  	[sflag:s8] =	ssyncset.s32 @!p0 $0xFFFFF086;
	s6 =	sadd.s32 @!p0 s3, s7;
	s7 =	simm.s32 @!p0 $0x108  }
0x21: {  	s3 =	sadd.s32 s3, s9;
	s6 =	sadd.s32 @!p0 $0x88, s6;
	s7 =	simm.s32 @p2 $0x1082  }
0x22: {  	[simem:s7], [sflag:s8] =	dma.local @!p0 [hbm:s6], $0xF7A  }
0x23: {  	s9 =	sor.u32 $0xD0000000, s2;
	s6 =	simm.s32 $0x108;
	_ =	swait.ge @!p0 [sflag:s8], $0x0  }
0x24: {  	s3 =	sadd.s32 $0x88, s3;
	s6 =	simm.s32 @!p1 $0x1082;
	[sflag:s4] =	ssyncset.s32 $0xFFFFF086  }
0x25: {  	[simem:s6], [sflag:s4] =	dma.local [hbm:s3], $0xF7A  }
0x26: {  	[smem:$0x3F93] =	sst s1;
	(tag) =	ssettag s2;
	_ =	strace s9  }
0x27: {  	s1 =	sld [smem:$0x3FA3]  }
0x28: {  	s2 =	sld [smem:$0x3FA4]  }
0x29: {  	s4 =	sld [smem:$0x3FA6]  }
0x2a: {  	p0 =	seq.s32 s5, $0x0;
	s5 =	sld [smem:$0x3FA7]  }
0x2b: {  	s6 =	sld [smem:$0x3FA8]  }
0x2c: {  	s7 =	sld [smem:$0x3FA9]  }
0x2d: {  	s3 =	simm.s32 $0x108;
	s8 =	sld [smem:$0x3FAA]  }
0x2e: {  	s3 =	simm.s32 @!p0 $0x1082;
	s9 =	sld [smem:$0x3FAB]  }
0x2f: {  	lr =	sadd.s32 s0, s3;
	s0 =	sld [smem:$0x3FA2]  }
0x30: {  	s3 =	sld [smem:$0x3FA5]  }
0x31: {  	[smem:$0x3FAE] =	sst s10  }
0x32: {  	s10 =	sld [smem:$0x3FAC];
	_ =	sdelay $0x3  }
0x33: {  	p0 =	seq.s32 s10, $0x1;
	s10 =	sld [smem:$0x3FAE];
	_ =	sdelay $0x3  }
0x34: {  	[smem:$0x3FAE] =	sst s10  }
0x35: {  	s10 =	sld [smem:$0x3FAD];
	_ =	sdelay $0x3  }
0x36: {  	p1 =	seq.s32 s10, $0x1;
	s10 =	sld [smem:$0x3FAE];
	_ =	sdelay $0x3  }
0x37: {  	[smem:$0x3FAE] =	sst s10  }
0x38: {  	s10 =	sld [smem:$0x3FAF]  }
0x39: {  	_ = 	snop;
	(pc) =	sbr.ind lr, $3  }
0x3a: {  	_ = 	snop  }
0x3b: {  	_ = 	snop  }
0x3c: {  	p2 =	seq.s32 s10, $0x1;
	s10 =	sld [smem:$0x3FAE]  }
0x3d: {  	_ =	shalt  }
0x3e: {  	_ =	shalt  }
0x3f: {  	_ =	shalt  }
0x40: {  	_ =	shalt  }
0x41: {  	_ =	shalt  }
0x42: {  	_ =	shalt  }
0x43: {  	_ =	shalt  }
0x44: {  	_ =	shalt  }
0x45: {  	_ =	shalt  }
0x46: {  	_ =	shalt  }
0x47: {  	_ =	shalt  }
0x48: {  	_ =	shalt  }
0x49: {  	_ =	shalt  }
0x4a: {  	_ =	shalt  }
0x4b: {  	_ =	shalt  }
0x4c: {  	_ =	shalt  }
0x4d: {  	_ =	shalt  }
0x4e: {  	_ =	shalt  }
0x4f: {  	_ =	shalt  }
0x50: {  	_ =	shalt  }
0x51: {  	_ =	shalt  }
0x52: {  	_ =	shalt  }
0x53: {  	_ =	shalt  }
0x54: {  	_ =	shalt  }
0x55: {  	_ =	shalt  }
0x56: {  	_ =	shalt  }
0x57: {  	_ =	shalt  }
0x58: {  	_ =	shalt  }
0x59: {  	_ =	shalt  }
0x5a: {  	_ =	shalt  }
0x5b: {  	_ =	shalt  }
0x5c: {  	_ =	shalt  }
0x5d: {  	_ =	shalt  }
0x5e: {  	_ =	shalt  }
0x5f: {  	_ =	shalt  }
0x60: {  	_ =	shalt  }
0x61: {  	_ =	shalt  }
0x62: {  	_ =	shalt  }
0x63: {  	_ =	shalt  }
0x64: {  	_ =	shalt  }
0x65: {  	_ =	shalt  }
0x66: {  	_ =	shalt  }
0x67: {  	_ =	shalt  }
0x68: {  	_ =	shalt  }
0x69: {  	_ =	shalt  }
0x6a: {  	_ =	shalt  }
0x6b: {  	_ =	shalt  }
0x6c: {  	_ =	shalt  }
0x6d: {  	_ =	shalt  }
0x6e: {  	_ =	shalt  }
0x6f: {  	_ =	shalt  }
0x70: {  	_ =	shalt  }
0x71: {  	_ =	shalt  }
0x72: {  	_ =	shalt  }
0x73: {  	_ =	shalt  }
0x74: {  	_ =	shalt  }
0x75: {  	_ =	shalt  }
0x76: {  	_ =	shalt  }
0x77: {  	_ =	shalt  }
0x78: {  	_ =	shalt  }
0x79: {  	_ =	shalt  }
0x7a: {  	_ =	shalt  }
0x7b: {  	_ =	shalt  }
0x7c: {  	_ =	shalt  }
0x7d: {  	_ =	shalt  }
0x7e: {  	_ =	shalt  }
0x7f: {  	_ =	shalt  }
0x80: {  	_ =	shalt  }
0x81: {  	_ =	shalt  }
0x82: {  	_ =	shalt  }
0x83: {  	_ =	shalt  }
0x84: {  	_ =	shalt  }
0x85: {  	_ =	shalt  }
0x86: {  	_ =	shalt  }
0x87: {  	_ =	shalt  }
.Lfunc_end0:
.L_simem_size_0:
called_computation.2_lowered:
.L_overlay_start_0:
0x88: {  	s2 =	sld [smem:$0x3FD9]  }
0x89: {  	s3 =	sld [smem:$0x3FFE];
	_ =	sdelay $0x1  }
0x8a: {  	s1 =	srdreg.scid  }
0x8b: {  	s0 =	sand.u32 $0x1, s1  }
0x8c: {  	s17 =	sshll.u32 s0, $0xA;
	s2 =	sadd.s32 s3, s2  }
0x8d: {  	s2 =	sadd.s32 s2, s17  }
0x8e: {  	[smem:$0x3FBA] =	sst s2  }
0x8f: {  	_ = 	snop  }
0x90: {  	s2 =	sld [smem:$0x3FD0];
	(tm) =	ssettm $0x1  }
0x91: {  	s18 =	sld [smem:$0x3FFB];
	_ =	sdelay $0x3  }
0x92: {  	_ =	strace s18  }
0x93: {  	s3 =	sld [smem:$0x3FFC];
	_ =	sdelay $0x3  }
0x94: {  	_ =	strace s3  }
0x95: {  	s3 =	sld [smem:$0x3FFD];
	_ =	sdelay $0x3  }
0x96: {  	_ =	strace s3  }
0x97: {  	_ =	strace $0x8FFFFFFF  }
0x98: {  	s19 =	sld [smem:$0x3FDB];
	_ =	sdelay $0x1  }
0x99: {  	s4 =	simm.s32 $_scs_section_size  }
0x9a: {  	s5 =	simm.s32 $_size__tile_overlayer_lowered;
	s6 =	simm.s32 $_tile_overlayer_lowered  }
0x9b: {  	s22 =	simm.s32 $0x1BFF;
	s21 =	sshll.u32 s6, $0x1;
	s3 =	sadd.s32 s4, s19  }
0x9c: {  	s7 =	simm.s32 $0x0;
	s20 =	sshll.u32 s5, $0x1;
	s5 =	sadd.s32 s21, s3  }
0x9d: {  	[timem:s7], [sflag:s22] =	dma.local [hbm:s5], s20  }
0x9e: {  	_ =	swait.ge [sflag:s22], s20  }
0x9f: {  	s4 =	ssub.s32 $0x0, s20;
	[sflag:s22] =	ssyncset.done $0x0  }
0xa0: {  	[sflag:s22] =	ssyncadd.s32 s4;
	_ =	sdelay $0x1  }
0xa1: {  	s23 =	simm.s32 $0x1B8B  }
0xa2: {  	_ =	swait.ge [sflag:s23], $0x1  }
0xa3: {  	[sflag:s23] =	ssyncset.done $0x0  }
0xa4: {  	s25 =	simm.s32 $0x1B8E;
	s24 =	sld [smem:$0x3FFE];
	[sflag:s23] =	ssyncadd.s32 $0xFFFFFFFF  }
0xa5: {  	s26 =	simm.s32 $execute0_lowered;
	[smem:$0x3FD2] =	sst s25  }
0xa6: {  	s5 =	sshll.u32 s26, $0x1;
	_ =	strace $0x8000004C;
	[dreg:$0x1] =	wrdreg $0xFFFFFFFF  }
0xa7: {  	s28 =	simm.s32 $_size_execute0_lowered;
	s3 =	sadd.s32 s3, s5;
	[dreg:$0x0] =	wrdreg $0x0  }
0xa8: {  	s5 =	sshll.u32 s28, $0x1;
	[dreg:$0x2] =	wrdreg s3  }
0xa9: {  	[dreg:$0x3] =	wrdreg s5  }
0xaa: {  	[dreg:$0x4] =	wrdreg $0xC0  }
0xab: {  	_ =	task [dreg:s7], $0x5FFFF  }
0xac: {  	[dreg:$0x1] =	wrdreg $0xFFFFFFFF  }
0xad: {  	[dreg:$0x0] =	wrdreg $0x60  }
0xae: {  	[dreg:$0x2] =	wrdreg s2  }
0xaf: {  	[dreg:$0x3] =	wrdreg s24  }
0xb0: {  	[dreg:$0x4] =	wrdreg $0x0  }
0xb1: {  	[dreg:$0x5] =	wrdreg $0x9  }
0xb2: {  	_ =	task.clear_ibuf [dreg:s7], $0x6FFFF;
	_ =	strace $0x9000004C  }
0xb3: {  	s29 =	simm.s32 $0x9;
	_ =	strace $0x8000004E  }
0xb4: {  	_ =	swait.ge [sflag:s29], $0x1  }
0xb5: {  	[sflag:s29] =	ssyncadd.s32 $0xFFFFFFFF  }
0xb6: {  	_ =	strace $0x9000004E  }
0xb7: {  	_ =	sfence  }
0xb8: {  	s30 =	sld [smem:$0x0];
	_ =	sdelay $0x2  }
0xb9: {  	s31 =	sshll.u32 s1, $0xD;
	s1 =	sshrl.u32 s1, $0x2  }
0xba: {  	s3 =	sand.u32 $0x4000, s31;
	s1 =	sadd.s32 s1, s30  }
0xbb: {  	s0 =	sor.u32 s3, s0;
	s1 =	sshll.u32 s1, $0x11  }
0xbc: {  	s0 =	sor.u32 s1, s0  }
0xbd: {  	s0 =	sadd.s32 $0x8F2B, s0  }
0xbe: {  	[sflag:s0] =	ssyncadd.remote.s32 $0x1  }
0xbf: {  	_ =	sfence.sel $0xFFFF  }
0xc0: {  	[dreg:$0x0] =	wrdreg $0xFFFFFFFF;
	(pc) =	sbr.abs _section_cstart, $3  }
0xc1: {  	[dreg:$0x1] =	wrdreg $0xFFFFFFFF  }
0xc2: {  	_ =	task.clear_ibuf [dreg:s7], $0x2FFFF;
	_ =	strace $0x9FFFFFFF  }
0xc3: {  	(tm) =	ssettm $0x7FFFFFFF  }
tec
execute0_lowered:
.L_overlay_start_1:
0x0: {  	(tag) =	ssettag $0x1  }
0x1: {  	s2 =	rddreg [dreg:$0x0]  }
0x2: {  	s0 =	srdreg.scid;
	s5 =	rddreg [dreg:$0x1]  }
0x3: {  	s21 =	stileid.u32;
	s3 =	rddreg [dreg:$0x2]  }
0x4: {  	s4 =	simm.s32 $0x0;
	s28 =	simm.s32 $0x14000;
	s29 =	simm.s32 $0x14080  }
0x5: {  	s30 =	simm.s32 $0x50;
	s31 =	simm.s32 $0x14100;
	s1 =	smul.u32 $0x4E20, s21  }
0x6: {  	s0 =	sand.u32 $0x1, s0;
	[smem:$0x7FF] =	sst s4;
	s12 =	smul.u32 $0x50000, s21  }
0x7: {  	s7 =	sadd.s32 $0x66200, s5;
	s14 =	smul.u32 $0x14000, s21;
	p0 =	seq.s32 s21, $0xF  }
0x8: {  	s6 =	smul.u32 $0x2710, s0;
	_ =	strace $0x8000004D;
	s13 =	ssub.s32 $0x2, s0  }
0x9: {  	[dreg:$0x4] =	wrdreg s7;
	s0 =	smul.u32 $0x138800, s0;
	s8 =	sshrl.u32 s13, $0x1  }
0xa: {  	s15 =	sor.u32 $0x2800, s14;
	s16 =	sadd.s32 $0x5000, s14;
	s18 =	sadd.s32 $0xC800, s14  }
0xb: {  	s19 =	sadd.s32 $0xF000, s14;
	s20 =	sadd.s32 $0x11800, s14;
	s1 =	sadd.s32 s6, s1  }
0xc: {  	s6 =	sshrl.u32 s12, $0x2;
	s17 =	ssub.s32 s13, s8;
	s7 =	sadd.s32 s15, s3  }
0xd: {  	s12 =	sadd.s32 $0x7800, s14;
	s8 =	sadd.s32 s16, s3;
	s13 =	sadd.s32 $0xA000, s14  }
0xe: {  	s11 =	sadd.s32 s18, s3;
	s23 =	sadd.s32 s0, s18;
	s21 =	sadd.s32 s0, s20  }
0xf: {  	s14 =	sadd.s32 s14, s0;
	s15 =	sadd.s32 s0, s15;
	s16 =	sadd.s32 s0, s16  }
0x10: {  	s1 =	sshrl.u32 s1, $0x3;
	s6 =	sadd.s32 s6, s3;
	s9 =	sadd.s32 s12, s3  }
0x11: {  	s10 =	sadd.s32 s13, s3;
	s24 =	sadd.s32 s0, s12;
	s22 =	sadd.s32 s0, s13  }
0x12: {  	s12 =	sadd.s32 $0x12C000, s0;
	s13 =	sadd.s32 $0x12E800, s0;
	s14 =	sshrl.u32 s14, $0x3  }
0x13: {  	s15 =	sshrl.u32 s15, $0x3;
	s16 =	sshrl.u32 s16, $0x3;
	s1 =	sadd.s32 s1, s5  }
0x14: {  	s5 =	sadd.s32 $0x66800, s5;
	s24 =	smov.u32 @p0 s12;
	s12 =	sadd.s32 $0x131000, s0  }
0x15: {  	s22 =	smov.u32 @p0 s13;
	s13 =	sadd.s32 s20, s3;
	s23 =	smov.u32 @p0 s12  }
0x16: {  	s12 =	sadd.s32 $0x136000, s0;
	s14 =	sadd.s32 s5, s14;
	s15 =	sadd.s32 s5, s15  }
0x17: {  	s18 =	sadd.s32 s5, s16;
	s25 =	sshrl.u32 s22, $0x3;
	[dreg:$0x5] =	wrdreg s14  }
0x18: {  	s26 =	sshrl.u32 s24, $0x3;
	s21 =	smov.u32 @p0 s12;
	[dreg:$0x6] =	wrdreg s15  }
0x19: {  	s12 =	sadd.s32 s19, s3;
	[dreg:$0x7] =	wrdreg s18;
	s14 =	sadd.s32 s0, s19  }
0x1a: {  	s0 =	sadd.s32 $0x133800, s0;
	s19 =	smax.u32 s17, $0x1;
	s18 =	sadd.s32 $0xE000, s1  }
0x1b: {  	s23 =	sshrl.u32 s23, $0x3;
	s24 =	sadd.s32 s5, s26;
	s26 =	simm.s32 $0x2  }
0x1c: {  	[dreg:$0x8] =	wrdreg s19;
	s14 =	smov.u32 @p0 s0;
	s20 =	sshrl.u32 s21, $0x3  }
0x1d: {  	s19 =	sadd.s32 $0x4200, s1;
	s22 =	sadd.s32 s5, s23;
	s23 =	sadd.s32 s5, s25  }
0x1e: {  	s25 =	simm.s32 $0x16900;
	s1 =	simm.s32 $0x1;
	s21 =	sshrl.u32 s14, $0x3  }
0x1f: {  	s0 =	simm.s32 $0x0;
	s20 =	sadd.s32 s5, s20;
	s21 =	sadd.s32 s5, s21  }
.LBB2_1:
0x20: {  	s5 =	rddreg [dreg:$0x4]  }
0x21: {  	[tilespmem:s25], [sflag:$0x2] =	stream.linear.gather [hbm4b:s5+s4], $0x2800, $0x38;
	[tilespmem:$0x19100] =	vst v63  }
0x22: {  	_ =	swait.ge [sflag:s26], $0x2800  }
0x23: {  	[sflag:s26] =	ssyncset.done $0x0  }
0x24: {  	[sflag:s26] =	ssyncadd.s32 $0xFFFFD800  }
0x25: {  	[spmem:s6] =	stream.linear.scatter [tilespmem:s25], [sflag:$0x2], $0x2800, $0x38;
	[tilespmem:$0x19100] =	vst v63  }
0x26: {  	_ =	swait.ge [sflag:s26], $0x2800  }
0x27: {  	[sflag:s26] =	ssyncset.done $0x0  }
0x28: {  	[sflag:s26] =	ssyncadd.s32 $0xFFFFD800  }
0x29: {  	[spmem:s7] =	stream.linear.scatter [tilespmem:s25], [sflag:$0x2], $0x2800, $0x38;
	[tilespmem:$0x19100] =	vst v63  }
0x2a: {  	_ =	swait.ge [sflag:s26], $0x2800  }
0x2b: {  	[sflag:s26] =	ssyncset.done $0x0  }
0x2c: {  	[sflag:s26] =	ssyncadd.s32 $0xFFFFD800  }
0x2d: {  	[spmem:s8] =	stream.linear.scatter [tilespmem:s25], [sflag:$0x2], $0x2800, $0x38;
	[tilespmem:$0x19100] =	vst v63  }
0x2e: {  	_ =	swait.ge [sflag:s26], $0x2800  }
0x2f: {  	[sflag:s26] =	ssyncset.done $0x0  }
0x30: {  	[sflag:s26] =	ssyncadd.s32 $0xFFFFD800  }
0x31: {  	[spmem:s9] =	stream.linear.scatter [tilespmem:s25], [sflag:$0x2], $0x2800, $0x38;
	[tilespmem:$0x19100] =	vst v63  }
0x32: {  	_ =	swait.ge [sflag:s26], $0x2800  }
0x33: {  	[sflag:s26] =	ssyncset.done $0x0  }
0x34: {  	[sflag:s26] =	ssyncadd.s32 $0xFFFFD800  }
0x35: {  	[spmem:s10] =	stream.linear.scatter [tilespmem:s25], [sflag:$0x2], $0x2800, $0x38;
	[tilespmem:$0x19100] =	vst v63  }
0x36: {  	_ =	swait.ge [sflag:s26], $0x2800  }
0x37: {  	[sflag:s26] =	ssyncset.done $0x0  }
0x38: {  	[sflag:s26] =	ssyncadd.s32 $0xFFFFD800  }
0x39: {  	[spmem:s11] =	stream.linear.scatter [tilespmem:s25], [sflag:$0x2], $0x2800, $0x38;
	[tilespmem:$0x19100] =	vst v63  }
0x3a: {  	_ =	swait.ge [sflag:s26], $0x2800  }
0x3b: {  	[sflag:s26] =	ssyncset.done $0x0  }
0x3c: {  	[sflag:s26] =	ssyncadd.s32 $0xFFFFD800  }
0x3d: {  	[spmem:s12] =	stream.linear.scatter [tilespmem:s25], [sflag:$0x2], $0x2800, $0x38;
	[tilespmem:$0x19100] =	vst v63  }
0x3e: {  	_ =	swait.ge [sflag:s26], $0x2800  }
0x3f: {  	[sflag:s26] =	ssyncset.done $0x0  }
0x40: {  	[sflag:s26] =	ssyncadd.s32 $0xFFFFD800  }
0x41: {  	[spmem:s13] =	stream.linear.scatter [tilespmem:s25], [sflag:$0x2], $0x2800, $0x38;
	[tilespmem:$0x19100] =	vst v63  }
0x42: {  	_ =	swait.ge [sflag:s26], $0x2800  }
0x43: {  	[sflag:s26] =	ssyncset.done $0x0  }
0x44: {  	[sflag:s26] =	ssyncadd.s32 $0xFFFFD800  }
0x45: {  	s16 =	sadd.s32 $0x0, s19;
	[bflag:$0x0] =	sbarrier.arrive $0xFFFF  }
0x46: {  	[tilespmem:s28], [sflag:$0x2] =	stream.linear.gather [hbm4b:s16+s4], $0x50, $0x38;
	[tilespmem:$0x19100] =	vst v63  }
0x47: {  	_ =	swait.ge [sflag:s26], $0x50  }
0x48: {  	[sflag:s26] =	ssyncset.done $0x0  }
0x49: {  	s17 =	sadd.s32 $0x0, s18;
	[sflag:s26] =	ssyncadd.s32 $0xFFFFFFB0  }
0x4a: {  	[tilespmem:s29], [sflag:$0x2] =	stream.linear.gather [hbm4b:s17+s4], $0x50, $0x38;
	[tilespmem:$0x19100] =	vst v63  }
0x4b: {  	_ =	swait.ge [sflag:s26], $0x50  }
0x4c: {  	[sflag:s26] =	ssyncset.done $0x0  }
0x4d: {  	[sflag:s26] =	ssyncadd.s32 $0xFFFFFFB0  }
0x4e: {  	[tilespmem:s31], [sflag:$0x1] =	stream.indirect.gather [hbm4b:s2+s30], $0x80, s28, s30, $0xb8;
	[tilespmem:$0x19100] =	vst v63  }
0x4f: {  	_ =	swait.ge [sflag:s1], $0x2800  }
0x50: {  	[sflag:s1] =	ssyncset.done $0x0  }
0x51: {  	[sflag:s1] =	ssyncadd.s32 $0xFFFFD800  }
0x52: {  	[spmem:s3] =	stream.indirect.scatter.add.f32 [tilespmem:s31], [sflag:$0x2], $0x80, s29, s30, $0xb8;
	[tilespmem:$0x19100] =	vst v63  }
0x53: {  	_ =	swait.ge [sflag:s26], $0x2800  }
0x54: {  	s14 =	simm.s32 $0x14;
	s5 =	simm.s32 $0xA;
	[sflag:s26] =	ssyncset.done $0x0  }
.LBB2_2:
0x55: {  	s15 =	sadd.s32 s5, s19  }
0x56: {  	[sflag:s26] =	ssyncadd.s32 $0xFFFFD800;
	s16 =	smov.u32 s14;
	s17 =	sadd.s32 $0xA, s14  }
0x57: {  	[tilespmem:s28], [sflag:$0x2] =	stream.linear.gather [hbm4b:s15+s4], $0x50, $0x38;
	[tilespmem:$0x19100] =	vst v63  }
0x58: {  	p1 =	sne.s32 s14, $0x4D8;
	_ =	swait.ge [sflag:s26], $0x50  }
0x59: {  	[sflag:s26] =	ssyncset.done $0x0  }
0x5a: {  	s14 =	sadd.s32 s5, s18;
	s5 =	smov.u32 s16;
	[sflag:s26] =	ssyncadd.s32 $0xFFFFFFB0  }
0x5b: {  	[tilespmem:s29], [sflag:$0x2] =	stream.linear.gather [hbm4b:s14+s4], $0x50, $0x38;
	[tilespmem:$0x19100] =	vst v63  }
0x5c: {  	_ =	swait.ge [sflag:s26], $0x50  }
0x5d: {  	[sflag:s26] =	ssyncset.done $0x0  }
0x5e: {  	[sflag:s26] =	ssyncadd.s32 $0xFFFFFFB0  }
0x5f: {  	[tilespmem:s31], [sflag:$0x1] =	stream.indirect.gather [hbm4b:s2+s30], $0x80, s28, s30, $0xb8;
	[tilespmem:$0x19100] =	vst v63  }
0x60: {  	_ =	swait.ge [sflag:s1], $0x2800  }
.Ltmp0:
0x61: {  	[sflag:s1] =	ssyncset.done $0x0;
	(pc) =	sbr.rel @p1 .LBB2_2-.Ltmp0, $4  }
0x62: {  	[sflag:s1] =	ssyncadd.s32 $0xFFFFD800  }
0x63: {  	[spmem:s3] =	stream.indirect.scatter.add.f32 [tilespmem:s31], [sflag:$0x2], $0x80, s29, s30, $0xb8;
	[tilespmem:$0x19100] =	vst v63  }
0x64: {  	_ =	swait.ge [sflag:s26], $0x2800  }
0x65: {  	s14 =	smov.u32 s17;
	[sflag:s26] =	ssyncset.done $0x0  }
0x66: {  	s14 =	sadd.s32 s5, s19;
	[sflag:s26] =	ssyncadd.s32 $0xFFFFD800  }
0x67: {  	[tilespmem:s28], [sflag:$0x2] =	stream.linear.gather [hbm4b:s14+s4], $0x50, $0x38;
	[tilespmem:$0x19100] =	vst v63  }
0x68: {  	_ =	swait.ge [sflag:s26], $0x50  }
0x69: {  	[sflag:s26] =	ssyncset.done $0x0  }
0x6a: {  	s16 =	sadd.s32 s5, s18;
	[sflag:s26] =	ssyncadd.s32 $0xFFFFFFB0  }
0x6b: {  	[tilespmem:s29], [sflag:$0x2] =	stream.linear.gather [hbm4b:s16+s4], $0x50, $0x38;
	[tilespmem:$0x19100] =	vst v63  }
0x6c: {  	_ =	swait.ge [sflag:s26], $0x50  }
0x6d: {  	[sflag:s26] =	ssyncset.done $0x0  }
0x6e: {  	[sflag:s26] =	ssyncadd.s32 $0xFFFFFFB0  }
0x6f: {  	[tilespmem:s31], [sflag:$0x1] =	stream.indirect.gather [hbm4b:s2+s30], $0x80, s28, s30, $0xb8;
	[tilespmem:$0x19100] =	vst v63  }
0x70: {  	_ =	swait.ge [sflag:s1], $0x2800  }
0x71: {  	[sflag:s1] =	ssyncset.done $0x0  }
0x72: {  	[sflag:s1] =	ssyncadd.s32 $0xFFFFD800  }
0x73: {  	[spmem:s3] =	stream.indirect.scatter.add.f32 [tilespmem:s31], [sflag:$0x2], $0x80, s29, s30, $0xb8;
	[tilespmem:$0x19100] =	vst v63  }
0x74: {  	_ =	swait.ge [sflag:s26], $0x2800  }
0x75: {  	[sflag:s26] =	ssyncset.done $0x0  }
0x76: {  	[sflag:s26] =	ssyncadd.s32 $0xFFFFD800  }
0x77: {  	[bflag:$0x0] =	sbarrier.arrive $0xFFFF  }
0x78: {  	[tilespmem:s25], [sflag:$0x2] =	stream.linear.gather [spmem:s6], $0x2800, $0x38;
	[tilespmem:$0x19100] =	vst v63  }
0x79: {  	_ =	swait.ge [sflag:s26], $0x2800  }
0x7a: {  	s5 =	simm.s32 @!p0 $0x0;
	[sflag:s26] =	ssyncset.done $0x0  }
0x7b: {  	s14 =	simm.s32 @!p0 $0x16900;
	s15 =	rddreg [dreg:$0x5];
	[sflag:s26] =	ssyncadd.s32 $0xFFFFD800  }
0x7c: {  	[hbm4b:s15+s5] =	stream.linear.scatter @!p0 [tilespmem:s14], [sflag:$0x2], $0x2800, $0x38;
	[tilespmem:$0x19100] =	vst v63  }
0x7d: {  	s15 =	simm.s32 @!p0 $0x2  }
0x7e: {  	_ =	swait.ge @!p0 [sflag:s15], $0x2800  }
0x7f: {  	[sflag:s15] =	ssyncset.done @!p0 $0x0  }
0x80: {  	[sflag:s15] =	ssyncadd.s32 @!p0 $0xFFFFD800  }
0x81: {  	[tilespmem:s14], [sflag:$0x2] =	stream.linear.gather @!p0 [spmem:s7], $0x2800, $0x38;
	[tilespmem:$0x19100] =	vst v63  }
0x82: {  	_ =	swait.ge @!p0 [sflag:s15], $0x2800  }
0x83: {  	[sflag:s15] =	ssyncset.done @!p0 $0x0  }
0x84: {  	s16 =	rddreg [dreg:$0x6];
	[sflag:s15] =	ssyncadd.s32 @!p0 $0xFFFFD800  }
0x85: {  	[hbm4b:s16+s5] =	stream.linear.scatter @!p0 [tilespmem:s14], [sflag:$0x2], $0x2800, $0x38;
	[tilespmem:$0x19100] =	vst v63  }
0x86: {  	_ =	swait.ge @!p0 [sflag:s15], $0x2800  }
0x87: {  	[sflag:s15] =	ssyncset.done @!p0 $0x0  }
0x88: {  	[sflag:s15] =	ssyncadd.s32 @!p0 $0xFFFFD800  }
0x89: {  	[tilespmem:s14], [sflag:$0x2] =	stream.linear.gather @!p0 [spmem:s8], $0x2800, $0x38;
	[tilespmem:$0x19100] =	vst v63  }
0x8a: {  	_ =	swait.ge @!p0 [sflag:s15], $0x2800  }
0x8b: {  	[sflag:s15] =	ssyncset.done @!p0 $0x0  }
0x8c: {  	s16 =	rddreg [dreg:$0x7];
	[sflag:s15] =	ssyncadd.s32 @!p0 $0xFFFFD800  }
0x8d: {  	[hbm4b:s16+s5] =	stream.linear.scatter @!p0 [tilespmem:s14], [sflag:$0x2], $0x2800, $0x38;
	[tilespmem:$0x19100] =	vst v63  }
0x8e: {  	_ =	swait.ge @!p0 [sflag:s15], $0x2800  }
0x8f: {  	[sflag:s15] =	ssyncset.done @!p0 $0x0  }
0x90: {  	[sflag:s15] =	ssyncadd.s32 @!p0 $0xFFFFD800  }
0x91: {  	[tilespmem:s14], [sflag:$0x2] =	stream.linear.gather @!p0 [spmem:s9], $0x2800, $0x38;
	[tilespmem:$0x19100] =	vst v63  }
0x92: {  	_ =	swait.ge @!p0 [sflag:s15], $0x2800  }
0x93: {  	[sflag:s15] =	ssyncset.done @!p0 $0x0  }
0x94: {  	[sflag:s15] =	ssyncadd.s32 @!p0 $0xFFFFD800  }
0x95: {  	[hbm4b:s24+s4] =	stream.linear.scatter [tilespmem:s25], [sflag:$0x2], $0x2800, $0x38;
	[tilespmem:$0x19100] =	vst v63  }
0x96: {  	_ =	swait.ge [sflag:s26], $0x2800  }
0x97: {  	s5 =	smov.u32 s10;
	[sflag:s26] =	ssyncset.done $0x0  }
0x98: {  	s5 =	smov.u32 @p0 s7;
	[sflag:s26] =	ssyncadd.s32 $0xFFFFD800  }
0x99: {  	[tilespmem:s25], [sflag:$0x2] =	stream.linear.gather [spmem:s5], $0x2800, $0x38;
	[tilespmem:$0x19100] =	vst v63  }
0x9a: {  	_ =	swait.ge [sflag:s26], $0x2800  }
0x9b: {  	[sflag:s26] =	ssyncset.done $0x0  }
0x9c: {  	[sflag:s26] =	ssyncadd.s32 $0xFFFFD800  }
0x9d: {  	[hbm4b:s23+s4] =	stream.linear.scatter [tilespmem:s25], [sflag:$0x2], $0x2800, $0x38;
	[tilespmem:$0x19100] =	vst v63  }
0x9e: {  	_ =	swait.ge [sflag:s26], $0x2800  }
0x9f: {  	s5 =	smov.u32 s11;
	[sflag:s26] =	ssyncset.done $0x0  }
0xa0: {  	s5 =	smov.u32 @p0 s8;
	[sflag:s26] =	ssyncadd.s32 $0xFFFFD800  }
0xa1: {  	[tilespmem:s25], [sflag:$0x2] =	stream.linear.gather [spmem:s5], $0x2800, $0x38;
	[tilespmem:$0x19100] =	vst v63  }
0xa2: {  	_ =	swait.ge [sflag:s26], $0x2800  }
0xa3: {  	[sflag:s26] =	ssyncset.done $0x0  }
0xa4: {  	[sflag:s26] =	ssyncadd.s32 $0xFFFFD800  }
0xa5: {  	[hbm4b:s22+s4] =	stream.linear.scatter [tilespmem:s25], [sflag:$0x2], $0x2800, $0x38;
	[tilespmem:$0x19100] =	vst v63  }
0xa6: {  	_ =	swait.ge [sflag:s26], $0x2800  }
0xa7: {  	s5 =	smov.u32 s12;
	[sflag:s26] =	ssyncset.done $0x0  }
0xa8: {  	s5 =	smov.u32 @p0 s9;
	[sflag:s26] =	ssyncadd.s32 $0xFFFFD800  }
0xa9: {  	[tilespmem:s25], [sflag:$0x2] =	stream.linear.gather [spmem:s5], $0x2800, $0x38;
	[tilespmem:$0x19100] =	vst v63  }
0xaa: {  	_ =	swait.ge [sflag:s26], $0x2800  }
0xab: {  	[sflag:s26] =	ssyncset.done $0x0  }
0xac: {  	[sflag:s26] =	ssyncadd.s32 $0xFFFFD800  }
0xad: {  	[hbm4b:s21+s4] =	stream.linear.scatter [tilespmem:s25], [sflag:$0x2], $0x2800, $0x38;
	[tilespmem:$0x19100] =	vst v63  }
0xae: {  	_ =	swait.ge [sflag:s26], $0x2800  }
0xaf: {  	s5 =	smov.u32 s13;
	[sflag:s26] =	ssyncset.done $0x0  }
0xb0: {  	s5 =	smov.u32 @p0 s10;
	[sflag:s26] =	ssyncadd.s32 $0xFFFFD800  }
0xb1: {  	[tilespmem:s25], [sflag:$0x2] =	stream.linear.gather [spmem:s5], $0x2800, $0x38;
	[tilespmem:$0x19100] =	vst v63  }
0xb2: {  	_ =	swait.ge [sflag:s26], $0x2800  }
0xb3: {  	[sflag:s26] =	ssyncset.done $0x0  }
0xb4: {  	[sflag:s26] =	ssyncadd.s32 $0xFFFFD800  }
0xb5: {  	[hbm4b:s20+s4] =	stream.linear.scatter [tilespmem:s25], [sflag:$0x2], $0x2800, $0x38;
	[tilespmem:$0x19100] =	vst v63  }
0xb6: {  	_ =	swait.ge [sflag:s26], $0x2800  }
0xb7: {  	s0 =	sadd.s32 $0x1, s0;
	s17 =	rddreg [dreg:$0x8]  }
0xb8: {  	p1 =	sne.s32 s0, s17  }
.Ltmp1:
0xb9: {  	_ = 	snop;
	(pc) =	sbr.rel @p1 .LBB2_1-.Ltmp1, $3  }
0xba: {  	_ =	sdelay $0x1  }
0xbb: {  	[sflag:s26] =	ssyncset.done $0x0  }
0xbc: {  	[sflag:s26] =	ssyncadd.s32 $0xFFFFD800  }
0xbd: {  	_ =	sfence.sel $0x180000  }
0xbe: {  	[bflag:$0x0] =	sbarrier.arrive $0xFFFF  }
0xbf: {  	_ =	strace $0x9000004D  }
0xc0: {  	s0 =	stileid.u32;
	[bflag:$0x2] =	sbarrier.arrive $0xFFFF  }
0xc1: {  	p0 =	sne.s32 s0, $0x0;
	s0 =	rddreg [dreg:$0x3]  }
0xc2: {  	s0 =	sadd.s32 @!p0 $0x100000, s0  }
0xc3: {  	[sflag:s0] =	ssyncadd.tile.s32 @!p0 $0x1;
	_ =	shalt  }
.Lfunc_end2:
_tile_overlayer_lowered:
.L_overlay_start_2:
0xc4: {  	(tag) =	ssettag $0x2  }
0xc5: {  	s0 =	rddreg [dreg:$0x0];
	s2 =	stileid.u32  }
0xc6: {  	s1 =	rddreg [dreg:$0x1];
	p0 =	sne.s32 s2, $0x0  }
0xc7: {  	s3 =	rddreg [dreg:$0x2];
	[bflag:$0x3] =	sbarrier.arrive $0xFFFF;
	s2 =	simm.s32 @!p0 $0x1C02  }
0xc8: {  	[timem:s3], [sflag:s2] =	dma.local @!p0 [hbm:s0], s1  }
0xc9: {  	s0 =	simm.s32 @!p0 $0x2  }
0xca: {  	_ =	swait.ge @!p0 [sflag:s0], s1  }
0xcb: {  	s1 =	ssub.s32 @!p0 $0x0, s1;
	[sflag:s0] =	ssyncset.done @!p0 $0x0  }
0xcc: {  	[sflag:s0] =	ssyncadd.s32 @!p0 s1  }
0xcd: {  	[bflag:$0x3] =	sbarrier.arrive $0xFFFF  }
0xce: {  	_ =	shalt  }

// kernel: kernel.8.cloned.1.call-start
scs
__scs_entry_jumppad:
0x0: {  	(pc) =	sbr.rel $0x88, $3  }
0x1: {  	(tag) =	ssettag $0x0;
	lr =	simm.s32 $0x1  }
0x2: {  	[smem:$0x3F93] =	sst lr;
	_ =	strace $0xD0000000  }
0x3: {  	_ = 	snop  }
0x4: {  	_ = 	snop  }
0x5: {  	_ = 	snop  }
0x6: {  	_ = 	snop  }
0x7: {  	_ = 	snop  }
__scs_overlays_trampoline_lowered:
0x8: {  	[smem:$0x3FA2] =	sst s0  }
0x9: {  	[smem:$0x3FA3] =	sst s1  }
0xa: {  	[smem:$0x3FA4] =	sst s2  }
0xb: {  	[smem:$0x3FA5] =	sst s3  }
0xc: {  	[smem:$0x3FA6] =	sst s4  }
0xd: {  	[smem:$0x3FA7] =	sst s5  }
0xe: {  	[smem:$0x3FA8] =	sst s6  }
0xf: {  	[smem:$0x3FA9] =	sst s7  }
0x10: {  	[smem:$0x3FAA] =	sst s8  }
0x11: {  	[smem:$0x3FAB] =	sst s9;
	s0 =	simm.s32 @!p0 $0x0  }
0x12: {  	s1 =	sld [smem:$0x3F91];
	s0 =	simm.s32 @p0 $0x1  }
0x13: {  	[smem:$0x3FAC] =	sst s0;
	s0 =	simm.s32 @!p1 $0x0  }
0x14: {  	s2 =	sld [smem:$0x3F90];
	s0 =	simm.s32 @p1 $0x1  }
0x15: {  	[smem:$0x3FAD] =	sst s0;
	s0 =	simm.s32 @!p2 $0x0  }
0x16: {  	s3 =	sld [smem:$0x3FDB];
	s0 =	simm.s32 @p2 $0x1  }
0x17: {  	s4 =	simm.s32 $0x1BF5;
	[smem:$0x3FAF] =	sst s0  }
0x18: {  	s0 =	sld [smem:$0x3F92];
	_ =	swait.ge [sflag:s4], $0x0  }
0x19: {  	s7 =	sld [smem:$0x3F93]  }
0x1a: {  	s8 =	sadd.s32 $0xFFFFE003, lr  }
0x1b: {  	s9 =	sadd.s32 $0xFFFFFEF7, lr;
	s5 =	simm.s32 $0xFFFFFFFF;
	p2 =	slt.u32 s8, $0xFFFFF086  }
0x1c: {  	p1 =	slt.u32 s9, $0xF7A;
	s5 =	simm.s32 @!p2 $0x0  }
0x1d: {  	s5 =	simm.s32 @p1 $0x1;
	p0 =	seq.s32 s7, s2  }
0x1e: {  	s7 =	smul.u32 @!p0 $0xF7A, s2;
	p2 =	seq.s32 @!p0 s5, $0x0  }
0x1f: {  	s9 =	smul.u32 $0xF7A, s1;
	s8 =	simm.s32 @!p0 $0x1BF5;
	p2 =	por !p2, p0  }
0x20: {  	[sflag:s8] =	ssyncset.s32 @!p0 $0xFFFFF086;
	s6 =	sadd.s32 @!p0 s3, s7;
	s7 =	simm.s32 @!p0 $0x108  }
0x21: {  	s3 =	sadd.s32 s3, s9;
	s6 =	sadd.s32 @!p0 $0x88, s6;
	s7 =	simm.s32 @p2 $0x1082  }
0x22: {  	[simem:s7], [sflag:s8] =	dma.local @!p0 [hbm:s6], $0xF7A  }
0x23: {  	s9 =	sor.u32 $0xD0000000, s2;
	s6 =	simm.s32 $0x108;
	_ =	swait.ge @!p0 [sflag:s8], $0x0  }
0x24: {  	s3 =	sadd.s32 $0x88, s3;
	s6 =	simm.s32 @!p1 $0x1082;
	[sflag:s4] =	ssyncset.s32 $0xFFFFF086  }
0x25: {  	[simem:s6], [sflag:s4] =	dma.local [hbm:s3], $0xF7A  }
0x26: {  	[smem:$0x3F93] =	sst s1;
	(tag) =	ssettag s2;
	_ =	strace s9  }
0x27: {  	s1 =	sld [smem:$0x3FA3]  }
0x28: {  	s2 =	sld [smem:$0x3FA4]  }
0x29: {  	s4 =	sld [smem:$0x3FA6]  }
0x2a: {  	p0 =	seq.s32 s5, $0x0;
	s5 =	sld [smem:$0x3FA7]  }
0x2b: {  	s6 =	sld [smem:$0x3FA8]  }
0x2c: {  	s7 =	sld [smem:$0x3FA9]  }
0x2d: {  	s3 =	simm.s32 $0x108;
	s8 =	sld [smem:$0x3FAA]  }
0x2e: {  	s3 =	simm.s32 @!p0 $0x1082;
	s9 =	sld [smem:$0x3FAB]  }
0x2f: {  	lr =	sadd.s32 s0, s3;
	s0 =	sld [smem:$0x3FA2]  }
0x30: {  	s3 =	sld [smem:$0x3FA5]  }
0x31: {  	[smem:$0x3FAE] =	sst s10  }
0x32: {  	s10 =	sld [smem:$0x3FAC];
	_ =	sdelay $0x3  }
0x33: {  	p0 =	seq.s32 s10, $0x1;
	s10 =	sld [smem:$0x3FAE];
	_ =	sdelay $0x3  }
0x34: {  	[smem:$0x3FAE] =	sst s10  }
0x35: {  	s10 =	sld [smem:$0x3FAD];
	_ =	sdelay $0x3  }
0x36: {  	p1 =	seq.s32 s10, $0x1;
	s10 =	sld [smem:$0x3FAE];
	_ =	sdelay $0x3  }
0x37: {  	[smem:$0x3FAE] =	sst s10  }
0x38: {  	s10 =	sld [smem:$0x3FAF]  }
0x39: {  	_ = 	snop;
	(pc) =	sbr.ind lr, $3  }
0x3a: {  	_ = 	snop  }
0x3b: {  	_ = 	snop  }
0x3c: {  	p2 =	seq.s32 s10, $0x1;
	s10 =	sld [smem:$0x3FAE]  }
0x3d: {  	_ =	shalt  }
0x3e: {  	_ =	shalt  }
0x3f: {  	_ =	shalt  }
0x40: {  	_ =	shalt  }
0x41: {  	_ =	shalt  }
0x42: {  	_ =	shalt  }
0x43: {  	_ =	shalt  }
0x44: {  	_ =	shalt  }
0x45: {  	_ =	shalt  }
0x46: {  	_ =	shalt  }
0x47: {  	_ =	shalt  }
0x48: {  	_ =	shalt  }
0x49: {  	_ =	shalt  }
0x4a: {  	_ =	shalt  }
0x4b: {  	_ =	shalt  }
0x4c: {  	_ =	shalt  }
0x4d: {  	_ =	shalt  }
0x4e: {  	_ =	shalt  }
0x4f: {  	_ =	shalt  }
0x50: {  	_ =	shalt  }
0x51: {  	_ =	shalt  }
0x52: {  	_ =	shalt  }
0x53: {  	_ =	shalt  }
0x54: {  	_ =	shalt  }
0x55: {  	_ =	shalt  }
0x56: {  	_ =	shalt  }
0x57: {  	_ =	shalt  }
0x58: {  	_ =	shalt  }
0x59: {  	_ =	shalt  }
0x5a: {  	_ =	shalt  }
0x5b: {  	_ =	shalt  }
0x5c: {  	_ =	shalt  }
0x5d: {  	_ =	shalt  }
0x5e: {  	_ =	shalt  }
0x5f: {  	_ =	shalt  }
0x60: {  	_ =	shalt  }
0x61: {  	_ =	shalt  }
0x62: {  	_ =	shalt  }
0x63: {  	_ =	shalt  }
0x64: {  	_ =	shalt  }
0x65: {  	_ =	shalt  }
0x66: {  	_ =	shalt  }
0x67: {  	_ =	shalt  }
0x68: {  	_ =	shalt  }
0x69: {  	_ =	shalt  }
0x6a: {  	_ =	shalt  }
0x6b: {  	_ =	shalt  }
0x6c: {  	_ =	shalt  }
0x6d: {  	_ =	shalt  }
0x6e: {  	_ =	shalt  }
0x6f: {  	_ =	shalt  }
0x70: {  	_ =	shalt  }
0x71: {  	_ =	shalt  }
0x72: {  	_ =	shalt  }
0x73: {  	_ =	shalt  }
0x74: {  	_ =	shalt  }
0x75: {  	_ =	shalt  }
0x76: {  	_ =	shalt  }
0x77: {  	_ =	shalt  }
0x78: {  	_ =	shalt  }
0x79: {  	_ =	shalt  }
0x7a: {  	_ =	shalt  }
0x7b: {  	_ =	shalt  }
0x7c: {  	_ =	shalt  }
0x7d: {  	_ =	shalt  }
0x7e: {  	_ =	shalt  }
0x7f: {  	_ =	shalt  }
0x80: {  	_ =	shalt  }
0x81: {  	_ =	shalt  }
0x82: {  	_ =	shalt  }
0x83: {  	_ =	shalt  }
0x84: {  	_ =	shalt  }
0x85: {  	_ =	shalt  }
0x86: {  	_ =	shalt  }
0x87: {  	_ =	shalt  }
.Lfunc_end0:
.L_simem_size_0:
called_computation_lowered:
.L_overlay_start_0:
0x88: {  	s2 =	sld [smem:$0x3FD9]  }
0x89: {  	s3 =	sld [smem:$0x3FFE];
	_ =	sdelay $0x1  }
0x8a: {  	s1 =	srdreg.scid  }
0x8b: {  	s0 =	sand.u32 $0x1, s1  }
0x8c: {  	s17 =	sshll.u32 s0, $0xA;
	s2 =	sadd.s32 s3, s2  }
0x8d: {  	s2 =	sadd.s32 s2, s17  }
0x8e: {  	[smem:$0x3FBA] =	sst s2  }
0x8f: {  	_ = 	snop  }
0x90: {  	s2 =	sld [smem:$0x3FD0];
	(tm) =	ssettm $0x1  }
0x91: {  	s18 =	sld [smem:$0x3FFB];
	_ =	sdelay $0x3  }
0x92: {  	_ =	strace s18  }
0x93: {  	s3 =	sld [smem:$0x3FFC];
	_ =	sdelay $0x3  }
0x94: {  	_ =	strace s3  }
0x95: {  	s3 =	sld [smem:$0x3FFD];
	_ =	sdelay $0x3  }
0x96: {  	_ =	strace s3  }
0x97: {  	_ =	strace $0x8FFFFFFF  }
0x98: {  	s19 =	sld [smem:$0x3FDB];
	_ =	sdelay $0x1  }
0x99: {  	s4 =	simm.s32 $_scs_section_size  }
0x9a: {  	s5 =	simm.s32 $_size__tile_overlayer_lowered;
	s6 =	simm.s32 $_tile_overlayer_lowered  }
0x9b: {  	s22 =	simm.s32 $0x1BFF;
	s21 =	sshll.u32 s6, $0x1;
	s3 =	sadd.s32 s4, s19  }
0x9c: {  	s7 =	simm.s32 $0x0;
	s20 =	sshll.u32 s5, $0x1;
	s5 =	sadd.s32 s21, s3  }
0x9d: {  	[timem:s7], [sflag:s22] =	dma.local [hbm:s5], s20  }
0x9e: {  	_ =	swait.ge [sflag:s22], s20  }
0x9f: {  	s4 =	ssub.s32 $0x0, s20;
	[sflag:s22] =	ssyncset.done $0x0  }
0xa0: {  	[sflag:s22] =	ssyncadd.s32 s4;
	_ =	sdelay $0x1  }
0xa1: {  	s23 =	simm.s32 $0x1B8B  }
0xa2: {  	_ =	swait.ge [sflag:s23], $0x1  }
0xa3: {  	[sflag:s23] =	ssyncset.done $0x0  }
0xa4: {  	s25 =	simm.s32 $0x1B8E;
	s24 =	sld [smem:$0x3FFE];
	[sflag:s23] =	ssyncadd.s32 $0xFFFFFFFF  }
0xa5: {  	s26 =	simm.s32 $execute0_lowered;
	[smem:$0x3FD2] =	sst s25  }
0xa6: {  	s5 =	sshll.u32 s26, $0x1;
	_ =	strace $0x80000046;
	[dreg:$0x1] =	wrdreg $0xFFFFFFFF  }
0xa7: {  	s28 =	simm.s32 $_size_execute0_lowered;
	s3 =	sadd.s32 s3, s5;
	[dreg:$0x0] =	wrdreg $0x0  }
0xa8: {  	s5 =	sshll.u32 s28, $0x1;
	[dreg:$0x2] =	wrdreg s3  }
0xa9: {  	[dreg:$0x3] =	wrdreg s5  }
0xaa: {  	[dreg:$0x4] =	wrdreg $0xC0  }
0xab: {  	_ =	task [dreg:s7], $0x5FFFF  }
0xac: {  	[dreg:$0x1] =	wrdreg $0xFFFFFFFF  }
0xad: {  	[dreg:$0x0] =	wrdreg $0x60  }
0xae: {  	[dreg:$0x2] =	wrdreg s24  }
0xaf: {  	[dreg:$0x3] =	wrdreg s2  }
0xb0: {  	[dreg:$0x4] =	wrdreg $0x0  }
0xb1: {  	[dreg:$0x5] =	wrdreg $0x9  }
0xb2: {  	_ =	task.clear_ibuf [dreg:s7], $0x6FFFF;
	_ =	strace $0x90000046  }
0xb3: {  	s29 =	simm.s32 $0x9;
	_ =	strace $0x80000048  }
0xb4: {  	_ =	swait.ge [sflag:s29], $0x1  }
0xb5: {  	[sflag:s29] =	ssyncadd.s32 $0xFFFFFFFF  }
0xb6: {  	_ =	strace $0x90000048  }
0xb7: {  	_ =	sfence  }
0xb8: {  	s30 =	sld [smem:$0x0];
	_ =	sdelay $0x2  }
0xb9: {  	s31 =	sshll.u32 s1, $0xD;
	s1 =	sshrl.u32 s1, $0x2  }
0xba: {  	s3 =	sand.u32 $0x4000, s31;
	s1 =	sadd.s32 s1, s30  }
0xbb: {  	s0 =	sor.u32 s3, s0;
	s1 =	sshll.u32 s1, $0x11  }
0xbc: {  	s0 =	sor.u32 s1, s0  }
0xbd: {  	s0 =	sadd.s32 $0x8F2B, s0  }
0xbe: {  	[sflag:s0] =	ssyncadd.remote.s32 $0x1  }
0xbf: {  	_ =	sfence.sel $0xFFFF  }
0xc0: {  	[dreg:$0x0] =	wrdreg $0xFFFFFFFF;
	(pc) =	sbr.abs _section_cstart, $3  }
0xc1: {  	[dreg:$0x1] =	wrdreg $0xFFFFFFFF  }
0xc2: {  	_ =	task.clear_ibuf [dreg:s7], $0x2FFFF;
	_ =	strace $0x9FFFFFFF  }
0xc3: {  	(tm) =	ssettm $0x7FFFFFFF  }
tec
execute0_lowered:
.L_overlay_start_1:
0x0: {  	(tag) =	ssettag $0x1  }
0x1: {  	s4 =	rddreg [dreg:$0x0]  }
0x2: {  	s7 =	rddreg [dreg:$0x1]  }
0x3: {  	s2 =	rddreg [dreg:$0x2]  }
0x4: {  	s0 =	srdreg.scid;
	s1 =	rddreg [dreg:$0x3]  }
0x5: {  	s3 =	simm.s32 $0x0;
	s12 =	simm.s32 $0x50;
	s5 =	sand.u32 $0x1, s0  }
0x6: {  	s13 =	simm.s32 $0x300;
	s0 =	stileid.u32;
	s6 =	smul.u32 $0x2710, s5  }
0x7: {  	s14 =	simm.s32 $0x0;
	[smem:$0x7FF] =	sst s3;
	s8 =	smul.u32 $0x4E20, s0  }
0x8: {  	s9 =	smul.u32 $0x280, s0;
	_ =	strace $0x80000047;
	s30 =	ssub.s32 $0x2, s5  }
0x9: {  	p0 =	seq.s32 s0, $0xF;
	s5 =	sshrl.u32 s30, $0x1;
	s8 =	sadd.s32 s6, s8  }
0xa: {  	s10 =	sadd.s32 s9, s6;
	s6 =	sshrl.u32 s6, $0x3;
	s11 =	ssub.s32 s30, s5  }
0xb: {  	s8 =	sshrl.u32 s8, $0x3;
	s31 =	sshrl.u32 s10, $0x3;
	s6 =	sadd.s32 s7, s6  }
0xc: {  	s10 =	simm.s32 $0x1;
	s8 =	sadd.s32 s8, s4;
	s4 =	sadd.s32 s9, s2  }
0xd: {  	s5 =	sadd.s32 s7, s31;
	s6 =	sadd.s32 $0x4B0, s6;
	s7 =	smax.u32 s11, $0x1  }
0xe: {  	v0 =	vimm.f32 $0.0e+00;
	v1 =	vimm.f32 $1.000000000e+00;
	s9 =	simm.s32 $0x380;
	s11 =	simm.s32 $0x280;
	s8 =	sadd.s32 $0xE000, s8  }
.LBB2_1:
0xf: {  	[tilespmem:$0x380] =	vst v0  }
0x10: {  	[tilespmem:$0x390] =	vst v0  }
0x11: {  	[tilespmem:$0x3A0] =	vst v0  }
0x12: {  	[tilespmem:$0x3B0] =	vst v0  }
0x13: {  	[tilespmem:$0x3C0] =	vst v0  }
0x14: {  	[tilespmem:$0x3D0] =	vst v0  }
0x15: {  	[tilespmem:$0x3E0] =	vst v0  }
0x16: {  	[tilespmem:$0x3F0] =	vst v0  }
0x17: {  	[tilespmem:$0x400] =	vst v0  }
0x18: {  	[tilespmem:$0x410] =	vst v0  }
0x19: {  	[tilespmem:$0x420] =	vst v0  }
0x1a: {  	[tilespmem:$0x430] =	vst v0  }
0x1b: {  	[tilespmem:$0x440] =	vst v0  }
0x1c: {  	[tilespmem:$0x450] =	vst v0  }
0x1d: {  	[tilespmem:$0x460] =	vst v0  }
0x1e: {  	[tilespmem:$0x470] =	vst v0  }
0x1f: {  	[tilespmem:$0x480] =	vst v0  }
0x20: {  	[tilespmem:$0x490] =	vst v0  }
0x21: {  	[tilespmem:$0x4A0] =	vst v0  }
0x22: {  	[tilespmem:$0x4B0] =	vst v0  }
0x23: {  	[tilespmem:$0x4C0] =	vst v0  }
0x24: {  	[tilespmem:$0x4D0] =	vst v0  }
0x25: {  	[tilespmem:$0x4E0] =	vst v0  }
0x26: {  	[tilespmem:$0x4F0] =	vst v0  }
0x27: {  	[tilespmem:$0x500] =	vst v0  }
0x28: {  	[tilespmem:$0x510] =	vst v0  }
0x29: {  	[tilespmem:$0x520] =	vst v0  }
0x2a: {  	[tilespmem:$0x530] =	vst v0  }
0x2b: {  	[tilespmem:$0x540] =	vst v0  }
0x2c: {  	[tilespmem:$0x550] =	vst v0  }
0x2d: {  	[tilespmem:$0x560] =	vst v0  }
0x2e: {  	[tilespmem:$0x570] =	vst v0  }
0x2f: {  	[tilespmem:$0x580] =	vst v0  }
0x30: {  	[tilespmem:$0x590] =	vst v0  }
0x31: {  	[tilespmem:$0x5A0] =	vst v0  }
0x32: {  	[tilespmem:$0x5B0] =	vst v0  }
0x33: {  	[tilespmem:$0x5C0] =	vst v0  }
0x34: {  	[tilespmem:$0x5D0] =	vst v0  }
0x35: {  	[tilespmem:$0x5E0] =	vst v0  }
0x36: {  	[tilespmem:$0x5F0] =	vst v0  }
0x37: {  	[tilespmem:$0x300] =	vst v1  }
0x38: {  	[tilespmem:$0x310] =	vst v1  }
0x39: {  	[tilespmem:$0x320] =	vst v1  }
0x3a: {  	[tilespmem:$0x330] =	vst v1  }
0x3b: {  	[tilespmem:$0x340] =	vst v1  }
0x3c: {  	[spmem:s4] =	stream.linear.scatter [tilespmem:s9], [sflag:$0x1], $0x280, $0x38;
	[tilespmem:$0x600] =	vst v63  }
0x3d: {  	_ =	swait.ge [sflag:s10], $0x280  }
0x3e: {  	[sflag:s10] =	ssyncset.done $0x0  }
0x3f: {  	[sflag:s10] =	ssyncadd.s32 $0xFFFFFD80  }
0x40: {  	s15 =	sadd.s32 $0x0, s8;
	[bflag:$0x0] =	sbarrier.arrive $0xFFFF  }
0x41: {  	[tilespmem:s11], [sflag:$0x1] =	stream.linear.gather [hbm4b:s15+s3], $0x50, $0x38;
	[tilespmem:$0x600] =	vst v63  }
0x42: {  	_ =	swait.ge [sflag:s10], $0x50  }
0x43: {  	[sflag:s10] =	ssyncset.done $0x0  }
0x44: {  	[sflag:s10] =	ssyncadd.s32 $0xFFFFFFB0  }
0x45: {  	[spmem:s2] =	stream.indirect.scatter.add.f32 [tilespmem:s13], [sflag:$0x1], $0x1, s11, s12, $0xb8;
	[tilespmem:$0x600] =	vst v63  }
0x46: {  	_ =	swait.ge [sflag:s10], $0x50  }
0x47: {  	s16 =	simm.s32 $0x14;
	s15 =	simm.s32 $0xA;
	[sflag:s10] =	ssyncset.done $0x0  }
.LBB2_2:
0x48: {  	s17 =	sadd.s32 s15, s8  }
0x49: {  	[sflag:s10] =	ssyncadd.s32 $0xFFFFFFB0;
	s15 =	smov.u32 s16;
	s18 =	sadd.s32 $0xA, s16  }
0x4a: {  	[tilespmem:s11], [sflag:$0x1] =	stream.linear.gather [hbm4b:s17+s3], $0x50, $0x38;
	[tilespmem:$0x600] =	vst v63  }
0x4b: {  	p1 =	sne.s32 s16, $0x4D8;
	_ =	swait.ge [sflag:s10], $0x50  }
.Ltmp0:
0x4c: {  	[sflag:s10] =	ssyncset.done $0x0;
	(pc) =	sbr.rel @p1 .LBB2_2-.Ltmp0, $4  }
0x4d: {  	[sflag:s10] =	ssyncadd.s32 $0xFFFFFFB0  }
0x4e: {  	[spmem:s2] =	stream.indirect.scatter.add.f32 [tilespmem:s13], [sflag:$0x1], $0x1, s11, s12, $0xb8;
	[tilespmem:$0x600] =	vst v63  }
0x4f: {  	_ =	swait.ge [sflag:s10], $0x50  }
0x50: {  	s16 =	smov.u32 s18;
	[sflag:s10] =	ssyncset.done $0x0  }
0x51: {  	s15 =	sadd.s32 s15, s8;
	[sflag:s10] =	ssyncadd.s32 $0xFFFFFFB0  }
0x52: {  	[tilespmem:s11], [sflag:$0x1] =	stream.linear.gather [hbm4b:s15+s3], $0x50, $0x38;
	[tilespmem:$0x600] =	vst v63  }
0x53: {  	_ =	swait.ge [sflag:s10], $0x50  }
0x54: {  	[sflag:s10] =	ssyncset.done $0x0  }
0x55: {  	[sflag:s10] =	ssyncadd.s32 $0xFFFFFFB0  }
0x56: {  	[spmem:s2] =	stream.indirect.scatter.add.f32 [tilespmem:s13], [sflag:$0x1], $0x1, s11, s12, $0xb8;
	[tilespmem:$0x600] =	vst v63  }
0x57: {  	_ =	swait.ge [sflag:s10], $0x50  }
0x58: {  	[sflag:s10] =	ssyncset.done $0x0  }
0x59: {  	[sflag:s10] =	ssyncadd.s32 $0xFFFFFFB0  }
0x5a: {  	s16 =	simm.s32 @p0 $0x1;
	s15 =	simm.s32 @p0 $0x380;
	[bflag:$0x0] =	sbarrier.arrive $0xFFFF  }
0x5b: {  	[tilespmem:s15], [sflag:$0x1] =	stream.linear.gather @p0 [spmem:s4], $0x190, $0x38;
	[tilespmem:$0x600] =	vst v63  }
0x5c: {  	_ =	swait.ge @p0 [sflag:s16], $0x190  }
0x5d: {  	[sflag:s16] =	ssyncset.done @p0 $0x0  }
0x5e: {  	s17 =	simm.s32 @p0 $0x0;
	[sflag:s16] =	ssyncadd.s32 @p0 $0xFFFFFE70  }
0x5f: {  	[hbm4b:s6+s17] =	stream.linear.scatter @p0 [tilespmem:s15], [sflag:$0x1], $0x190, $0x38;
	[tilespmem:$0x600] =	vst v63  }
0x60: {  	_ =	swait.ge @p0 [sflag:s16], $0x190  }
0x61: {  	[sflag:s16] =	ssyncset.done @p0 $0x0  }
0x62: {  	s15 =	simm.s32 @!p0 $0x380;
	[sflag:s16] =	ssyncadd.s32 @p0 $0xFFFFFE70;
	s16 =	simm.s32 @!p0 $0x1  }
0x63: {  	[tilespmem:s15], [sflag:$0x1] =	stream.linear.gather @!p0 [spmem:s4], $0x280, $0x38;
	[tilespmem:$0x600] =	vst v63  }
0x64: {  	s14 =	sadd.s32 $0x1, s14;
	_ =	swait.ge @!p0 [sflag:s16], $0x280  }
0x65: {  	p1 =	sne.s32 s14, s7;
	[sflag:s16] =	ssyncset.done @!p0 $0x0  }
.Ltmp1:
0x66: {  	s17 =	simm.s32 @!p0 $0x0;
	[sflag:s16] =	ssyncadd.s32 @!p0 $0xFFFFFD80;
	(pc) =	sbr.rel @p1 .LBB2_1-.Ltmp1, $4  }
0x67: {  	[hbm4b:s5+s17] =	stream.linear.scatter @!p0 [tilespmem:s15], [sflag:$0x1], $0x280, $0x38;
	[tilespmem:$0x600] =	vst v63  }
0x68: {  	_ =	swait.ge @!p0 [sflag:s16], $0x280  }
0x69: {  	[sflag:s16] =	ssyncset.done @!p0 $0x0  }
0x6a: {  	[sflag:s16] =	ssyncadd.s32 @!p0 $0xFFFFFD80  }
0x6b: {  	_ =	sfence.sel $0x180000  }
0x6c: {  	[bflag:$0x0] =	sbarrier.arrive $0xFFFF  }
0x6d: {  	p0 =	sne.s32 s0, $0x0;
	_ =	strace $0x90000047  }
0x6e: {  	s0 =	sadd.s32 @!p0 $0x100000, s1;
	[bflag:$0x2] =	sbarrier.arrive $0xFFFF  }
0x6f: {  	[sflag:s0] =	ssyncadd.tile.s32 @!p0 $0x1;
	_ =	shalt  }
.Lfunc_end2:
_tile_overlayer_lowered:
.L_overlay_start_2:
0x70: {  	(tag) =	ssettag $0x2  }
0x71: {  	s0 =	rddreg [dreg:$0x0];
	s2 =	stileid.u32  }
0x72: {  	s1 =	rddreg [dreg:$0x1];
	p0 =	sne.s32 s2, $0x0  }
0x73: {  	s3 =	rddreg [dreg:$0x2];
	[bflag:$0x3] =	sbarrier.arrive $0xFFFF;
	s2 =	simm.s32 @!p0 $0x1C01  }
0x74: {  	[timem:s3], [sflag:s2] =	dma.local @!p0 [hbm:s0], s1  }
0x75: {  	s0 =	simm.s32 @!p0 $0x1  }
0x76: {  	_ =	swait.ge @!p0 [sflag:s0], s1  }
0x77: {  	s1 =	ssub.s32 @!p0 $0x0, s1;
	[sflag:s0] =	ssyncset.done @!p0 $0x0  }
0x78: {  	[sflag:s0] =	ssyncadd.s32 @!p0 s1  }
0x79: {  	[bflag:$0x3] =	sbarrier.arrive $0xFFFF  }
0x7a: {  	_ =	shalt  }

</sc_bundles>
